<compile_context>
chip_gen: v7x
topology: tpu7x:2x2x1
jax: 0.10.2.dev20260603
libtpu: 0.0.44.dev20260713+nightly
codegen_flags: <defaults>
</compile_context>

<pallas_src>
import jax
import jax.numpy as jnp
from jax import lax
from jax.experimental import pallas as pl
from jax.experimental.pallas import tpu as pltpu
from jax.experimental.pallas import tpu_sc as plsc

N = 320000
EMB = 128
NSEG = 10000
SEG_PAD = 10240
DN_PAD = 12288

NC = 2
NS = 16
NW = NC * NS
LANES = 16

ROWS_PER_TILE = N // NW
CHUNK = 80
NCHUNKS = ROWS_PER_TILE // CHUNK
WB = 32

SEG_PER_TILE = SEG_PAD // NS
OUT_PER_TILE = SEG_PAD // NW
DN_SLICE = DN_PAD // NS
A_CHUNK = 400
A_NCHUNKS = ROWS_PER_TILE // A_CHUNK

TC_BLK = 1024
TC_GRID = (N + TC_BLK - 1) // TC_BLK
E_ROWS = TC_GRID * (TC_BLK // 128)


def _e_body(x_ref, w_ref, b_ref, u_ref, e_ref):
    v = jnp.tanh(
        jnp.dot(x_ref[...], w_ref[...], preferred_element_type=jnp.float32)
        + b_ref[...]
    )
    vu = jnp.sum(v * u_ref[...], axis=1)
    e_ref[...] = jnp.exp(vu).reshape(TC_BLK // 128, 128)


def _compute_e(x, w, b_row, u_row):
    return pl.pallas_call(
        _e_body,
        grid=(TC_GRID,),
        in_specs=[
            pl.BlockSpec((TC_BLK, EMB), lambda i: (i, 0)),
            pl.BlockSpec((EMB, EMB), lambda i: (0, 0)),
            pl.BlockSpec((1, EMB), lambda i: (0, 0)),
            pl.BlockSpec((1, EMB), lambda i: (0, 0)),
        ],
        out_specs=pl.BlockSpec((TC_BLK // 128, 128), lambda i: (i, 0)),
        out_shape=jax.ShapeDtypeStruct((E_ROWS, 128), jnp.float32),
        compiler_params=pltpu.CompilerParams(
            dimension_semantics=("arbitrary",),
        ),
    )(x, w, b_row, u_row)


_MESH = plsc.VectorSubcoreMesh(core_axis_name="c", subcore_axis_name="s")


def _sc1_body(x_hbm, ids_hbm, e_hbm, p_hbm, dpart_hbm,
              shared_p, xbuf, wbuf, zbuf, ebuf, idbuf, dtile):
    c = lax.axis_index("c")
    s = lax.axis_index("s")
    tile = c * NS + s
    row_base = tile * ROWS_PER_TILE
    seg_base = s * SEG_PER_TILE
    z16 = jnp.zeros((LANES,), jnp.float32)

    @pl.loop(0, DN_PAD // LANES)
    def _(r):
        dtile[pl.ds(r * LANES, LANES)] = z16

    @pl.loop(0, WB)
    def _(r):
        for f in range(EMB // LANES):
            zbuf[r, pl.ds(f * LANES, LANES)] = z16

    @pl.loop(0, SEG_PER_TILE // WB)
    def _(k):
        pltpu.sync_copy(zbuf, shared_p.at[pl.ds(seg_base + k * WB, WB)])

    plsc.subcore_barrier()

    @pl.loop(0, NCHUNKS)
    def _(k):
        base = row_base + k * CHUNK
        pltpu.sync_copy(x_hbm.at[pl.ds(base, CHUNK)], xbuf)
        pltpu.sync_copy(e_hbm.at[pl.ds(base, CHUNK)], ebuf.at[pl.ds(0, CHUNK)])
        pltpu.sync_copy(ids_hbm.at[pl.ds(base, CHUNK)], idbuf)
        @pl.loop(0, CHUNK, unroll=8)
        def _(row):
            bvec = plsc.load_gather(
                ebuf, [jnp.full((LANES,), row, jnp.int32)])
            for f in range(EMB // LANES):
                sl = pl.ds(f * LANES, LANES)
                wbuf[row, sl] = xbuf[row, sl] * bvec
        for g in range(CHUNK // LANES):
            sl = pl.ds(g * LANES, LANES)
            plsc.addupdate_scatter(dtile, [idbuf[sl]], ebuf[sl])
        pltpu.sync_copy(wbuf, shared_p.at[idbuf], add=True)

    plsc.subcore_barrier()

    out_off = c * SEG_PAD + seg_base

    @pl.loop(0, SEG_PER_TILE // WB)
    def _(j):
        pltpu.sync_copy(shared_p.at[pl.ds(seg_base + j * WB, WB)],
                        p_hbm.at[pl.ds(out_off + j * WB, WB)])

    pltpu.sync_copy(dtile, dpart_hbm.at[pl.ds(tile * DN_PAD, DN_PAD)])


def _sc1(x, ids, e_flat):
    f = pl.kernel(
        _sc1_body,
        out_type=[
            jax.ShapeDtypeStruct((NC * SEG_PAD, EMB), jnp.float32),
            jax.ShapeDtypeStruct((NW * DN_PAD,), jnp.float32),
        ],
        mesh=_MESH,
        compiler_params=pltpu.CompilerParams(needs_layout_passes=False),
        scratch_types=[
            pltpu.VMEM_SHARED((SEG_PAD, EMB), jnp.float32),
            pltpu.VMEM((CHUNK, EMB), jnp.float32),
            pltpu.VMEM((CHUNK, EMB), jnp.float32),
            pltpu.VMEM((WB, EMB), jnp.float32),
            pltpu.VMEM((128,), jnp.float32),
            pltpu.VMEM((CHUNK,), jnp.int32),
            pltpu.VMEM((DN_PAD,), jnp.float32),
        ],
    )
    return f(x, ids, e_flat)


def _sc2_body(p_hbm, dpart_hbm, e_hbm, ids_hbm, out_hbm, alpha_hbm,
              shared_den, p0buf, p1buf, denbuf, tslice, ebuf, idbuf, abuf):
    c = lax.axis_index("c")
    s = lax.axis_index("s")
    tile = c * NS + s

    dn_base = s * DN_SLICE

    @pl.loop(0, DN_SLICE // LANES)
    def _(j):
        denbuf[pl.ds(dn_base + j * LANES, LANES)] = jnp.zeros(
            (LANES,), jnp.float32)

    @pl.loop(0, NW)
    def _(t):
        pltpu.sync_copy(dpart_hbm.at[pl.ds(t * DN_PAD + dn_base, DN_SLICE)],
                        tslice)
        for j in range(DN_SLICE // LANES):
            sl = pl.ds(j * LANES, LANES)
            dsl = pl.ds(dn_base + j * LANES, LANES)
            denbuf[dsl] = denbuf[dsl] + tslice[sl]

    pltpu.sync_copy(denbuf.at[pl.ds(dn_base, DN_SLICE)],
                    shared_den.at[pl.ds(dn_base, DN_SLICE)])
    plsc.subcore_barrier()
    pltpu.sync_copy(shared_den, denbuf)

    out_base = tile * OUT_PER_TILE
    pltpu.sync_copy(p_hbm.at[pl.ds(out_base, OUT_PER_TILE)], p0buf)
    pltpu.sync_copy(p_hbm.at[pl.ds(SEG_PAD + out_base, OUT_PER_TILE)], p1buf)

    @pl.loop(0, OUT_PER_TILE)
    def _(r):
        dvec = plsc.load_gather(
            denbuf, [jnp.full((LANES,), out_base, jnp.int32) + r])
        inv = 1.0 / jnp.where(dvec > 0.0, dvec, 1.0)
        for f in range(EMB // LANES):
            sl = pl.ds(f * LANES, LANES)
            p0buf[r, sl] = (p0buf[r, sl] + p1buf[r, sl]) * inv

    pltpu.sync_copy(p0buf, out_hbm.at[pl.ds(out_base, OUT_PER_TILE)])

    row_base = tile * ROWS_PER_TILE

    @pl.loop(0, A_NCHUNKS)
    def _(k):
        base = row_base + k * A_CHUNK
        pltpu.sync_copy(e_hbm.at[pl.ds(base, A_CHUNK)], ebuf)
        pltpu.sync_copy(ids_hbm.at[pl.ds(base, A_CHUNK)], idbuf)
        for g in range(A_CHUNK // LANES):
            sl = pl.ds(g * LANES, LANES)
            dvec = plsc.load_gather(denbuf, [idbuf[sl]])
            abuf[sl] = ebuf[sl] / dvec
        pltpu.sync_copy(abuf, alpha_hbm.at[pl.ds(base, A_CHUNK)])


def _sc2(p, dpart, e_flat, ids):
    f = pl.kernel(
        _sc2_body,
        out_type=[
            jax.ShapeDtypeStruct((SEG_PAD, EMB), jnp.float32),
            jax.ShapeDtypeStruct((N,), jnp.float32),
        ],
        mesh=_MESH,
        compiler_params=pltpu.CompilerParams(needs_layout_passes=False),
        scratch_types=[
            pltpu.VMEM_SHARED((DN_PAD,), jnp.float32),
            pltpu.VMEM((OUT_PER_TILE, EMB), jnp.float32),
            pltpu.VMEM((OUT_PER_TILE, EMB), jnp.float32),
            pltpu.VMEM((DN_PAD,), jnp.float32),
            pltpu.VMEM((DN_SLICE,), jnp.float32),
            pltpu.VMEM((A_CHUNK,), jnp.float32),
            pltpu.VMEM((A_CHUNK,), jnp.int32),
            pltpu.VMEM((A_CHUNK,), jnp.float32),
        ],
    )
    return f(p, dpart, e_flat, ids)


@jax.jit
def kernel(x, type_batch_idx, w_omega, b_omega, u_omega):
    b_row = b_omega.reshape(1, EMB)
    u_row = u_omega.reshape(1, EMB)
    e2d = _compute_e(x, w_omega, b_row, u_row)
    e_flat = e2d.reshape(E_ROWS * 128)
    p, dpart = _sc1(x, type_batch_idx, e_flat)
    out_pad, alphas = _sc2(p, dpart, e_flat, type_batch_idx)
    return out_pad[:NSEG], alphas.reshape(N, 1)

# --- scband reference (transcript-rebuilt; emitter-appended) ---
"""Pipeline reference for scband-attention-scatter-51196010168975 (READ-ONLY COPY).

The authoritative reference and input builder live on the scoring server;
editing this copy changes nothing except your own understanding.
"""

import jax, jax.numpy as jnp
import numpy as np
import math

N = 320000
EMB_DIM = 128
NUM_SEGMENTS = 10000

def setup_inputs(seed: int = 0) -> dict:
    key = jax.random.key(seed)
    k1, k2, k3, k4 = jax.random.split(key, 4)
    x = jax.random.normal(k1, (N, EMB_DIM), dtype=jnp.float32)
    type_batch_idx = jnp.sort(jax.random.randint(k2, (N,), 0, NUM_SEGMENTS, dtype=jnp.int32))
    # xavier_uniform init to match the torch module
    limit_w = math.sqrt(6.0 / (EMB_DIM + EMB_DIM))
    w_omega = jax.random.uniform(k3, (EMB_DIM, EMB_DIM), dtype=jnp.float32, minval=-limit_w, maxval=limit_w)
    b_omega = jnp.zeros((EMB_DIM,), dtype=jnp.float32)
    limit_u = math.sqrt(6.0 / (EMB_DIM + 1))
    u_omega = jax.random.uniform(k4, (EMB_DIM, 1), dtype=jnp.float32, minval=-limit_u, maxval=limit_u)
    return {"x": x, "type_batch_idx": type_batch_idx, "w_omega": w_omega, "b_omega": b_omega, "u_omega": u_omega}

def reference(x, type_batch_idx, w_omega, b_omega, u_omega):
    v = jnp.tanh(jnp.matmul(x, w_omega) + b_omega)
    vu = jnp.matmul(v, u_omega).reshape(-1)
    # segment softmax over type_batch_idx
    seg_max = jax.ops.segment_max(vu, type_batch_idx, num_segments=NUM_SEGMENTS)
    seg_max = jnp.where(jnp.isfinite(seg_max), seg_max, 0.0)
    e = jnp.exp(vu - seg_max[type_batch_idx])
    denom = jax.ops.segment_sum(e, type_batch_idx, num_segments=NUM_SEGMENTS)
    denom_safe = jnp.where(denom > 0, denom, 1.0)
    alphas = (e / denom_safe[type_batch_idx]).reshape(-1, 1)
    # scatter_add of weighted features by segment id
    output = jax.ops.segment_sum(x * alphas, type_batch_idx, num_segments=NUM_SEGMENTS)
    return (output, alphas)

if __name__ == "__main__":
    import jax
    _d = setup_inputs()
    print(jax.jit(kernel)(*tuple(_d.values())))

</pallas_src>

<mosaic_0001>
#map = affine_map<(d0, d1) -> (0, 0)>
#map1 = affine_map<(d0, d1) -> (0)>
module attributes {stable_mosaic.version = 14 : i64} {
  func.func @_sc2_body(%arg0: i32, %arg1: i32, %arg2: memref<20480x128xf32, #tpu.memory_space<hbm>>, %arg3: memref<393216xf32, #tpu.memory_space<hbm>>, %arg4: memref<320512xf32, #tpu.memory_space<hbm>>, %arg5: memref<320000xi32, #tpu.memory_space<hbm>>, %arg6: memref<10240x128xf32, #tpu.memory_space<hbm>>, %arg7: memref<320000xf32, #tpu.memory_space<hbm>>, %arg8: memref<12288xf32, #tpu.memory_space<vmem_shared>>, %arg9: memref<320x128xf32, #tpu.memory_space<vmem>>, %arg10: memref<320x128xf32, #tpu.memory_space<vmem>>, %arg11: memref<12288xf32, #tpu.memory_space<vmem>>, %arg12: memref<768xf32, #tpu.memory_space<vmem>>, %arg13: memref<400xf32, #tpu.memory_space<vmem>>, %arg14: memref<400xi32, #tpu.memory_space<vmem>>, %arg15: memref<400xf32, #tpu.memory_space<vmem>>) attributes {dimension_semantics = [#tpu.dimension_semantics<core_parallel>, #tpu.dimension_semantics<subcore_parallel>], iteration_bounds = array<i64: 2, 16>, scalar_prefetch = 0 : i64, scratch_operands = 8 : i64, tpu.core_type = #tpu.core_type<sc_vector_subcore>, window_params = [{transform_indices = #map}, {transform_indices = #map1}, {transform_indices = #map1}, {transform_indices = #map1}, {transform_indices = #map}, {transform_indices = #map1}]} {
    %mul3A = arith.constant 16 : i32
    %mul3A_0 = arith.muli %arg0, %mul3A : i32
    %add3A = arith.addi %mul3A_0, %arg1 : i32
    %mul3A_1 = arith.constant 768 : i32
    %mul3A_2 = arith.muli %arg1, %mul3A_1 : i32
    %scan3A = arith.constant 0 : i32
    %scan3A_3 = arith.constant 48 : i32
    %scan3A_4 = arith.addi %scan3A, %scan3A_3 : i32
    %scan3A_5 = arith.constant 1 : i32
    scf.for %scan3A_28 = %scan3A to %scan3A_4 step %scan3A_5  : i32 {
      %mul3A_29 = arith.constant 1 : i32
      %mul3A_30 = arith.muli %scan3A_28, %mul3A_29 : i32
      %add3A_31 = arith.constant 0 : i32
      %add3A_32 = arith.addi %add3A_31, %mul3A_30 : i32
      %broadcast_in_dim3A = arith.constant 0.000000e+00 : f32
      %broadcast_in_dim3A_33 = vector.broadcast %broadcast_in_dim3A : f32 to vector<16xf32>
      %mul3A_34 = arith.constant 16 : i32
      %mul3A_35 = arith.muli %add3A_32, %mul3A_34 : i32
      %add3A_36 = arith.addi %mul3A_2, %mul3A_35 : i32
      %swap3A = arith.index_cast %add3A_36 : i32 to index
      %swap3A_37 = tpu.vector_load %arg11[%swap3A] {strides = array<i32>} : memref<12288xf32, #tpu.memory_space<vmem>>, vector<16xf32>,
      tpu.vector_store %arg11[%swap3A], %broadcast_in_dim3A_33 {strides = array<i32>} : memref<12288xf32, #tpu.memory_space<vmem>>, vector<16xf32>,
    }
    %scan3A_6 = arith.constant 48 : i32
    %scan3A_7 = arith.constant 0 : i32
    %scan3A_8 = arith.constant 32 : i32
    %scan3A_9 = arith.addi %scan3A_7, %scan3A_8 : i32
    %scan3A_10 = arith.constant 1 : i32
    scf.for %scan3A_28 = %scan3A_7 to %scan3A_9 step %scan3A_10  : i32 {
      %mul3A_29 = arith.constant 1 : i32
      %mul3A_30 = arith.muli %scan3A_28, %mul3A_29 : i32
      %add3A_31 = arith.constant 0 : i32
      %add3A_32 = arith.addi %add3A_31, %mul3A_30 : i32
      %mul3A_33 = arith.constant 12288 : i32
      %mul3A_34 = arith.muli %add3A_32, %mul3A_33 : i32
      %add3A_35 = arith.addi %mul3A_34, %mul3A_2 : i32
      "tpu.region"() ({
        %run_scoped3A = tpu.sem_alloc : memref<!tpu.dma_semaphore, #tpu.memory_space<semaphore_mem>>
        %dma_start3A = tpu.memref_slice %arg3[%add3A_35] : memref<393216xf32, #tpu.memory_space<hbm>> -> memref<768xf32, #tpu.memory_space<hbm>>
        %dma_start3A_466 = tpu.memref_slice %arg3[%add3A_35] : memref<393216xf32, #tpu.memory_space<hbm>> -> memref<768xf32, #tpu.memory_space<hbm>>
        tpu.enqueue_dma source(%dma_start3A_466 : memref<768xf32, #tpu.memory_space<hbm>>) target(%arg12 : memref<768xf32, #tpu.memory_space<vmem>>) target_semaphore(%run_scoped3A : memref<!tpu.dma_semaphore, #tpu.memory_space<semaphore_mem>>)
        %dma_wait3A = tpu.memref_slice %arg3[%add3A_35] : memref<393216xf32, #tpu.memory_space<hbm>> -> memref<768xf32, #tpu.memory_space<hbm>>
        %dma_wait3A_467 = tpu.memref_slice %arg3[%add3A_35] : memref<393216xf32, #tpu.memory_space<hbm>> -> memref<768xf32, #tpu.memory_space<hbm>>
        tpu.wait_dma2 semaphore(%run_scoped3A : memref<!tpu.dma_semaphore, #tpu.memory_space<semaphore_mem>>) src(%dma_wait3A_467 : memref<768xf32, #tpu.memory_space<hbm>>) dst(%arg12 : memref<768xf32, #tpu.memory_space<vmem>>)
        tpu.yield
      }) : () -> ()
      %add3A_36 = arith.constant 0 : i32
      %add3A_37 = arith.addi %mul3A_2, %add3A_36 : i32
      %get3A = arith.index_cast %add3A_37 : i32 to index
      %get3A_38 = tpu.vector_load %arg11[%get3A] {strides = array<i32>} : memref<12288xf32, #tpu.memory_space<vmem>>, vector<16xf32>,
      %get3A_39 = arith.constant 0 : index
      %get3A_40 = tpu.vector_load %arg12[%get3A_39] {strides = array<i32>} : memref<768xf32, #tpu.memory_space<vmem>>, vector<16xf32>,
      %add3A_41 = arith.addf %get3A_38, %get3A_40 : vector<16xf32>
      %swap3A = arith.index_cast %add3A_37 : i32 to index
      %swap3A_42 = tpu.vector_load %arg11[%swap3A] {strides = array<i32>} : memref<12288xf32, #tpu.memory_space<vmem>>, vector<16xf32>,
      tpu.vector_store %arg11[%swap3A], %add3A_41 {strides = array<i32>} : memref<12288xf32, #tpu.memory_space<vmem>>, vector<16xf32>,
      %add3A_43 = arith.constant 16 : i32
      %add3A_44 = arith.addi %mul3A_2, %add3A_43 : i32
      %get3A_45 = arith.index_cast %add3A_44 : i32 to index
      %get3A_46 = tpu.vector_load %arg11[%get3A_45] {strides = array<i32>} : memref<12288xf32, #tpu.memory_space<vmem>>, vector<16xf32>,
      %get3A_47 = arith.constant 16 : index
      %get3A_48 = tpu.vector_load %arg12[%get3A_47] {strides = array<i32>} : memref<768xf32, #tpu.memory_space<vmem>>, vector<16xf32>,
      %add3A_49 = arith.addf %get3A_46, %get3A_48 : vector<16xf32>
      %swap3A_50 = arith.index_cast %add3A_44 : i32 to index
      %swap3A_51 = tpu.vector_load %arg11[%swap3A_50] {strides = array<i32>} : memref<12288xf32, #tpu.memory_space<vmem>>, vector<16xf32>,
      tpu.vector_store %arg11[%swap3A_50], %add3A_49 {strides = array<i32>} : memref<12288xf32, #tpu.memory_space<vmem>>, vector<16xf32>,
      %add3A_52 = arith.constant 32 : i32
      %add3A_53 = arith.addi %mul3A_2, %add3A_52 : i32
      %get3A_54 = arith.index_cast %add3A_53 : i32 to index
      %get3A_55 = tpu.vector_load %arg11[%get3A_54] {strides = array<i32>} : memref<12288xf32, #tpu.memory_space<vmem>>, vector<16xf32>,
      %get3A_56 = arith.constant 32 : index
      %get3A_57 = tpu.vector_load %arg12[%get3A_56] {strides = array<i32>} : memref<768xf32, #tpu.memory_space<vmem>>, vector<16xf32>,
      %add3A_58 = arith.addf %get3A_55, %get3A_57 : vector<16xf32>
      %swap3A_59 = arith.index_cast %add3A_53 : i32 to index
      %swap3A_60 = tpu.vector_load %arg11[%swap3A_59] {strides = array<i32>} : memref<12288xf32, #tpu.memory_space<vmem>>, vector<16xf32>,
      tpu.vector_store %arg11[%swap3A_59], %add3A_58 {strides = array<i32>} : memref<12288xf32, #tpu.memory_space<vmem>>, vector<16xf32>,
      %add3A_61 = arith.constant 48 : i32
      %add3A_62 = arith.addi %mul3A_2, %add3A_61 : i32
      %get3A_63 = arith.index_cast %add3A_62 : i32 to index
      %get3A_64 = tpu.vector_load %arg11[%get3A_63] {strides = array<i32>} : memref<12288xf32, #tpu.memory_space<vmem>>, vector<16xf32>,
      %get3A_65 = arith.constant 48 : index
      %get3A_66 = tpu.vector_load %arg12[%get3A_65] {strides = array<i32>} : memref<768xf32, #tpu.memory_space<vmem>>, vector<16xf32>,
      %add3A_67 = arith.addf %get3A_64, %get3A_66 : vector<16xf32>
      %swap3A_68 = arith.index_cast %add3A_62 : i32 to index
      %swap3A_69 = tpu.vector_load %arg11[%swap3A_68] {strides = array<i32>} : memref<12288xf32, #tpu.memory_space<vmem>>, vector<16xf32>,
      tpu.vector_store %arg11[%swap3A_68], %add3A_67 {strides = array<i32>} : memref<12288xf32, #tpu.memory_space<vmem>>, vector<16xf32>,
      %add3A_70 = arith.constant 64 : i32
      %add3A_71 = arith.addi %mul3A_2, %add3A_70 : i32
      %get3A_72 = arith.index_cast %add3A_71 : i32 to index
      %get3A_73 = tpu.vector_load %arg11[%get3A_72] {strides = array<i32>} : memref<12288xf32, #tpu.memory_space<vmem>>, vector<16xf32>,
      %get3A_74 = arith.constant 64 : index
      %get3A_75 = tpu.vector_load %arg12[%get3A_74] {strides = array<i32>} : memref<768xf32, #tpu.memory_space<vmem>>, vector<16xf32>,
      %add3A_76 = arith.addf %get3A_73, %get3A_75 : vector<16xf32>
      %swap3A_77 = arith.index_cast %add3A_71 : i32 to index
      %swap3A_78 = tpu.vector_load %arg11[%swap3A_77] {strides = array<i32>} : memref<12288xf32, #tpu.memory_space<vmem>>, vector<16xf32>,
      tpu.vector_store %arg11[%swap3A_77], %add3A_76 {strides = array<i32>} : memref<12288xf32, #tpu.memory_space<vmem>>, vector<16xf32>,
      %add3A_79 = arith.constant 80 : i32
      %add3A_80 = arith.addi %mul3A_2, %add3A_79 : i32
      %get3A_81 = arith.index_cast %add3A_80 : i32 to index
      %get3A_82 = tpu.vector_load %arg11[%get3A_81] {strides = array<i32>} : memref<12288xf32, #tpu.memory_space<vmem>>, vector<16xf32>,
      %get3A_83 = arith.constant 80 : index
      %get3A_84 = tpu.vector_load %arg12[%get3A_83] {strides = array<i32>} : memref<768xf32, #tpu.memory_space<vmem>>, vector<16xf32>,
      %add3A_85 = arith.addf %get3A_82, %get3A_84 : vector<16xf32>
      %swap3A_86 = arith.index_cast %add3A_80 : i32 to index
      %swap3A_87 = tpu.vector_load %arg11[%swap3A_86] {strides = array<i32>} : memref<12288xf32, #tpu.memory_space<vmem>>, vector<16xf32>,
      tpu.vector_store %arg11[%swap3A_86], %add3A_85 {strides = array<i32>} : memref<12288xf32, #tpu.memory_space<vmem>>, vector<16xf32>,
      %add3A_88 = arith.constant 96 : i32
      %add3A_89 = arith.addi %mul3A_2, %add3A_88 : i32
      %get3A_90 = arith.index_cast %add3A_89 : i32 to index
      %get3A_91 = tpu.vector_load %arg11[%get3A_90] {strides = array<i32>} : memref<12288xf32, #tpu.memory_space<vmem>>, vector<16xf32>,
      %get3A_92 = arith.constant 96 : index
      %get3A_93 = tpu.vector_load %arg12[%get3A_92] {strides = array<i32>} : memref<768xf32, #tpu.memory_space<vmem>>, vector<16xf32>,
      %add3A_94 = arith.addf %get3A_91, %get3A_93 : vector<16xf32>
      %swap3A_95 = arith.index_cast %add3A_89 : i32 to index
      %swap3A_96 = tpu.vector_load %arg11[%swap3A_95] {strides = array<i32>} : memref<12288xf32, #tpu.memory_space<vmem>>, vector<16xf32>,
      tpu.vector_store %arg11[%swap3A_95], %add3A_94 {strides = array<i32>} : memref<12288xf32, #tpu.memory_space<vmem>>, vector<16xf32>,
      %add3A_97 = arith.constant 112 : i32
      %add3A_98 = arith.addi %mul3A_2, %add3A_97 : i32
      %get3A_99 = arith.index_cast %add3A_98 : i32 to index
      %get3A_100 = tpu.vector_load %arg11[%get3A_99] {strides = array<i32>} : memref<12288xf32, #tpu.memory_space<vmem>>, vector<16xf32>,
      %get3A_101 = arith.constant 112 : index
      %get3A_102 = tpu.vector_load %arg12[%get3A_101] {strides = array<i32>} : memref<768xf32, #tpu.memory_space<vmem>>, vector<16xf32>,
      %add3A_103 = arith.addf %get3A_100, %get3A_102 : vector<16xf32>
      %swap3A_104 = arith.index_cast %add3A_98 : i32 to index
      %swap3A_105 = tpu.vector_load %arg11[%swap3A_104] {strides = array<i32>} : memref<12288xf32, #tpu.memory_space<vmem>>, vector<16xf32>,
      tpu.vector_store %arg11[%swap3A_104], %add3A_103 {strides = array<i32>} : memref<12288xf32, #tpu.memory_space<vmem>>, vector<16xf32>,
      %add3A_106 = arith.constant 128 : i32
      %add3A_107 = arith.addi %mul3A_2, %add3A_106 : i32
      %get3A_108 = arith.index_cast %add3A_107 : i32 to index
      %get3A_109 = tpu.vector_load %arg11[%get3A_108] {strides = array<i32>} : memref<12288xf32, #tpu.memory_space<vmem>>, vector<16xf32>,
      %get3A_110 = arith.constant 128 : index
      %get3A_111 = tpu.vector_load %arg12[%get3A_110] {strides = array<i32>} : memref<768xf32, #tpu.memory_space<vmem>>, vector<16xf32>,
      %add3A_112 = arith.addf %get3A_109, %get3A_111 : vector<16xf32>
      %swap3A_113 = arith.index_cast %add3A_107 : i32 to index
      %swap3A_114 = tpu.vector_load %arg11[%swap3A_113] {strides = array<i32>} : memref<12288xf32, #tpu.memory_space<vmem>>, vector<16xf32>,
      tpu.vector_store %arg11[%swap3A_113], %add3A_112 {strides = array<i32>} : memref<12288xf32, #tpu.memory_space<vmem>>, vector<16xf32>,
      %add3A_115 = arith.constant 144 : i32
      %add3A_116 = arith.addi %mul3A_2, %add3A_115 : i32
      %get3A_117 = arith.index_cast %add3A_116 : i32 to index
      %get3A_118 = tpu.vector_load %arg11[%get3A_117] {strides = array<i32>} : memref<12288xf32, #tpu.memory_space<vmem>>, vector<16xf32>,
      %get3A_119 = arith.constant 144 : index
      %get3A_120 = tpu.vector_load %arg12[%get3A_119] {strides = array<i32>} : memref<768xf32, #tpu.memory_space<vmem>>, vector<16xf32>,
      %add3A_121 = arith.addf %get3A_118, %get3A_120 : vector<16xf32>
      %swap3A_122 = arith.index_cast %add3A_116 : i32 to index
      %swap3A_123 = tpu.vector_load %arg11[%swap3A_122] {strides = array<i32>} : memref<12288xf32, #tpu.memory_space<vmem>>, vector<16xf32>,
      tpu.vector_store %arg11[%swap3A_122], %add3A_121 {strides = array<i32>} : memref<12288xf32, #tpu.memory_space<vmem>>, vector<16xf32>,
      %add3A_124 = arith.constant 160 : i32
      %add3A_125 = arith.addi %mul3A_2, %add3A_124 : i32
      %get3A_126 = arith.index_cast %add3A_125 : i32 to index
      %get3A_127 = tpu.vector_load %arg11[%get3A_126] {strides = array<i32>} : memref<12288xf32, #tpu.memory_space<vmem>>, vector<16xf32>,
      %get3A_128 = arith.constant 160 : index
      %get3A_129 = tpu.vector_load %arg12[%get3A_128] {strides = array<i32>} : memref<768xf32, #tpu.memory_space<vmem>>, vector<16xf32>,
      %add3A_130 = arith.addf %get3A_127, %get3A_129 : vector<16xf32>
      %swap3A_131 = arith.index_cast %add3A_125 : i32 to index
      %swap3A_132 = tpu.vector_load %arg11[%swap3A_131] {strides = array<i32>} : memref<12288xf32, #tpu.memory_space<vmem>>, vector<16xf32>,
      tpu.vector_store %arg11[%swap3A_131], %add3A_130 {strides = array<i32>} : memref<12288xf32, #tpu.memory_space<vmem>>, vector<16xf32>,
      %add3A_133 = arith.constant 176 : i32
      %add3A_134 = arith.addi %mul3A_2, %add3A_133 : i32
      %get3A_135 = arith.index_cast %add3A_134 : i32 to index
      %get3A_136 = tpu.vector_load %arg11[%get3A_135] {strides = array<i32>} : memref<12288xf32, #tpu.memory_space<vmem>>, vector<16xf32>,
      %get3A_137 = arith.constant 176 : index
      %get3A_138 = tpu.vector_load %arg12[%get3A_137] {strides = array<i32>} : memref<768xf32, #tpu.memory_space<vmem>>, vector<16xf32>,
      %add3A_139 = arith.addf %get3A_136, %get3A_138 : vector<16xf32>
      %swap3A_140 = arith.index_cast %add3A_134 : i32 to index
      %swap3A_141 = tpu.vector_load %arg11[%swap3A_140] {strides = array<i32>} : memref<12288xf32, #tpu.memory_space<vmem>>, vector<16xf32>,
      tpu.vector_store %arg11[%swap3A_140], %add3A_139 {strides = array<i32>} : memref<12288xf32, #tpu.memory_space<vmem>>, vector<16xf32>,
      %add3A_142 = arith.constant 192 : i32
      %add3A_143 = arith.addi %mul3A_2, %add3A_142 : i32
      %get3A_144 = arith.index_cast %add3A_143 : i32 to index
      %get3A_145 = tpu.vector_load %arg11[%get3A_144] {strides = array<i32>} : memref<12288xf32, #tpu.memory_space<vmem>>, vector<16xf32>,
      %get3A_146 = arith.constant 192 : index
      %get3A_147 = tpu.vector_load %arg12[%get3A_146] {strides = array<i32>} : memref<768xf32, #tpu.memory_space<vmem>>, vector<16xf32>,
      %add3A_148 = arith.addf %get3A_145, %get3A_147 : vector<16xf32>
      %swap3A_149 = arith.index_cast %add3A_143 : i32 to index
      %swap3A_150 = tpu.vector_load %arg11[%swap3A_149] {strides = array<i32>} : memref<12288xf32, #tpu.memory_space<vmem>>, vector<16xf32>,
      tpu.vector_store %arg11[%swap3A_149], %add3A_148 {strides = array<i32>} : memref<12288xf32, #tpu.memory_space<vmem>>, vector<16xf32>,
      %add3A_151 = arith.constant 208 : i32
      %add3A_152 = arith.addi %mul3A_2, %add3A_151 : i32
      %get3A_153 = arith.index_cast %add3A_152 : i32 to index
      %get3A_154 = tpu.vector_load %arg11[%get3A_153] {strides = array<i32>} : memref<12288xf32, #tpu.memory_space<vmem>>, vector<16xf32>,
      %get3A_155 = arith.constant 208 : index
      %get3A_156 = tpu.vector_load %arg12[%get3A_155] {strides = array<i32>} : memref<768xf32, #tpu.memory_space<vmem>>, vector<16xf32>,
      %add3A_157 = arith.addf %get3A_154, %get3A_156 : vector<16xf32>
      %swap3A_158 = arith.index_cast %add3A_152 : i32 to index
      %swap3A_159 = tpu.vector_load %arg11[%swap3A_158] {strides = array<i32>} : memref<12288xf32, #tpu.memory_space<vmem>>, vector<16xf32>,
      tpu.vector_store %arg11[%swap3A_158], %add3A_157 {strides = array<i32>} : memref<12288xf32, #tpu.memory_space<vmem>>, vector<16xf32>,
      %add3A_160 = arith.constant 224 : i32
      %add3A_161 = arith.addi %mul3A_2, %add3A_160 : i32
      %get3A_162 = arith.index_cast %add3A_161 : i32 to index
      %get3A_163 = tpu.vector_load %arg11[%get3A_162] {strides = array<i32>} : memref<12288xf32, #tpu.memory_space<vmem>>, vector<16xf32>,
      %get3A_164 = arith.constant 224 : index
      %get3A_165 = tpu.vector_load %arg12[%get3A_164] {strides = array<i32>} : memref<768xf32, #tpu.memory_space<vmem>>, vector<16xf32>,
      %add3A_166 = arith.addf %get3A_163, %get3A_165 : vector<16xf32>
      %swap3A_167 = arith.index_cast %add3A_161 : i32 to index
      %swap3A_168 = tpu.vector_load %arg11[%swap3A_167] {strides = array<i32>} : memref<12288xf32, #tpu.memory_space<vmem>>, vector<16xf32>,
      tpu.vector_store %arg11[%swap3A_167], %add3A_166 {strides = array<i32>} : memref<12288xf32, #tpu.memory_space<vmem>>, vector<16xf32>,
      %add3A_169 = arith.constant 240 : i32
      %add3A_170 = arith.addi %mul3A_2, %add3A_169 : i32
      %get3A_171 = arith.index_cast %add3A_170 : i32 to index
      %get3A_172 = tpu.vector_load %arg11[%get3A_171] {strides = array<i32>} : memref<12288xf32, #tpu.memory_space<vmem>>, vector<16xf32>,
      %get3A_173 = arith.constant 240 : index
      %get3A_174 = tpu.vector_load %arg12[%get3A_173] {strides = array<i32>} : memref<768xf32, #tpu.memory_space<vmem>>, vector<16xf32>,
      %add3A_175 = arith.addf %get3A_172, %get3A_174 : vector<16xf32>
      %swap3A_176 = arith.index_cast %add3A_170 : i32 to index
      %swap3A_177 = tpu.vector_load %arg11[%swap3A_176] {strides = array<i32>} : memref<12288xf32, #tpu.memory_space<vmem>>, vector<16xf32>,
      tpu.vector_store %arg11[%swap3A_176], %add3A_175 {strides = array<i32>} : memref<12288xf32, #tpu.memory_space<vmem>>, vector<16xf32>,
      %add3A_178 = arith.constant 256 : i32
      %add3A_179 = arith.addi %mul3A_2, %add3A_178 : i32
      %get3A_180 = arith.index_cast %add3A_179 : i32 to index
      %get3A_181 = tpu.vector_load %arg11[%get3A_180] {strides = array<i32>} : memref<12288xf32, #tpu.memory_space<vmem>>, vector<16xf32>,
      %get3A_182 = arith.constant 256 : index
      %get3A_183 = tpu.vector_load %arg12[%get3A_182] {strides = array<i32>} : memref<768xf32, #tpu.memory_space<vmem>>, vector<16xf32>,
      %add3A_184 = arith.addf %get3A_181, %get3A_183 : vector<16xf32>
      %swap3A_185 = arith.index_cast %add3A_179 : i32 to index
      %swap3A_186 = tpu.vector_load %arg11[%swap3A_185] {strides = array<i32>} : memref<12288xf32, #tpu.memory_space<vmem>>, vector<16xf32>,
      tpu.vector_store %arg11[%swap3A_185], %add3A_184 {strides = array<i32>} : memref<12288xf32, #tpu.memory_space<vmem>>, vector<16xf32>,
      %add3A_187 = arith.constant 272 : i32
      %add3A_188 = arith.addi %mul3A_2, %add3A_187 : i32
      %get3A_189 = arith.index_cast %add3A_188 : i32 to index
      %get3A_190 = tpu.vector_load %arg11[%get3A_189] {strides = array<i32>} : memref<12288xf32, #tpu.memory_space<vmem>>, vector<16xf32>,
      %get3A_191 = arith.constant 272 : index
      %get3A_192 = tpu.vector_load %arg12[%get3A_191] {strides = array<i32>} : memref<768xf32, #tpu.memory_space<vmem>>, vector<16xf32>,
      %add3A_193 = arith.addf %get3A_190, %get3A_192 : vector<16xf32>
      %swap3A_194 = arith.index_cast %add3A_188 : i32 to index
      %swap3A_195 = tpu.vector_load %arg11[%swap3A_194] {strides = array<i32>} : memref<12288xf32, #tpu.memory_space<vmem>>, vector<16xf32>,
      tpu.vector_store %arg11[%swap3A_194], %add3A_193 {strides = array<i32>} : memref<12288xf32, #tpu.memory_space<vmem>>, vector<16xf32>,
      %add3A_196 = arith.constant 288 : i32
      %add3A_197 = arith.addi %mul3A_2, %add3A_196 : i32
      %get3A_198 = arith.index_cast %add3A_197 : i32 to index
      %get3A_199 = tpu.vector_load %arg11[%get3A_198] {strides = array<i32>} : memref<12288xf32, #tpu.memory_space<vmem>>, vector<16xf32>,
      %get3A_200 = arith.constant 288 : index
      %get3A_201 = tpu.vector_load %arg12[%get3A_200] {strides = array<i32>} : memref<768xf32, #tpu.memory_space<vmem>>, vector<16xf32>,
      %add3A_202 = arith.addf %get3A_199, %get3A_201 : vector<16xf32>
      %swap3A_203 = arith.index_cast %add3A_197 : i32 to index
      %swap3A_204 = tpu.vector_load %arg11[%swap3A_203] {strides = array<i32>} : memref<12288xf32, #tpu.memory_space<vmem>>, vector<16xf32>,
      tpu.vector_store %arg11[%swap3A_203], %add3A_202 {strides = array<i32>} : memref<12288xf32, #tpu.memory_space<vmem>>, vector<16xf32>,
      %add3A_205 = arith.constant 304 : i32
      %add3A_206 = arith.addi %mul3A_2, %add3A_205 : i32
      %get3A_207 = arith.index_cast %add3A_206 : i32 to index
      %get3A_208 = tpu.vector_load %arg11[%get3A_207] {strides = array<i32>} : memref<12288xf32, #tpu.memory_space<vmem>>, vector<16xf32>,
      %get3A_209 = arith.constant 304 : index
      %get3A_210 = tpu.vector_load %arg12[%get3A_209] {strides = array<i32>} : memref<768xf32, #tpu.memory_space<vmem>>, vector<16xf32>,
      %add3A_211 = arith.addf %get3A_208, %get3A_210 : vector<16xf32>
      %swap3A_212 = arith.index_cast %add3A_206 : i32 to index
      %swap3A_213 = tpu.vector_load %arg11[%swap3A_212] {strides = array<i32>} : memref<12288xf32, #tpu.memory_space<vmem>>, vector<16xf32>,
      tpu.vector_store %arg11[%swap3A_212], %add3A_211 {strides = array<i32>} : memref<12288xf32, #tpu.memory_space<vmem>>, vector<16xf32>,
      %add3A_214 = arith.constant 320 : i32
      %add3A_215 = arith.addi %mul3A_2, %add3A_214 : i32
      %get3A_216 = arith.index_cast %add3A_215 : i32 to index
      %get3A_217 = tpu.vector_load %arg11[%get3A_216] {strides = array<i32>} : memref<12288xf32, #tpu.memory_space<vmem>>, vector<16xf32>,
      %get3A_218 = arith.constant 320 : index
      %get3A_219 = tpu.vector_load %arg12[%get3A_218] {strides = array<i32>} : memref<768xf32, #tpu.memory_space<vmem>>, vector<16xf32>,
      %add3A_220 = arith.addf %get3A_217, %get3A_219 : vector<16xf32>
      %swap3A_221 = arith.index_cast %add3A_215 : i32 to index
      %swap3A_222 = tpu.vector_load %arg11[%swap3A_221] {strides = array<i32>} : memref<12288xf32, #tpu.memory_space<vmem>>, vector<16xf32>,
      tpu.vector_store %arg11[%swap3A_221], %add3A_220 {strides = array<i32>} : memref<12288xf32, #tpu.memory_space<vmem>>, vector<16xf32>,
      %add3A_223 = arith.constant 336 : i32
      %add3A_224 = arith.addi %mul3A_2, %add3A_223 : i32
      %get3A_225 = arith.index_cast %add3A_224 : i32 to index
      %get3A_226 = tpu.vector_load %arg11[%get3A_225] {strides = array<i32>} : memref<12288xf32, #tpu.memory_space<vmem>>, vector<16xf32>,
      %get3A_227 = arith.constant 336 : index
      %get3A_228 = tpu.vector_load %arg12[%get3A_227] {strides = array<i32>} : memref<768xf32, #tpu.memory_space<vmem>>, vector<16xf32>,
      %add3A_229 = arith.addf %get3A_226, %get3A_228 : vector<16xf32>
      %swap3A_230 = arith.index_cast %add3A_224 : i32 to index
      %swap3A_231 = tpu.vector_load %arg11[%swap3A_230] {strides = array<i32>} : memref<12288xf32, #tpu.memory_space<vmem>>, vector<16xf32>,
      tpu.vector_store %arg11[%swap3A_230], %add3A_229 {strides = array<i32>} : memref<12288xf32, #tpu.memory_space<vmem>>, vector<16xf32>,
      %add3A_232 = arith.constant 352 : i32
      %add3A_233 = arith.addi %mul3A_2, %add3A_232 : i32
      %get3A_234 = arith.index_cast %add3A_233 : i32 to index
      %get3A_235 = tpu.vector_load %arg11[%get3A_234] {strides = array<i32>} : memref<12288xf32, #tpu.memory_space<vmem>>, vector<16xf32>,
      %get3A_236 = arith.constant 352 : index
      %get3A_237 = tpu.vector_load %arg12[%get3A_236] {strides = array<i32>} : memref<768xf32, #tpu.memory_space<vmem>>, vector<16xf32>,
      %add3A_238 = arith.addf %get3A_235, %get3A_237 : vector<16xf32>
      %swap3A_239 = arith.index_cast %add3A_233 : i32 to index
      %swap3A_240 = tpu.vector_load %arg11[%swap3A_239] {strides = array<i32>} : memref<12288xf32, #tpu.memory_space<vmem>>, vector<16xf32>,
      tpu.vector_store %arg11[%swap3A_239], %add3A_238 {strides = array<i32>} : memref<12288xf32, #tpu.memory_space<vmem>>, vector<16xf32>,
      %add3A_241 = arith.constant 368 : i32
      %add3A_242 = arith.addi %mul3A_2, %add3A_241 : i32
      %get3A_243 = arith.index_cast %add3A_242 : i32 to index
      %get3A_244 = tpu.vector_load %arg11[%get3A_243] {strides = array<i32>} : memref<12288xf32, #tpu.memory_space<vmem>>, vector<16xf32>,
      %get3A_245 = arith.constant 368 : index
      %get3A_246 = tpu.vector_load %arg12[%get3A_245] {strides = array<i32>} : memref<768xf32, #tpu.memory_space<vmem>>, vector<16xf32>,
      %add3A_247 = arith.addf %get3A_244, %get3A_246 : vector<16xf32>
      %swap3A_248 = arith.index_cast %add3A_242 : i32 to index
      %swap3A_249 = tpu.vector_load %arg11[%swap3A_248] {strides = array<i32>} : memref<12288xf32, #tpu.memory_space<vmem>>, vector<16xf32>,
      tpu.vector_store %arg11[%swap3A_248], %add3A_247 {strides = array<i32>} : memref<12288xf32, #tpu.memory_space<vmem>>, vector<16xf32>,
      %add3A_250 = arith.constant 384 : i32
      %add3A_251 = arith.addi %mul3A_2, %add3A_250 : i32
      %get3A_252 = arith.index_cast %add3A_251 : i32 to index
      %get3A_253 = tpu.vector_load %arg11[%get3A_252] {strides = array<i32>} : memref<12288xf32, #tpu.memory_space<vmem>>, vector<16xf32>,
      %get3A_254 = arith.constant 384 : index
      %get3A_255 = tpu.vector_load %arg12[%get3A_254] {strides = array<i32>} : memref<768xf32, #tpu.memory_space<vmem>>, vector<16xf32>,
      %add3A_256 = arith.addf %get3A_253, %get3A_255 : vector<16xf32>
      %swap3A_257 = arith.index_cast %add3A_251 : i32 to index
      %swap3A_258 = tpu.vector_load %arg11[%swap3A_257] {strides = array<i32>} : memref<12288xf32, #tpu.memory_space<vmem>>, vector<16xf32>,
      tpu.vector_store %arg11[%swap3A_257], %add3A_256 {strides = array<i32>} : memref<12288xf32, #tpu.memory_space<vmem>>, vector<16xf32>,
      %add3A_259 = arith.constant 400 : i32
      %add3A_260 = arith.addi %mul3A_2, %add3A_259 : i32
      %get3A_261 = arith.index_cast %add3A_260 : i32 to index
      %get3A_262 = tpu.vector_load %arg11[%get3A_261] {strides = array<i32>} : memref<12288xf32, #tpu.memory_space<vmem>>, vector<16xf32>,
      %get3A_263 = arith.constant 400 : index
      %get3A_264 = tpu.vector_load %arg12[%get3A_263] {strides = array<i32>} : memref<768xf32, #tpu.memory_space<vmem>>, vector<16xf32>,
      %add3A_265 = arith.addf %get3A_262, %get3A_264 : vector<16xf32>
      %swap3A_266 = arith.index_cast %add3A_260 : i32 to index
      %swap3A_267 = tpu.vector_load %arg11[%swap3A_266] {strides = array<i32>} : memref<12288xf32, #tpu.memory_space<vmem>>, vector<16xf32>,
      tpu.vector_store %arg11[%swap3A_266], %add3A_265 {strides = array<i32>} : memref<12288xf32, #tpu.memory_space<vmem>>, vector<16xf32>,
      %add3A_268 = arith.constant 416 : i32
      %add3A_269 = arith.addi %mul3A_2, %add3A_268 : i32
      %get3A_270 = arith.index_cast %add3A_269 : i32 to index
      %get3A_271 = tpu.vector_load %arg11[%get3A_270] {strides = array<i32>} : memref<12288xf32, #tpu.memory_space<vmem>>, vector<16xf32>,
      %get3A_272 = arith.constant 416 : index
      %get3A_273 = tpu.vector_load %arg12[%get3A_272] {strides = array<i32>} : memref<768xf32, #tpu.memory_space<vmem>>, vector<16xf32>,
      %add3A_274 = arith.addf %get3A_271, %get3A_273 : vector<16xf32>
      %swap3A_275 = arith.index_cast %add3A_269 : i32 to index
      %swap3A_276 = tpu.vector_load %arg11[%swap3A_275] {strides = array<i32>} : memref<12288xf32, #tpu.memory_space<vmem>>, vector<16xf32>,
      tpu.vector_store %arg11[%swap3A_275], %add3A_274 {strides = array<i32>} : memref<12288xf32, #tpu.memory_space<vmem>>, vector<16xf32>,
      %add3A_277 = arith.constant 432 : i32
      %add3A_278 = arith.addi %mul3A_2, %add3A_277 : i32
      %get3A_279 = arith.index_cast %add3A_278 : i32 to index
      %get3A_280 = tpu.vector_load %arg11[%get3A_279] {strides = array<i32>} : memref<12288xf32, #tpu.memory_space<vmem>>, vector<16xf32>,
      %get3A_281 = arith.constant 432 : index
      %get3A_282 = tpu.vector_load %arg12[%get3A_281] {strides = array<i32>} : memref<768xf32, #tpu.memory_space<vmem>>, vector<16xf32>,
      %add3A_283 = arith.addf %get3A_280, %get3A_282 : vector<16xf32>
      %swap3A_284 = arith.index_cast %add3A_278 : i32 to index
      %swap3A_285 = tpu.vector_load %arg11[%swap3A_284] {strides = array<i32>} : memref<12288xf32, #tpu.memory_space<vmem>>, vector<16xf32>,
      tpu.vector_store %arg11[%swap3A_284], %add3A_283 {strides = array<i32>} : memref<12288xf32, #tpu.memory_space<vmem>>, vector<16xf32>,
      %add3A_286 = arith.constant 448 : i32
      %add3A_287 = arith.addi %mul3A_2, %add3A_286 : i32
      %get3A_288 = arith.index_cast %add3A_287 : i32 to index
      %get3A_289 = tpu.vector_load %arg11[%get3A_288] {strides = array<i32>} : memref<12288xf32, #tpu.memory_space<vmem>>, vector<16xf32>,
      %get3A_290 = arith.constant 448 : index
      %get3A_291 = tpu.vector_load %arg12[%get3A_290] {strides = array<i32>} : memref<768xf32, #tpu.memory_space<vmem>>, vector<16xf32>,
      %add3A_292 = arith.addf %get3A_289, %get3A_291 : vector<16xf32>
      %swap3A_293 = arith.index_cast %add3A_287 : i32 to index
      %swap3A_294 = tpu.vector_load %arg11[%swap3A_293] {strides = array<i32>} : memref<12288xf32, #tpu.memory_space<vmem>>, vector<16xf32>,
      tpu.vector_store %arg11[%swap3A_293], %add3A_292 {strides = array<i32>} : memref<12288xf32, #tpu.memory_space<vmem>>, vector<16xf32>,
      %add3A_295 = arith.constant 464 : i32
      %add3A_296 = arith.addi %mul3A_2, %add3A_295 : i32
      %get3A_297 = arith.index_cast %add3A_296 : i32 to index
      %get3A_298 = tpu.vector_load %arg11[%get3A_297] {strides = array<i32>} : memref<12288xf32, #tpu.memory_space<vmem>>, vector<16xf32>,
      %get3A_299 = arith.constant 464 : index
      %get3A_300 = tpu.vector_load %arg12[%get3A_299] {strides = array<i32>} : memref<768xf32, #tpu.memory_space<vmem>>, vector<16xf32>,
      %add3A_301 = arith.addf %get3A_298, %get3A_300 : vector<16xf32>
      %swap3A_302 = arith.index_cast %add3A_296 : i32 to index
      %swap3A_303 = tpu.vector_load %arg11[%swap3A_302] {strides = array<i32>} : memref<12288xf32, #tpu.memory_space<vmem>>, vector<16xf32>,
      tpu.vector_store %arg11[%swap3A_302], %add3A_301 {strides = array<i32>} : memref<12288xf32, #tpu.memory_space<vmem>>, vector<16xf32>,
      %add3A_304 = arith.constant 480 : i32
      %add3A_305 = arith.addi %mul3A_2, %add3A_304 : i32
      %get3A_306 = arith.index_cast %add3A_305 : i32 to index
      %get3A_307 = tpu.vector_load %arg11[%get3A_306] {strides = array<i32>} : memref<12288xf32, #tpu.memory_space<vmem>>, vector<16xf32>,
      %get3A_308 = arith.constant 480 : index
      %get3A_309 = tpu.vector_load %arg12[%get3A_308] {strides = array<i32>} : memref<768xf32, #tpu.memory_space<vmem>>, vector<16xf32>,
      %add3A_310 = arith.addf %get3A_307, %get3A_309 : vector<16xf32>
      %swap3A_311 = arith.index_cast %add3A_305 : i32 to index
      %swap3A_312 = tpu.vector_load %arg11[%swap3A_311] {strides = array<i32>} : memref<12288xf32, #tpu.memory_space<vmem>>, vector<16xf32>,
      tpu.vector_store %arg11[%swap3A_311], %add3A_310 {strides = array<i32>} : memref<12288xf32, #tpu.memory_space<vmem>>, vector<16xf32>,
      %add3A_313 = arith.constant 496 : i32
      %add3A_314 = arith.addi %mul3A_2, %add3A_313 : i32
      %get3A_315 = arith.index_cast %add3A_314 : i32 to index
      %get3A_316 = tpu.vector_load %arg11[%get3A_315] {strides = array<i32>} : memref<12288xf32, #tpu.memory_space<vmem>>, vector<16xf32>,
      %get3A_317 = arith.constant 496 : index
      %get3A_318 = tpu.vector_load %arg12[%get3A_317] {strides = array<i32>} : memref<768xf32, #tpu.memory_space<vmem>>, vector<16xf32>,
      %add3A_319 = arith.addf %get3A_316, %get3A_318 : vector<16xf32>
      %swap3A_320 = arith.index_cast %add3A_314 : i32 to index
      %swap3A_321 = tpu.vector_load %arg11[%swap3A_320] {strides = array<i32>} : memref<12288xf32, #tpu.memory_space<vmem>>, vector<16xf32>,
      tpu.vector_store %arg11[%swap3A_320], %add3A_319 {strides = array<i32>} : memref<12288xf32, #tpu.memory_space<vmem>>, vector<16xf32>,
      %add3A_322 = arith.constant 512 : i32
      %add3A_323 = arith.addi %mul3A_2, %add3A_322 : i32
      %get3A_324 = arith.index_cast %add3A_323 : i32 to index
      %get3A_325 = tpu.vector_load %arg11[%get3A_324] {strides = array<i32>} : memref<12288xf32, #tpu.memory_space<vmem>>, vector<16xf32>,
      %get3A_326 = arith.constant 512 : index
      %get3A_327 = tpu.vector_load %arg12[%get3A_326] {strides = array<i32>} : memref<768xf32, #tpu.memory_space<vmem>>, vector<16xf32>,
      %add3A_328 = arith.addf %get3A_325, %get3A_327 : vector<16xf32>
      %swap3A_329 = arith.index_cast %add3A_323 : i32 to index
      %swap3A_330 = tpu.vector_load %arg11[%swap3A_329] {strides = array<i32>} : memref<12288xf32, #tpu.memory_space<vmem>>, vector<16xf32>,
      tpu.vector_store %arg11[%swap3A_329], %add3A_328 {strides = array<i32>} : memref<12288xf32, #tpu.memory_space<vmem>>, vector<16xf32>,
      %add3A_331 = arith.constant 528 : i32
      %add3A_332 = arith.addi %mul3A_2, %add3A_331 : i32
      %get3A_333 = arith.index_cast %add3A_332 : i32 to index
      %get3A_334 = tpu.vector_load %arg11[%get3A_333] {strides = array<i32>} : memref<12288xf32, #tpu.memory_space<vmem>>, vector<16xf32>,
      %get3A_335 = arith.constant 528 : index
      %get3A_336 = tpu.vector_load %arg12[%get3A_335] {strides = array<i32>} : memref<768xf32, #tpu.memory_space<vmem>>, vector<16xf32>,
      %add3A_337 = arith.addf %get3A_334, %get3A_336 : vector<16xf32>
      %swap3A_338 = arith.index_cast %add3A_332 : i32 to index
      %swap3A_339 = tpu.vector_load %arg11[%swap3A_338] {strides = array<i32>} : memref<12288xf32, #tpu.memory_space<vmem>>, vector<16xf32>,
      tpu.vector_store %arg11[%swap3A_338], %add3A_337 {strides = array<i32>} : memref<12288xf32, #tpu.memory_space<vmem>>, vector<16xf32>,
      %add3A_340 = arith.constant 544 : i32
      %add3A_341 = arith.addi %mul3A_2, %add3A_340 : i32
      %get3A_342 = arith.index_cast %add3A_341 : i32 to index
      %get3A_343 = tpu.vector_load %arg11[%get3A_342] {strides = array<i32>} : memref<12288xf32, #tpu.memory_space<vmem>>, vector<16xf32>,
      %get3A_344 = arith.constant 544 : index
      %get3A_345 = tpu.vector_load %arg12[%get3A_344] {strides = array<i32>} : memref<768xf32, #tpu.memory_space<vmem>>, vector<16xf32>,
      %add3A_346 = arith.addf %get3A_343, %get3A_345 : vector<16xf32>
      %swap3A_347 = arith.index_cast %add3A_341 : i32 to index
      %swap3A_348 = tpu.vector_load %arg11[%swap3A_347] {strides = array<i32>} : memref<12288xf32, #tpu.memory_space<vmem>>, vector<16xf32>,
      tpu.vector_store %arg11[%swap3A_347], %add3A_346 {strides = array<i32>} : memref<12288xf32, #tpu.memory_space<vmem>>, vector<16xf32>,
      %add3A_349 = arith.constant 560 : i32
      %add3A_350 = arith.addi %mul3A_2, %add3A_349 : i32
      %get3A_351 = arith.index_cast %add3A_350 : i32 to index
      %get3A_352 = tpu.vector_load %arg11[%get3A_351] {strides = array<i32>} : memref<12288xf32, #tpu.memory_space<vmem>>, vector<16xf32>,
      %get3A_353 = arith.constant 560 : index
      %get3A_354 = tpu.vector_load %arg12[%get3A_353] {strides = array<i32>} : memref<768xf32, #tpu.memory_space<vmem>>, vector<16xf32>,
      %add3A_355 = arith.addf %get3A_352, %get3A_354 : vector<16xf32>
      %swap3A_356 = arith.index_cast %add3A_350 : i32 to index
      %swap3A_357 = tpu.vector_load %arg11[%swap3A_356] {strides = array<i32>} : memref<12288xf32, #tpu.memory_space<vmem>>, vector<16xf32>,
      tpu.vector_store %arg11[%swap3A_356], %add3A_355 {strides = array<i32>} : memref<12288xf32, #tpu.memory_space<vmem>>, vector<16xf32>,
      %add3A_358 = arith.constant 576 : i32
      %add3A_359 = arith.addi %mul3A_2, %add3A_358 : i32
      %get3A_360 = arith.index_cast %add3A_359 : i32 to index
      %get3A_361 = tpu.vector_load %arg11[%get3A_360] {strides = array<i32>} : memref<12288xf32, #tpu.memory_space<vmem>>, vector<16xf32>,
      %get3A_362 = arith.constant 576 : index
      %get3A_363 = tpu.vector_load %arg12[%get3A_362] {strides = array<i32>} : memref<768xf32, #tpu.memory_space<vmem>>, vector<16xf32>,
      %add3A_364 = arith.addf %get3A_361, %get3A_363 : vector<16xf32>
      %swap3A_365 = arith.index_cast %add3A_359 : i32 to index
      %swap3A_366 = tpu.vector_load %arg11[%swap3A_365] {strides = array<i32>} : memref<12288xf32, #tpu.memory_space<vmem>>, vector<16xf32>,
      tpu.vector_store %arg11[%swap3A_365], %add3A_364 {strides = array<i32>} : memref<12288xf32, #tpu.memory_space<vmem>>, vector<16xf32>,
      %add3A_367 = arith.constant 592 : i32
      %add3A_368 = arith.addi %mul3A_2, %add3A_367 : i32
      %get3A_369 = arith.index_cast %add3A_368 : i32 to index
      %get3A_370 = tpu.vector_load %arg11[%get3A_369] {strides = array<i32>} : memref<12288xf32, #tpu.memory_space<vmem>>, vector<16xf32>,
      %get3A_371 = arith.constant 592 : index
      %get3A_372 = tpu.vector_load %arg12[%get3A_371] {strides = array<i32>} : memref<768xf32, #tpu.memory_space<vmem>>, vector<16xf32>,
      %add3A_373 = arith.addf %get3A_370, %get3A_372 : vector<16xf32>
      %swap3A_374 = arith.index_cast %add3A_368 : i32 to index
      %swap3A_375 = tpu.vector_load %arg11[%swap3A_374] {strides = array<i32>} : memref<12288xf32, #tpu.memory_space<vmem>>, vector<16xf32>,
      tpu.vector_store %arg11[%swap3A_374], %add3A_373 {strides = array<i32>} : memref<12288xf32, #tpu.memory_space<vmem>>, vector<16xf32>,
      %add3A_376 = arith.constant 608 : i32
      %add3A_377 = arith.addi %mul3A_2, %add3A_376 : i32
      %get3A_378 = arith.index_cast %add3A_377 : i32 to index
      %get3A_379 = tpu.vector_load %arg11[%get3A_378] {strides = array<i32>} : memref<12288xf32, #tpu.memory_space<vmem>>, vector<16xf32>,
      %get3A_380 = arith.constant 608 : index
      %get3A_381 = tpu.vector_load %arg12[%get3A_380] {strides = array<i32>} : memref<768xf32, #tpu.memory_space<vmem>>, vector<16xf32>,
      %add3A_382 = arith.addf %get3A_379, %get3A_381 : vector<16xf32>
      %swap3A_383 = arith.index_cast %add3A_377 : i32 to index
      %swap3A_384 = tpu.vector_load %arg11[%swap3A_383] {strides = array<i32>} : memref<12288xf32, #tpu.memory_space<vmem>>, vector<16xf32>,
      tpu.vector_store %arg11[%swap3A_383], %add3A_382 {strides = array<i32>} : memref<12288xf32, #tpu.memory_space<vmem>>, vector<16xf32>,
      %add3A_385 = arith.constant 624 : i32
      %add3A_386 = arith.addi %mul3A_2, %add3A_385 : i32
      %get3A_387 = arith.index_cast %add3A_386 : i32 to index
      %get3A_388 = tpu.vector_load %arg11[%get3A_387] {strides = array<i32>} : memref<12288xf32, #tpu.memory_space<vmem>>, vector<16xf32>,
      %get3A_389 = arith.constant 624 : index
      %get3A_390 = tpu.vector_load %arg12[%get3A_389] {strides = array<i32>} : memref<768xf32, #tpu.memory_space<vmem>>, vector<16xf32>,
      %add3A_391 = arith.addf %get3A_388, %get3A_390 : vector<16xf32>
      %swap3A_392 = arith.index_cast %add3A_386 : i32 to index
      %swap3A_393 = tpu.vector_load %arg11[%swap3A_392] {strides = array<i32>} : memref<12288xf32, #tpu.memory_space<vmem>>, vector<16xf32>,
      tpu.vector_store %arg11[%swap3A_392], %add3A_391 {strides = array<i32>} : memref<12288xf32, #tpu.memory_space<vmem>>, vector<16xf32>,
      %add3A_394 = arith.constant 640 : i32
      %add3A_395 = arith.addi %mul3A_2, %add3A_394 : i32
      %get3A_396 = arith.index_cast %add3A_395 : i32 to index
      %get3A_397 = tpu.vector_load %arg11[%get3A_396] {strides = array<i32>} : memref<12288xf32, #tpu.memory_space<vmem>>, vector<16xf32>,
      %get3A_398 = arith.constant 640 : index
      %get3A_399 = tpu.vector_load %arg12[%get3A_398] {strides = array<i32>} : memref<768xf32, #tpu.memory_space<vmem>>, vector<16xf32>,
      %add3A_400 = arith.addf %get3A_397, %get3A_399 : vector<16xf32>
      %swap3A_401 = arith.index_cast %add3A_395 : i32 to index
      %swap3A_402 = tpu.vector_load %arg11[%swap3A_401] {strides = array<i32>} : memref<12288xf32, #tpu.memory_space<vmem>>, vector<16xf32>,
      tpu.vector_store %arg11[%swap3A_401], %add3A_400 {strides = array<i32>} : memref<12288xf32, #tpu.memory_space<vmem>>, vector<16xf32>,
      %add3A_403 = arith.constant 656 : i32
      %add3A_404 = arith.addi %mul3A_2, %add3A_403 : i32
      %get3A_405 = arith.index_cast %add3A_404 : i32 to index
      %get3A_406 = tpu.vector_load %arg11[%get3A_405] {strides = array<i32>} : memref<12288xf32, #tpu.memory_space<vmem>>, vector<16xf32>,
      %get3A_407 = arith.constant 656 : index
      %get3A_408 = tpu.vector_load %arg12[%get3A_407] {strides = array<i32>} : memref<768xf32, #tpu.memory_space<vmem>>, vector<16xf32>,
      %add3A_409 = arith.addf %get3A_406, %get3A_408 : vector<16xf32>
      %swap3A_410 = arith.index_cast %add3A_404 : i32 to index
      %swap3A_411 = tpu.vector_load %arg11[%swap3A_410] {strides = array<i32>} : memref<12288xf32, #tpu.memory_space<vmem>>, vector<16xf32>,
      tpu.vector_store %arg11[%swap3A_410], %add3A_409 {strides = array<i32>} : memref<12288xf32, #tpu.memory_space<vmem>>, vector<16xf32>,
      %add3A_412 = arith.constant 672 : i32
      %add3A_413 = arith.addi %mul3A_2, %add3A_412 : i32
      %get3A_414 = arith.index_cast %add3A_413 : i32 to index
      %get3A_415 = tpu.vector_load %arg11[%get3A_414] {strides = array<i32>} : memref<12288xf32, #tpu.memory_space<vmem>>, vector<16xf32>,
      %get3A_416 = arith.constant 672 : index
      %get3A_417 = tpu.vector_load %arg12[%get3A_416] {strides = array<i32>} : memref<768xf32, #tpu.memory_space<vmem>>, vector<16xf32>,
      %add3A_418 = arith.addf %get3A_415, %get3A_417 : vector<16xf32>
      %swap3A_419 = arith.index_cast %add3A_413 : i32 to index
      %swap3A_420 = tpu.vector_load %arg11[%swap3A_419] {strides = array<i32>} : memref<12288xf32, #tpu.memory_space<vmem>>, vector<16xf32>,
      tpu.vector_store %arg11[%swap3A_419], %add3A_418 {strides = array<i32>} : memref<12288xf32, #tpu.memory_space<vmem>>, vector<16xf32>,
      %add3A_421 = arith.constant 688 : i32
      %add3A_422 = arith.addi %mul3A_2, %add3A_421 : i32
      %get3A_423 = arith.index_cast %add3A_422 : i32 to index
      %get3A_424 = tpu.vector_load %arg11[%get3A_423] {strides = array<i32>} : memref<12288xf32, #tpu.memory_space<vmem>>, vector<16xf32>,
      %get3A_425 = arith.constant 688 : index
      %get3A_426 = tpu.vector_load %arg12[%get3A_425] {strides = array<i32>} : memref<768xf32, #tpu.memory_space<vmem>>, vector<16xf32>,
      %add3A_427 = arith.addf %get3A_424, %get3A_426 : vector<16xf32>
      %swap3A_428 = arith.index_cast %add3A_422 : i32 to index
      %swap3A_429 = tpu.vector_load %arg11[%swap3A_428] {strides = array<i32>} : memref<12288xf32, #tpu.memory_space<vmem>>, vector<16xf32>,
      tpu.vector_store %arg11[%swap3A_428], %add3A_427 {strides = array<i32>} : memref<12288xf32, #tpu.memory_space<vmem>>, vector<16xf32>,
      %add3A_430 = arith.constant 704 : i32
      %add3A_431 = arith.addi %mul3A_2, %add3A_430 : i32
      %get3A_432 = arith.index_cast %add3A_431 : i32 to index
      %get3A_433 = tpu.vector_load %arg11[%get3A_432] {strides = array<i32>} : memref<12288xf32, #tpu.memory_space<vmem>>, vector<16xf32>,
      %get3A_434 = arith.constant 704 : index
      %get3A_435 = tpu.vector_load %arg12[%get3A_434] {strides = array<i32>} : memref<768xf32, #tpu.memory_space<vmem>>, vector<16xf32>,
      %add3A_436 = arith.addf %get3A_433, %get3A_435 : vector<16xf32>
      %swap3A_437 = arith.index_cast %add3A_431 : i32 to index
      %swap3A_438 = tpu.vector_load %arg11[%swap3A_437] {strides = array<i32>} : memref<12288xf32, #tpu.memory_space<vmem>>, vector<16xf32>,
      tpu.vector_store %arg11[%swap3A_437], %add3A_436 {strides = array<i32>} : memref<12288xf32, #tpu.memory_space<vmem>>, vector<16xf32>,
      %add3A_439 = arith.constant 720 : i32
      %add3A_440 = arith.addi %mul3A_2, %add3A_439 : i32
      %get3A_441 = arith.index_cast %add3A_440 : i32 to index
      %get3A_442 = tpu.vector_load %arg11[%get3A_441] {strides = array<i32>} : memref<12288xf32, #tpu.memory_space<vmem>>, vector<16xf32>,
      %get3A_443 = arith.constant 720 : index
      %get3A_444 = tpu.vector_load %arg12[%get3A_443] {strides = array<i32>} : memref<768xf32, #tpu.memory_space<vmem>>, vector<16xf32>,
      %add3A_445 = arith.addf %get3A_442, %get3A_444 : vector<16xf32>
      %swap3A_446 = arith.index_cast %add3A_440 : i32 to index
      %swap3A_447 = tpu.vector_load %arg11[%swap3A_446] {strides = array<i32>} : memref<12288xf32, #tpu.memory_space<vmem>>, vector<16xf32>,
      tpu.vector_store %arg11[%swap3A_446], %add3A_445 {strides = array<i32>} : memref<12288xf32, #tpu.memory_space<vmem>>, vector<16xf32>,
      %add3A_448 = arith.constant 736 : i32
      %add3A_449 = arith.addi %mul3A_2, %add3A_448 : i32
      %get3A_450 = arith.index_cast %add3A_449 : i32 to index
      %get3A_451 = tpu.vector_load %arg11[%get3A_450] {strides = array<i32>} : memref<12288xf32, #tpu.memory_space<vmem>>, vector<16xf32>,
      %get3A_452 = arith.constant 736 : index
      %get3A_453 = tpu.vector_load %arg12[%get3A_452] {strides = array<i32>} : memref<768xf32, #tpu.memory_space<vmem>>, vector<16xf32>,
      %add3A_454 = arith.addf %get3A_451, %get3A_453 : vector<16xf32>
      %swap3A_455 = arith.index_cast %add3A_449 : i32 to index
      %swap3A_456 = tpu.vector_load %arg11[%swap3A_455] {strides = array<i32>} : memref<12288xf32, #tpu.memory_space<vmem>>, vector<16xf32>,
      tpu.vector_store %arg11[%swap3A_455], %add3A_454 {strides = array<i32>} : memref<12288xf32, #tpu.memory_space<vmem>>, vector<16xf32>,
      %add3A_457 = arith.constant 752 : i32
      %add3A_458 = arith.addi %mul3A_2, %add3A_457 : i32
      %get3A_459 = arith.index_cast %add3A_458 : i32 to index
      %get3A_460 = tpu.vector_load %arg11[%get3A_459] {strides = array<i32>} : memref<12288xf32, #tpu.memory_space<vmem>>, vector<16xf32>,
      %get3A_461 = arith.constant 752 : index
      %get3A_462 = tpu.vector_load %arg12[%get3A_461] {strides = array<i32>} : memref<768xf32, #tpu.memory_space<vmem>>, vector<16xf32>,
      %add3A_463 = arith.addf %get3A_460, %get3A_462 : vector<16xf32>
      %swap3A_464 = arith.index_cast %add3A_458 : i32 to index
      %swap3A_465 = tpu.vector_load %arg11[%swap3A_464] {strides = array<i32>} : memref<12288xf32, #tpu.memory_space<vmem>>, vector<16xf32>,
      tpu.vector_store %arg11[%swap3A_464], %add3A_463 {strides = array<i32>} : memref<12288xf32, #tpu.memory_space<vmem>>, vector<16xf32>,
    }
    %scan3A_11 = arith.constant 32 : i32
    "tpu.region"() ({
      %run_scoped3A = tpu.sem_alloc : memref<!tpu.dma_semaphore, #tpu.memory_space<semaphore_mem>>
      %dma_start3A = tpu.memref_slice %arg11[%mul3A_2] : memref<12288xf32, #tpu.memory_space<vmem>> -> memref<768xf32, #tpu.memory_space<vmem>>
      %dma_start3A_28 = tpu.memref_slice %arg8[%mul3A_2] : memref<12288xf32, #tpu.memory_space<vmem_shared>> -> memref<768xf32, #tpu.memory_space<vmem_shared>>
      %dma_start3A_29 = tpu.memref_slice %arg8[%mul3A_2] : memref<12288xf32, #tpu.memory_space<vmem_shared>> -> memref<768xf32, #tpu.memory_space<vmem_shared>>
      %dma_start3A_30 = tpu.memref_slice %arg11[%mul3A_2] : memref<12288xf32, #tpu.memory_space<vmem>> -> memref<768xf32, #tpu.memory_space<vmem>>
      tpu.enqueue_dma source(%dma_start3A_30 : memref<768xf32, #tpu.memory_space<vmem>>) target(%dma_start3A_29 : memref<768xf32, #tpu.memory_space<vmem_shared>>) target_semaphore(%run_scoped3A : memref<!tpu.dma_semaphore, #tpu.memory_space<semaphore_mem>>)
      %dma_wait3A = tpu.memref_slice %arg11[%mul3A_2] : memref<12288xf32, #tpu.memory_space<vmem>> -> memref<768xf32, #tpu.memory_space<vmem>>
      %dma_wait3A_31 = tpu.memref_slice %arg8[%mul3A_2] : memref<12288xf32, #tpu.memory_space<vmem_shared>> -> memref<768xf32, #tpu.memory_space<vmem_shared>>
      %dma_wait3A_32 = tpu.memref_slice %arg8[%mul3A_2] : memref<12288xf32, #tpu.memory_space<vmem_shared>> -> memref<768xf32, #tpu.memory_space<vmem_shared>>
      %dma_wait3A_33 = tpu.memref_slice %arg11[%mul3A_2] : memref<12288xf32, #tpu.memory_space<vmem>> -> memref<768xf32, #tpu.memory_space<vmem>>
      tpu.wait_dma2 semaphore(%run_scoped3A : memref<!tpu.dma_semaphore, #tpu.memory_space<semaphore_mem>>) src(%dma_wait3A_33 : memref<768xf32, #tpu.memory_space<vmem>>) dst(%dma_wait3A_32 : memref<768xf32, #tpu.memory_space<vmem_shared>>)
      tpu.yield
    }) : () -> ()
    %barrier3A = arith.constant 0 : index
    tpu.barrier barrier_id(%barrier3A)
    "tpu.region"() ({
      %run_scoped3A = tpu.sem_alloc : memref<!tpu.dma_semaphore, #tpu.memory_space<semaphore_mem>>
      tpu.enqueue_dma source(%arg8 : memref<12288xf32, #tpu.memory_space<vmem_shared>>) target(%arg11 : memref<12288xf32, #tpu.memory_space<vmem>>) target_semaphore(%run_scoped3A : memref<!tpu.dma_semaphore, #tpu.memory_space<semaphore_mem>>)
      tpu.wait_dma2 semaphore(%run_scoped3A : memref<!tpu.dma_semaphore, #tpu.memory_space<semaphore_mem>>) src(%arg8 : memref<12288xf32, #tpu.memory_space<vmem_shared>>) dst(%arg11 : memref<12288xf32, #tpu.memory_space<vmem>>)
      tpu.yield
    }) : () -> ()
    %mul3A_12 = arith.constant 320 : i32
    %mul3A_13 = arith.muli %add3A, %mul3A_12 : i32
    "tpu.region"() ({
      %run_scoped3A = tpu.sem_alloc : memref<!tpu.dma_semaphore, #tpu.memory_space<semaphore_mem>>
      %dma_start3A = arith.constant 0 : i32
      %dma_start3A_28 = tpu.memref_slice %arg2[%mul3A_13, %dma_start3A] : memref<20480x128xf32, #tpu.memory_space<hbm>> -> memref<320x128xf32, #tpu.memory_space<hbm>>
      %dma_start3A_29 = arith.constant 0 : i32
      %dma_start3A_30 = tpu.memref_slice %arg2[%mul3A_13, %dma_start3A_29] : memref<20480x128xf32, #tpu.memory_space<hbm>> -> memref<320x128xf32, #tpu.memory_space<hbm>>
      tpu.enqueue_dma source(%dma_start3A_30 : memref<320x128xf32, #tpu.memory_space<hbm>>) target(%arg9 : memref<320x128xf32, #tpu.memory_space<vmem>>) target_semaphore(%run_scoped3A : memref<!tpu.dma_semaphore, #tpu.memory_space<semaphore_mem>>)
      %dma_wait3A = arith.constant 0 : i32
      %dma_wait3A_31 = tpu.memref_slice %arg2[%mul3A_13, %dma_wait3A] : memref<20480x128xf32, #tpu.memory_space<hbm>> -> memref<320x128xf32, #tpu.memory_space<hbm>>
      %dma_wait3A_32 = arith.constant 0 : i32
      %dma_wait3A_33 = tpu.memref_slice %arg2[%mul3A_13, %dma_wait3A_32] : memref<20480x128xf32, #tpu.memory_space<hbm>> -> memref<320x128xf32, #tpu.memory_space<hbm>>
      tpu.wait_dma2 semaphore(%run_scoped3A : memref<!tpu.dma_semaphore, #tpu.memory_space<semaphore_mem>>) src(%dma_wait3A_33 : memref<320x128xf32, #tpu.memory_space<hbm>>) dst(%arg9 : memref<320x128xf32, #tpu.memory_space<vmem>>)
      tpu.yield
    }) : () -> ()
    %add3A_14 = arith.constant 10240 : i32
    %add3A_15 = arith.addi %add3A_14, %mul3A_13 : i32
    "tpu.region"() ({
      %run_scoped3A = tpu.sem_alloc : memref<!tpu.dma_semaphore, #tpu.memory_space<semaphore_mem>>
      %dma_start3A = arith.constant 0 : i32
      %dma_start3A_28 = tpu.memref_slice %arg2[%add3A_15, %dma_start3A] : memref<20480x128xf32, #tpu.memory_space<hbm>> -> memref<320x128xf32, #tpu.memory_space<hbm>>
      %dma_start3A_29 = arith.constant 0 : i32
      %dma_start3A_30 = tpu.memref_slice %arg2[%add3A_15, %dma_start3A_29] : memref<20480x128xf32, #tpu.memory_space<hbm>> -> memref<320x128xf32, #tpu.memory_space<hbm>>
      tpu.enqueue_dma source(%dma_start3A_30 : memref<320x128xf32, #tpu.memory_space<hbm>>) target(%arg10 : memref<320x128xf32, #tpu.memory_space<vmem>>) target_semaphore(%run_scoped3A : memref<!tpu.dma_semaphore, #tpu.memory_space<semaphore_mem>>)
      %dma_wait3A = arith.constant 0 : i32
      %dma_wait3A_31 = tpu.memref_slice %arg2[%add3A_15, %dma_wait3A] : memref<20480x128xf32, #tpu.memory_space<hbm>> -> memref<320x128xf32, #tpu.memory_space<hbm>>
      %dma_wait3A_32 = arith.constant 0 : i32
      %dma_wait3A_33 = tpu.memref_slice %arg2[%add3A_15, %dma_wait3A_32] : memref<20480x128xf32, #tpu.memory_space<hbm>> -> memref<320x128xf32, #tpu.memory_space<hbm>>
      tpu.wait_dma2 semaphore(%run_scoped3A : memref<!tpu.dma_semaphore, #tpu.memory_space<semaphore_mem>>) src(%dma_wait3A_33 : memref<320x128xf32, #tpu.memory_space<hbm>>) dst(%arg10 : memref<320x128xf32, #tpu.memory_space<vmem>>)
      tpu.yield
    }) : () -> ()
    %scan3A_16 = arith.constant 0 : i32
    %scan3A_17 = arith.constant 320 : i32
    %scan3A_18 = arith.addi %scan3A_16, %scan3A_17 : i32
    %scan3A_19 = arith.constant 1 : i32
    scf.for %scan3A_28 = %scan3A_16 to %scan3A_18 step %scan3A_19  : i32 {
      %mul3A_29 = arith.constant 1 : i32
      %mul3A_30 = arith.muli %scan3A_28, %mul3A_29 : i32
      %add3A_31 = arith.constant 0 : i32
      %add3A_32 = arith.addi %add3A_31, %mul3A_30 : i32
      %broadcast_in_dim3A = vector.broadcast %mul3A_13 : i32 to vector<16xi32>
      %add3A_33 = vector.broadcast %add3A_32 : i32 to vector<16xi32>
      %add3A_34 = arith.addi %broadcast_in_dim3A, %add3A_33 : vector<16xi32>
      %gather3A = tpu.vector_load_idx %arg11[%add3A_34] : memref<12288xf32, #tpu.memory_space<vmem>>[vector<16xi32>], vector<16xf32>,
      %gt3A = arith.constant 0.000000e+00 : f32
      %gt3A_35 = vector.broadcast %gt3A : f32 to vector<16xf32>
      %gt3A_36 = arith.cmpf ogt, %gather3A, %gt3A_35 : vector<16xf32>
      %jit3A = arith.constant 1.000000e+00 : f32
      %broadcast_in_dim3A_37 = vector.broadcast %jit3A : f32 to vector<16xf32>
      %select_n3A = arith.select %gt3A_36, %gather3A, %broadcast_in_dim3A_37 : vector<16xi1>, vector<16xf32>
      %div3A = arith.constant 1.000000e+00 : f32
      %div3A_38 = vector.broadcast %div3A : f32 to vector<16xf32>
      %div3A_39 = arith.divf %div3A_38, %select_n3A : vector<16xf32>
      %get3A = arith.index_cast %add3A_32 : i32 to index
      %get3A_40 = arith.constant 0 : index
      %get3A_41 = tpu.vector_load %arg9[%get3A, %get3A_40] {strides = array<i32>} : memref<320x128xf32, #tpu.memory_space<vmem>>, vector<16xf32>,
      %get3A_42 = arith.index_cast %add3A_32 : i32 to index
      %get3A_43 = arith.constant 0 : index
      %get3A_44 = tpu.vector_load %arg10[%get3A_42, %get3A_43] {strides = array<i32>} : memref<320x128xf32, #tpu.memory_space<vmem>>, vector<16xf32>,
      %add3A_45 = arith.addf %get3A_41, %get3A_44 : vector<16xf32>
      %mul3A_46 = arith.mulf %add3A_45, %div3A_39 : vector<16xf32>
      %swap3A = arith.index_cast %add3A_32 : i32 to index
      %swap3A_47 = arith.constant 0 : index
      %swap3A_48 = tpu.vector_load %arg9[%swap3A, %swap3A_47] {strides = array<i32>} : memref<320x128xf32, #tpu.memory_space<vmem>>, vector<16xf32>,
      tpu.vector_store %arg9[%swap3A, %swap3A_47], %mul3A_46 {strides = array<i32>} : memref<320x128xf32, #tpu.memory_space<vmem>>, vector<16xf32>,
      %get3A_49 = arith.index_cast %add3A_32 : i32 to index
      %get3A_50 = arith.constant 16 : index
      %get3A_51 = tpu.vector_load %arg9[%get3A_49, %get3A_50] {strides = array<i32>} : memref<320x128xf32, #tpu.memory_space<vmem>>, vector<16xf32>,
      %get3A_52 = arith.index_cast %add3A_32 : i32 to index
      %get3A_53 = arith.constant 16 : index
      %get3A_54 = tpu.vector_load %arg10[%get3A_52, %get3A_53] {strides = array<i32>} : memref<320x128xf32, #tpu.memory_space<vmem>>, vector<16xf32>,
      %add3A_55 = arith.addf %get3A_51, %get3A_54 : vector<16xf32>
      %mul3A_56 = arith.mulf %add3A_55, %div3A_39 : vector<16xf32>
      %swap3A_57 = arith.index_cast %add3A_32 : i32 to index
      %swap3A_58 = arith.constant 16 : index
      %swap3A_59 = tpu.vector_load %arg9[%swap3A_57, %swap3A_58] {strides = array<i32>} : memref<320x128xf32, #tpu.memory_space<vmem>>, vector<16xf32>,
      tpu.vector_store %arg9[%swap3A_57, %swap3A_58], %mul3A_56 {strides = array<i32>} : memref<320x128xf32, #tpu.memory_space<vmem>>, vector<16xf32>,
      %get3A_60 = arith.index_cast %add3A_32 : i32 to index
      %get3A_61 = arith.constant 32 : index
      %get3A_62 = tpu.vector_load %arg9[%get3A_60, %get3A_61] {strides = array<i32>} : memref<320x128xf32, #tpu.memory_space<vmem>>, vector<16xf32>,
      %get3A_63 = arith.index_cast %add3A_32 : i32 to index
      %get3A_64 = arith.constant 32 : index
      %get3A_65 = tpu.vector_load %arg10[%get3A_63, %get3A_64] {strides = array<i32>} : memref<320x128xf32, #tpu.memory_space<vmem>>, vector<16xf32>,
      %add3A_66 = arith.addf %get3A_62, %get3A_65 : vector<16xf32>
      %mul3A_67 = arith.mulf %add3A_66, %div3A_39 : vector<16xf32>
      %swap3A_68 = arith.index_cast %add3A_32 : i32 to index
      %swap3A_69 = arith.constant 32 : index
      %swap3A_70 = tpu.vector_load %arg9[%swap3A_68, %swap3A_69] {strides = array<i32>} : memref<320x128xf32, #tpu.memory_space<vmem>>, vector<16xf32>,
      tpu.vector_store %arg9[%swap3A_68, %swap3A_69], %mul3A_67 {strides = array<i32>} : memref<320x128xf32, #tpu.memory_space<vmem>>, vector<16xf32>,
      %get3A_71 = arith.index_cast %add3A_32 : i32 to index
      %get3A_72 = arith.constant 48 : index
      %get3A_73 = tpu.vector_load %arg9[%get3A_71, %get3A_72] {strides = array<i32>} : memref<320x128xf32, #tpu.memory_space<vmem>>, vector<16xf32>,
      %get3A_74 = arith.index_cast %add3A_32 : i32 to index
      %get3A_75 = arith.constant 48 : index
      %get3A_76 = tpu.vector_load %arg10[%get3A_74, %get3A_75] {strides = array<i32>} : memref<320x128xf32, #tpu.memory_space<vmem>>, vector<16xf32>,
      %add3A_77 = arith.addf %get3A_73, %get3A_76 : vector<16xf32>
      %mul3A_78 = arith.mulf %add3A_77, %div3A_39 : vector<16xf32>
      %swap3A_79 = arith.index_cast %add3A_32 : i32 to index
      %swap3A_80 = arith.constant 48 : index
      %swap3A_81 = tpu.vector_load %arg9[%swap3A_79, %swap3A_80] {strides = array<i32>} : memref<320x128xf32, #tpu.memory_space<vmem>>, vector<16xf32>,
      tpu.vector_store %arg9[%swap3A_79, %swap3A_80], %mul3A_78 {strides = array<i32>} : memref<320x128xf32, #tpu.memory_space<vmem>>, vector<16xf32>,
      %get3A_82 = arith.index_cast %add3A_32 : i32 to index
      %get3A_83 = arith.constant 64 : index
      %get3A_84 = tpu.vector_load %arg9[%get3A_82, %get3A_83] {strides = array<i32>} : memref<320x128xf32, #tpu.memory_space<vmem>>, vector<16xf32>,
      %get3A_85 = arith.index_cast %add3A_32 : i32 to index
      %get3A_86 = arith.constant 64 : index
      %get3A_87 = tpu.vector_load %arg10[%get3A_85, %get3A_86] {strides = array<i32>} : memref<320x128xf32, #tpu.memory_space<vmem>>, vector<16xf32>,
      %add3A_88 = arith.addf %get3A_84, %get3A_87 : vector<16xf32>
      %mul3A_89 = arith.mulf %add3A_88, %div3A_39 : vector<16xf32>
      %swap3A_90 = arith.index_cast %add3A_32 : i32 to index
      %swap3A_91 = arith.constant 64 : index
      %swap3A_92 = tpu.vector_load %arg9[%swap3A_90, %swap3A_91] {strides = array<i32>} : memref<320x128xf32, #tpu.memory_space<vmem>>, vector<16xf32>,
      tpu.vector_store %arg9[%swap3A_90, %swap3A_91], %mul3A_89 {strides = array<i32>} : memref<320x128xf32, #tpu.memory_space<vmem>>, vector<16xf32>,
      %get3A_93 = arith.index_cast %add3A_32 : i32 to index
      %get3A_94 = arith.constant 80 : index
      %get3A_95 = tpu.vector_load %arg9[%get3A_93, %get3A_94] {strides = array<i32>} : memref<320x128xf32, #tpu.memory_space<vmem>>, vector<16xf32>,
      %get3A_96 = arith.index_cast %add3A_32 : i32 to index
      %get3A_97 = arith.constant 80 : index
      %get3A_98 = tpu.vector_load %arg10[%get3A_96, %get3A_97] {strides = array<i32>} : memref<320x128xf32, #tpu.memory_space<vmem>>, vector<16xf32>,
      %add3A_99 = arith.addf %get3A_95, %get3A_98 : vector<16xf32>
      %mul3A_100 = arith.mulf %add3A_99, %div3A_39 : vector<16xf32>
      %swap3A_101 = arith.index_cast %add3A_32 : i32 to index
      %swap3A_102 = arith.constant 80 : index
      %swap3A_103 = tpu.vector_load %arg9[%swap3A_101, %swap3A_102] {strides = array<i32>} : memref<320x128xf32, #tpu.memory_space<vmem>>, vector<16xf32>,
      tpu.vector_store %arg9[%swap3A_101, %swap3A_102], %mul3A_100 {strides = array<i32>} : memref<320x128xf32, #tpu.memory_space<vmem>>, vector<16xf32>,
      %get3A_104 = arith.index_cast %add3A_32 : i32 to index
      %get3A_105 = arith.constant 96 : index
      %get3A_106 = tpu.vector_load %arg9[%get3A_104, %get3A_105] {strides = array<i32>} : memref<320x128xf32, #tpu.memory_space<vmem>>, vector<16xf32>,
      %get3A_107 = arith.index_cast %add3A_32 : i32 to index
      %get3A_108 = arith.constant 96 : index
      %get3A_109 = tpu.vector_load %arg10[%get3A_107, %get3A_108] {strides = array<i32>} : memref<320x128xf32, #tpu.memory_space<vmem>>, vector<16xf32>,
      %add3A_110 = arith.addf %get3A_106, %get3A_109 : vector<16xf32>
      %mul3A_111 = arith.mulf %add3A_110, %div3A_39 : vector<16xf32>
      %swap3A_112 = arith.index_cast %add3A_32 : i32 to index
      %swap3A_113 = arith.constant 96 : index
      %swap3A_114 = tpu.vector_load %arg9[%swap3A_112, %swap3A_113] {strides = array<i32>} : memref<320x128xf32, #tpu.memory_space<vmem>>, vector<16xf32>,
      tpu.vector_store %arg9[%swap3A_112, %swap3A_113], %mul3A_111 {strides = array<i32>} : memref<320x128xf32, #tpu.memory_space<vmem>>, vector<16xf32>,
      %get3A_115 = arith.index_cast %add3A_32 : i32 to index
      %get3A_116 = arith.constant 112 : index
      %get3A_117 = tpu.vector_load %arg9[%get3A_115, %get3A_116] {strides = array<i32>} : memref<320x128xf32, #tpu.memory_space<vmem>>, vector<16xf32>,
      %get3A_118 = arith.index_cast %add3A_32 : i32 to index
      %get3A_119 = arith.constant 112 : index
      %get3A_120 = tpu.vector_load %arg10[%get3A_118, %get3A_119] {strides = array<i32>} : memref<320x128xf32, #tpu.memory_space<vmem>>, vector<16xf32>,
      %add3A_121 = arith.addf %get3A_117, %get3A_120 : vector<16xf32>
      %mul3A_122 = arith.mulf %add3A_121, %div3A_39 : vector<16xf32>
      %swap3A_123 = arith.index_cast %add3A_32 : i32 to index
      %swap3A_124 = arith.constant 112 : index
      %swap3A_125 = tpu.vector_load %arg9[%swap3A_123, %swap3A_124] {strides = array<i32>} : memref<320x128xf32, #tpu.memory_space<vmem>>, vector<16xf32>,
      tpu.vector_store %arg9[%swap3A_123, %swap3A_124], %mul3A_122 {strides = array<i32>} : memref<320x128xf32, #tpu.memory_space<vmem>>, vector<16xf32>,
    }
    %scan3A_20 = arith.constant 320 : i32
    "tpu.region"() ({
      %run_scoped3A = tpu.sem_alloc : memref<!tpu.dma_semaphore, #tpu.memory_space<semaphore_mem>>
      %dma_start3A = arith.constant 0 : i32
      %dma_start3A_28 = tpu.memref_slice %arg6[%mul3A_13, %dma_start3A] : memref<10240x128xf32, #tpu.memory_space<hbm>> -> memref<320x128xf32, #tpu.memory_space<hbm>>
      %dma_start3A_29 = arith.constant 0 : i32
      %dma_start3A_30 = tpu.memref_slice %arg6[%mul3A_13, %dma_start3A_29] : memref<10240x128xf32, #tpu.memory_space<hbm>> -> memref<320x128xf32, #tpu.memory_space<hbm>>
      tpu.enqueue_dma source(%arg9 : memref<320x128xf32, #tpu.memory_space<vmem>>) target(%dma_start3A_30 : memref<320x128xf32, #tpu.memory_space<hbm>>) target_semaphore(%run_scoped3A : memref<!tpu.dma_semaphore, #tpu.memory_space<semaphore_mem>>)
      %dma_wait3A = arith.constant 0 : i32
      %dma_wait3A_31 = tpu.memref_slice %arg6[%mul3A_13, %dma_wait3A] : memref<10240x128xf32, #tpu.memory_space<hbm>> -> memref<320x128xf32, #tpu.memory_space<hbm>>
      %dma_wait3A_32 = arith.constant 0 : i32
      %dma_wait3A_33 = tpu.memref_slice %arg6[%mul3A_13, %dma_wait3A_32] : memref<10240x128xf32, #tpu.memory_space<hbm>> -> memref<320x128xf32, #tpu.memory_space<hbm>>
      tpu.wait_dma2 semaphore(%run_scoped3A : memref<!tpu.dma_semaphore, #tpu.memory_space<semaphore_mem>>) src(%arg9 : memref<320x128xf32, #tpu.memory_space<vmem>>) dst(%dma_wait3A_33 : memref<320x128xf32, #tpu.memory_space<hbm>>)
      tpu.yield
    }) : () -> ()
    %mul3A_21 = arith.constant 10000 : i32
    %mul3A_22 = arith.muli %add3A, %mul3A_21 : i32
    %scan3A_23 = arith.constant 0 : i32
    %scan3A_24 = arith.constant 25 : i32
    %scan3A_25 = arith.addi %scan3A_23, %scan3A_24 : i32
    %scan3A_26 = arith.constant 1 : i32
    scf.for %scan3A_28 = %scan3A_23 to %scan3A_25 step %scan3A_26  : i32 {
      %mul3A_29 = arith.constant 1 : i32
      %mul3A_30 = arith.muli %scan3A_28, %mul3A_29 : i32
      %add3A_31 = arith.constant 0 : i32
      %add3A_32 = arith.addi %add3A_31, %mul3A_30 : i32
      %mul3A_33 = arith.constant 400 : i32
      %mul3A_34 = arith.muli %add3A_32, %mul3A_33 : i32
      %add3A_35 = arith.addi %mul3A_22, %mul3A_34 : i32
      "tpu.region"() ({
        %run_scoped3A = tpu.sem_alloc : memref<!tpu.dma_semaphore, #tpu.memory_space<semaphore_mem>>
        %dma_start3A = tpu.memref_slice %arg4[%add3A_35] : memref<320512xf32, #tpu.memory_space<hbm>> -> memref<400xf32, #tpu.memory_space<hbm>>
        %dma_start3A_232 = tpu.memref_slice %arg4[%add3A_35] : memref<320512xf32, #tpu.memory_space<hbm>> -> memref<400xf32, #tpu.memory_space<hbm>>
        tpu.enqueue_dma source(%dma_start3A_232 : memref<400xf32, #tpu.memory_space<hbm>>) target(%arg13 : memref<400xf32, #tpu.memory_space<vmem>>) target_semaphore(%run_scoped3A : memref<!tpu.dma_semaphore, #tpu.memory_space<semaphore_mem>>)
        %dma_wait3A = tpu.memref_slice %arg4[%add3A_35] : memref<320512xf32, #tpu.memory_space<hbm>> -> memref<400xf32, #tpu.memory_space<hbm>>
        %dma_wait3A_233 = tpu.memref_slice %arg4[%add3A_35] : memref<320512xf32, #tpu.memory_space<hbm>> -> memref<400xf32, #tpu.memory_space<hbm>>
        tpu.wait_dma2 semaphore(%run_scoped3A : memref<!tpu.dma_semaphore, #tpu.memory_space<semaphore_mem>>) src(%dma_wait3A_233 : memref<400xf32, #tpu.memory_space<hbm>>) dst(%arg13 : memref<400xf32, #tpu.memory_space<vmem>>)
        tpu.yield
      }) : () -> ()
      "tpu.region"() ({
        %run_scoped3A = tpu.sem_alloc : memref<!tpu.dma_semaphore, #tpu.memory_space<semaphore_mem>>
        %dma_start3A = tpu.memref_slice %arg5[%add3A_35] : memref<320000xi32, #tpu.memory_space<hbm>> -> memref<400xi32, #tpu.memory_space<hbm>>
        %dma_start3A_232 = tpu.memref_slice %arg5[%add3A_35] : memref<320000xi32, #tpu.memory_space<hbm>> -> memref<400xi32, #tpu.memory_space<hbm>>
        tpu.enqueue_dma source(%dma_start3A_232 : memref<400xi32, #tpu.memory_space<hbm>>) target(%arg14 : memref<400xi32, #tpu.memory_space<vmem>>) target_semaphore(%run_scoped3A : memref<!tpu.dma_semaphore, #tpu.memory_space<semaphore_mem>>)
        %dma_wait3A = tpu.memref_slice %arg5[%add3A_35] : memref<320000xi32, #tpu.memory_space<hbm>> -> memref<400xi32, #tpu.memory_space<hbm>>
        %dma_wait3A_233 = tpu.memref_slice %arg5[%add3A_35] : memref<320000xi32, #tpu.memory_space<hbm>> -> memref<400xi32, #tpu.memory_space<hbm>>
        tpu.wait_dma2 semaphore(%run_scoped3A : memref<!tpu.dma_semaphore, #tpu.memory_space<semaphore_mem>>) src(%dma_wait3A_233 : memref<400xi32, #tpu.memory_space<hbm>>) dst(%arg14 : memref<400xi32, #tpu.memory_space<vmem>>)
        tpu.yield
      }) : () -> ()
      %get3A = arith.constant 0 : index
      %get3A_36 = tpu.vector_load %arg14[%get3A] {strides = array<i32>} : memref<400xi32, #tpu.memory_space<vmem>>, vector<16xi32>,
      %gather3A = tpu.vector_load_idx %arg11[%get3A_36] : memref<12288xf32, #tpu.memory_space<vmem>>[vector<16xi32>], vector<16xf32>,
      %get3A_37 = arith.constant 0 : index
      %get3A_38 = tpu.vector_load %arg13[%get3A_37] {strides = array<i32>} : memref<400xf32, #tpu.memory_space<vmem>>, vector<16xf32>,
      %div3A = arith.divf %get3A_38, %gather3A : vector<16xf32>
      %swap3A = arith.constant 0 : index
      %swap3A_39 = tpu.vector_load %arg15[%swap3A] {strides = array<i32>} : memref<400xf32, #tpu.memory_space<vmem>>, vector<16xf32>,
      tpu.vector_store %arg15[%swap3A], %div3A {strides = array<i32>} : memref<400xf32, #tpu.memory_space<vmem>>, vector<16xf32>,
      %get3A_40 = arith.constant 16 : index
      %get3A_41 = tpu.vector_load %arg14[%get3A_40] {strides = array<i32>} : memref<400xi32, #tpu.memory_space<vmem>>, vector<16xi32>,
      %gather3A_42 = tpu.vector_load_idx %arg11[%get3A_41] : memref<12288xf32, #tpu.memory_space<vmem>>[vector<16xi32>], vector<16xf32>,
      %get3A_43 = arith.constant 16 : index
      %get3A_44 = tpu.vector_load %arg13[%get3A_43] {strides = array<i32>} : memref<400xf32, #tpu.memory_space<vmem>>, vector<16xf32>,
      %div3A_45 = arith.divf %get3A_44, %gather3A_42 : vector<16xf32>
      %swap3A_46 = arith.constant 16 : index
      %swap3A_47 = tpu.vector_load %arg15[%swap3A_46] {strides = array<i32>} : memref<400xf32, #tpu.memory_space<vmem>>, vector<16xf32>,
      tpu.vector_store %arg15[%swap3A_46], %div3A_45 {strides = array<i32>} : memref<400xf32, #tpu.memory_space<vmem>>, vector<16xf32>,
      %get3A_48 = arith.constant 32 : index
      %get3A_49 = tpu.vector_load %arg14[%get3A_48] {strides = array<i32>} : memref<400xi32, #tpu.memory_space<vmem>>, vector<16xi32>,
      %gather3A_50 = tpu.vector_load_idx %arg11[%get3A_49] : memref<12288xf32, #tpu.memory_space<vmem>>[vector<16xi32>], vector<16xf32>,
      %get3A_51 = arith.constant 32 : index
      %get3A_52 = tpu.vector_load %arg13[%get3A_51] {strides = array<i32>} : memref<400xf32, #tpu.memory_space<vmem>>, vector<16xf32>,
      %div3A_53 = arith.divf %get3A_52, %gather3A_50 : vector<16xf32>
      %swap3A_54 = arith.constant 32 : index
      %swap3A_55 = tpu.vector_load %arg15[%swap3A_54] {strides = array<i32>} : memref<400xf32, #tpu.memory_space<vmem>>, vector<16xf32>,
      tpu.vector_store %arg15[%swap3A_54], %div3A_53 {strides = array<i32>} : memref<400xf32, #tpu.memory_space<vmem>>, vector<16xf32>,
      %get3A_56 = arith.constant 48 : index
      %get3A_57 = tpu.vector_load %arg14[%get3A_56] {strides = array<i32>} : memref<400xi32, #tpu.memory_space<vmem>>, vector<16xi32>,
      %gather3A_58 = tpu.vector_load_idx %arg11[%get3A_57] : memref<12288xf32, #tpu.memory_space<vmem>>[vector<16xi32>], vector<16xf32>,
      %get3A_59 = arith.constant 48 : index
      %get3A_60 = tpu.vector_load %arg13[%get3A_59] {strides = array<i32>} : memref<400xf32, #tpu.memory_space<vmem>>, vector<16xf32>,
      %div3A_61 = arith.divf %get3A_60, %gather3A_58 : vector<16xf32>
      %swap3A_62 = arith.constant 48 : index
      %swap3A_63 = tpu.vector_load %arg15[%swap3A_62] {strides = array<i32>} : memref<400xf32, #tpu.memory_space<vmem>>, vector<16xf32>,
      tpu.vector_store %arg15[%swap3A_62], %div3A_61 {strides = array<i32>} : memref<400xf32, #tpu.memory_space<vmem>>, vector<16xf32>,
      %get3A_64 = arith.constant 64 : index
      %get3A_65 = tpu.vector_load %arg14[%get3A_64] {strides = array<i32>} : memref<400xi32, #tpu.memory_space<vmem>>, vector<16xi32>,
      %gather3A_66 = tpu.vector_load_idx %arg11[%get3A_65] : memref<12288xf32, #tpu.memory_space<vmem>>[vector<16xi32>], vector<16xf32>,
      %get3A_67 = arith.constant 64 : index
      %get3A_68 = tpu.vector_load %arg13[%get3A_67] {strides = array<i32>} : memref<400xf32, #tpu.memory_space<vmem>>, vector<16xf32>,
      %div3A_69 = arith.divf %get3A_68, %gather3A_66 : vector<16xf32>
      %swap3A_70 = arith.constant 64 : index
      %swap3A_71 = tpu.vector_load %arg15[%swap3A_70] {strides = array<i32>} : memref<400xf32, #tpu.memory_space<vmem>>, vector<16xf32>,
      tpu.vector_store %arg15[%swap3A_70], %div3A_69 {strides = array<i32>} : memref<400xf32, #tpu.memory_space<vmem>>, vector<16xf32>,
      %get3A_72 = arith.constant 80 : index
      %get3A_73 = tpu.vector_load %arg14[%get3A_72] {strides = array<i32>} : memref<400xi32, #tpu.memory_space<vmem>>, vector<16xi32>,
      %gather3A_74 = tpu.vector_load_idx %arg11[%get3A_73] : memref<12288xf32, #tpu.memory_space<vmem>>[vector<16xi32>], vector<16xf32>,
      %get3A_75 = arith.constant 80 : index
      %get3A_76 = tpu.vector_load %arg13[%get3A_75] {strides = array<i32>} : memref<400xf32, #tpu.memory_space<vmem>>, vector<16xf32>,
      %div3A_77 = arith.divf %get3A_76, %gather3A_74 : vector<16xf32>
      %swap3A_78 = arith.constant 80 : index
      %swap3A_79 = tpu.vector_load %arg15[%swap3A_78] {strides = array<i32>} : memref<400xf32, #tpu.memory_space<vmem>>, vector<16xf32>,
      tpu.vector_store %arg15[%swap3A_78], %div3A_77 {strides = array<i32>} : memref<400xf32, #tpu.memory_space<vmem>>, vector<16xf32>,
      %get3A_80 = arith.constant 96 : index
      %get3A_81 = tpu.vector_load %arg14[%get3A_80] {strides = array<i32>} : memref<400xi32, #tpu.memory_space<vmem>>, vector<16xi32>,
      %gather3A_82 = tpu.vector_load_idx %arg11[%get3A_81] : memref<12288xf32, #tpu.memory_space<vmem>>[vector<16xi32>], vector<16xf32>,
      %get3A_83 = arith.constant 96 : index
      %get3A_84 = tpu.vector_load %arg13[%get3A_83] {strides = array<i32>} : memref<400xf32, #tpu.memory_space<vmem>>, vector<16xf32>,
      %div3A_85 = arith.divf %get3A_84, %gather3A_82 : vector<16xf32>
      %swap3A_86 = arith.constant 96 : index
      %swap3A_87 = tpu.vector_load %arg15[%swap3A_86] {strides = array<i32>} : memref<400xf32, #tpu.memory_space<vmem>>, vector<16xf32>,
      tpu.vector_store %arg15[%swap3A_86], %div3A_85 {strides = array<i32>} : memref<400xf32, #tpu.memory_space<vmem>>, vector<16xf32>,
      %get3A_88 = arith.constant 112 : index
      %get3A_89 = tpu.vector_load %arg14[%get3A_88] {strides = array<i32>} : memref<400xi32, #tpu.memory_space<vmem>>, vector<16xi32>,
      %gather3A_90 = tpu.vector_load_idx %arg11[%get3A_89] : memref<12288xf32, #tpu.memory_space<vmem>>[vector<16xi32>], vector<16xf32>,
      %get3A_91 = arith.constant 112 : index
      %get3A_92 = tpu.vector_load %arg13[%get3A_91] {strides = array<i32>} : memref<400xf32, #tpu.memory_space<vmem>>, vector<16xf32>,
      %div3A_93 = arith.divf %get3A_92, %gather3A_90 : vector<16xf32>
      %swap3A_94 = arith.constant 112 : index
      %swap3A_95 = tpu.vector_load %arg15[%swap3A_94] {strides = array<i32>} : memref<400xf32, #tpu.memory_space<vmem>>, vector<16xf32>,
      tpu.vector_store %arg15[%swap3A_94], %div3A_93 {strides = array<i32>} : memref<400xf32, #tpu.memory_space<vmem>>, vector<16xf32>,
      %get3A_96 = arith.constant 128 : index
      %get3A_97 = tpu.vector_load %arg14[%get3A_96] {strides = array<i32>} : memref<400xi32, #tpu.memory_space<vmem>>, vector<16xi32>,
      %gather3A_98 = tpu.vector_load_idx %arg11[%get3A_97] : memref<12288xf32, #tpu.memory_space<vmem>>[vector<16xi32>], vector<16xf32>,
      %get3A_99 = arith.constant 128 : index
      %get3A_100 = tpu.vector_load %arg13[%get3A_99] {strides = array<i32>} : memref<400xf32, #tpu.memory_space<vmem>>, vector<16xf32>,
      %div3A_101 = arith.divf %get3A_100, %gather3A_98 : vector<16xf32>
      %swap3A_102 = arith.constant 128 : index
      %swap3A_103 = tpu.vector_load %arg15[%swap3A_102] {strides = array<i32>} : memref<400xf32, #tpu.memory_space<vmem>>, vector<16xf32>,
      tpu.vector_store %arg15[%swap3A_102], %div3A_101 {strides = array<i32>} : memref<400xf32, #tpu.memory_space<vmem>>, vector<16xf32>,
      %get3A_104 = arith.constant 144 : index
      %get3A_105 = tpu.vector_load %arg14[%get3A_104] {strides = array<i32>} : memref<400xi32, #tpu.memory_space<vmem>>, vector<16xi32>,
      %gather3A_106 = tpu.vector_load_idx %arg11[%get3A_105] : memref<12288xf32, #tpu.memory_space<vmem>>[vector<16xi32>], vector<16xf32>,
      %get3A_107 = arith.constant 144 : index
      %get3A_108 = tpu.vector_load %arg13[%get3A_107] {strides = array<i32>} : memref<400xf32, #tpu.memory_space<vmem>>, vector<16xf32>,
      %div3A_109 = arith.divf %get3A_108, %gather3A_106 : vector<16xf32>
      %swap3A_110 = arith.constant 144 : index
      %swap3A_111 = tpu.vector_load %arg15[%swap3A_110] {strides = array<i32>} : memref<400xf32, #tpu.memory_space<vmem>>, vector<16xf32>,
      tpu.vector_store %arg15[%swap3A_110], %div3A_109 {strides = array<i32>} : memref<400xf32, #tpu.memory_space<vmem>>, vector<16xf32>,
      %get3A_112 = arith.constant 160 : index
      %get3A_113 = tpu.vector_load %arg14[%get3A_112] {strides = array<i32>} : memref<400xi32, #tpu.memory_space<vmem>>, vector<16xi32>,
      %gather3A_114 = tpu.vector_load_idx %arg11[%get3A_113] : memref<12288xf32, #tpu.memory_space<vmem>>[vector<16xi32>], vector<16xf32>,
      %get3A_115 = arith.constant 160 : index
      %get3A_116 = tpu.vector_load %arg13[%get3A_115] {strides = array<i32>} : memref<400xf32, #tpu.memory_space<vmem>>, vector<16xf32>,
      %div3A_117 = arith.divf %get3A_116, %gather3A_114 : vector<16xf32>
      %swap3A_118 = arith.constant 160 : index
      %swap3A_119 = tpu.vector_load %arg15[%swap3A_118] {strides = array<i32>} : memref<400xf32, #tpu.memory_space<vmem>>, vector<16xf32>,
      tpu.vector_store %arg15[%swap3A_118], %div3A_117 {strides = array<i32>} : memref<400xf32, #tpu.memory_space<vmem>>, vector<16xf32>,
      %get3A_120 = arith.constant 176 : index
      %get3A_121 = tpu.vector_load %arg14[%get3A_120] {strides = array<i32>} : memref<400xi32, #tpu.memory_space<vmem>>, vector<16xi32>,
      %gather3A_122 = tpu.vector_load_idx %arg11[%get3A_121] : memref<12288xf32, #tpu.memory_space<vmem>>[vector<16xi32>], vector<16xf32>,
      %get3A_123 = arith.constant 176 : index
      %get3A_124 = tpu.vector_load %arg13[%get3A_123] {strides = array<i32>} : memref<400xf32, #tpu.memory_space<vmem>>, vector<16xf32>,
      %div3A_125 = arith.divf %get3A_124, %gather3A_122 : vector<16xf32>
      %swap3A_126 = arith.constant 176 : index
      %swap3A_127 = tpu.vector_load %arg15[%swap3A_126] {strides = array<i32>} : memref<400xf32, #tpu.memory_space<vmem>>, vector<16xf32>,
      tpu.vector_store %arg15[%swap3A_126], %div3A_125 {strides = array<i32>} : memref<400xf32, #tpu.memory_space<vmem>>, vector<16xf32>,
      %get3A_128 = arith.constant 192 : index
      %get3A_129 = tpu.vector_load %arg14[%get3A_128] {strides = array<i32>} : memref<400xi32, #tpu.memory_space<vmem>>, vector<16xi32>,
      %gather3A_130 = tpu.vector_load_idx %arg11[%get3A_129] : memref<12288xf32, #tpu.memory_space<vmem>>[vector<16xi32>], vector<16xf32>,
      %get3A_131 = arith.constant 192 : index
      %get3A_132 = tpu.vector_load %arg13[%get3A_131] {strides = array<i32>} : memref<400xf32, #tpu.memory_space<vmem>>, vector<16xf32>,
      %div3A_133 = arith.divf %get3A_132, %gather3A_130 : vector<16xf32>
      %swap3A_134 = arith.constant 192 : index
      %swap3A_135 = tpu.vector_load %arg15[%swap3A_134] {strides = array<i32>} : memref<400xf32, #tpu.memory_space<vmem>>, vector<16xf32>,
      tpu.vector_store %arg15[%swap3A_134], %div3A_133 {strides = array<i32>} : memref<400xf32, #tpu.memory_space<vmem>>, vector<16xf32>,
      %get3A_136 = arith.constant 208 : index
      %get3A_137 = tpu.vector_load %arg14[%get3A_136] {strides = array<i32>} : memref<400xi32, #tpu.memory_space<vmem>>, vector<16xi32>,
      %gather3A_138 = tpu.vector_load_idx %arg11[%get3A_137] : memref<12288xf32, #tpu.memory_space<vmem>>[vector<16xi32>], vector<16xf32>,
      %get3A_139 = arith.constant 208 : index
      %get3A_140 = tpu.vector_load %arg13[%get3A_139] {strides = array<i32>} : memref<400xf32, #tpu.memory_space<vmem>>, vector<16xf32>,
      %div3A_141 = arith.divf %get3A_140, %gather3A_138 : vector<16xf32>
      %swap3A_142 = arith.constant 208 : index
      %swap3A_143 = tpu.vector_load %arg15[%swap3A_142] {strides = array<i32>} : memref<400xf32, #tpu.memory_space<vmem>>, vector<16xf32>,
      tpu.vector_store %arg15[%swap3A_142], %div3A_141 {strides = array<i32>} : memref<400xf32, #tpu.memory_space<vmem>>, vector<16xf32>,
      %get3A_144 = arith.constant 224 : index
      %get3A_145 = tpu.vector_load %arg14[%get3A_144] {strides = array<i32>} : memref<400xi32, #tpu.memory_space<vmem>>, vector<16xi32>,
      %gather3A_146 = tpu.vector_load_idx %arg11[%get3A_145] : memref<12288xf32, #tpu.memory_space<vmem>>[vector<16xi32>], vector<16xf32>,
      %get3A_147 = arith.constant 224 : index
      %get3A_148 = tpu.vector_load %arg13[%get3A_147] {strides = array<i32>} : memref<400xf32, #tpu.memory_space<vmem>>, vector<16xf32>,
      %div3A_149 = arith.divf %get3A_148, %gather3A_146 : vector<16xf32>
      %swap3A_150 = arith.constant 224 : index
      %swap3A_151 = tpu.vector_load %arg15[%swap3A_150] {strides = array<i32>} : memref<400xf32, #tpu.memory_space<vmem>>, vector<16xf32>,
      tpu.vector_store %arg15[%swap3A_150], %div3A_149 {strides = array<i32>} : memref<400xf32, #tpu.memory_space<vmem>>, vector<16xf32>,
      %get3A_152 = arith.constant 240 : index
      %get3A_153 = tpu.vector_load %arg14[%get3A_152] {strides = array<i32>} : memref<400xi32, #tpu.memory_space<vmem>>, vector<16xi32>,
      %gather3A_154 = tpu.vector_load_idx %arg11[%get3A_153] : memref<12288xf32, #tpu.memory_space<vmem>>[vector<16xi32>], vector<16xf32>,
      %get3A_155 = arith.constant 240 : index
      %get3A_156 = tpu.vector_load %arg13[%get3A_155] {strides = array<i32>} : memref<400xf32, #tpu.memory_space<vmem>>, vector<16xf32>,
      %div3A_157 = arith.divf %get3A_156, %gather3A_154 : vector<16xf32>
      %swap3A_158 = arith.constant 240 : index
      %swap3A_159 = tpu.vector_load %arg15[%swap3A_158] {strides = array<i32>} : memref<400xf32, #tpu.memory_space<vmem>>, vector<16xf32>,
      tpu.vector_store %arg15[%swap3A_158], %div3A_157 {strides = array<i32>} : memref<400xf32, #tpu.memory_space<vmem>>, vector<16xf32>,
      %get3A_160 = arith.constant 256 : index
      %get3A_161 = tpu.vector_load %arg14[%get3A_160] {strides = array<i32>} : memref<400xi32, #tpu.memory_space<vmem>>, vector<16xi32>,
      %gather3A_162 = tpu.vector_load_idx %arg11[%get3A_161] : memref<12288xf32, #tpu.memory_space<vmem>>[vector<16xi32>], vector<16xf32>,
      %get3A_163 = arith.constant 256 : index
      %get3A_164 = tpu.vector_load %arg13[%get3A_163] {strides = array<i32>} : memref<400xf32, #tpu.memory_space<vmem>>, vector<16xf32>,
      %div3A_165 = arith.divf %get3A_164, %gather3A_162 : vector<16xf32>
      %swap3A_166 = arith.constant 256 : index
      %swap3A_167 = tpu.vector_load %arg15[%swap3A_166] {strides = array<i32>} : memref<400xf32, #tpu.memory_space<vmem>>, vector<16xf32>,
      tpu.vector_store %arg15[%swap3A_166], %div3A_165 {strides = array<i32>} : memref<400xf32, #tpu.memory_space<vmem>>, vector<16xf32>,
      %get3A_168 = arith.constant 272 : index
      %get3A_169 = tpu.vector_load %arg14[%get3A_168] {strides = array<i32>} : memref<400xi32, #tpu.memory_space<vmem>>, vector<16xi32>,
      %gather3A_170 = tpu.vector_load_idx %arg11[%get3A_169] : memref<12288xf32, #tpu.memory_space<vmem>>[vector<16xi32>], vector<16xf32>,
      %get3A_171 = arith.constant 272 : index
      %get3A_172 = tpu.vector_load %arg13[%get3A_171] {strides = array<i32>} : memref<400xf32, #tpu.memory_space<vmem>>, vector<16xf32>,
      %div3A_173 = arith.divf %get3A_172, %gather3A_170 : vector<16xf32>
      %swap3A_174 = arith.constant 272 : index
      %swap3A_175 = tpu.vector_load %arg15[%swap3A_174] {strides = array<i32>} : memref<400xf32, #tpu.memory_space<vmem>>, vector<16xf32>,
      tpu.vector_store %arg15[%swap3A_174], %div3A_173 {strides = array<i32>} : memref<400xf32, #tpu.memory_space<vmem>>, vector<16xf32>,
      %get3A_176 = arith.constant 288 : index
      %get3A_177 = tpu.vector_load %arg14[%get3A_176] {strides = array<i32>} : memref<400xi32, #tpu.memory_space<vmem>>, vector<16xi32>,
      %gather3A_178 = tpu.vector_load_idx %arg11[%get3A_177] : memref<12288xf32, #tpu.memory_space<vmem>>[vector<16xi32>], vector<16xf32>,
      %get3A_179 = arith.constant 288 : index
      %get3A_180 = tpu.vector_load %arg13[%get3A_179] {strides = array<i32>} : memref<400xf32, #tpu.memory_space<vmem>>, vector<16xf32>,
      %div3A_181 = arith.divf %get3A_180, %gather3A_178 : vector<16xf32>
      %swap3A_182 = arith.constant 288 : index
      %swap3A_183 = tpu.vector_load %arg15[%swap3A_182] {strides = array<i32>} : memref<400xf32, #tpu.memory_space<vmem>>, vector<16xf32>,
      tpu.vector_store %arg15[%swap3A_182], %div3A_181 {strides = array<i32>} : memref<400xf32, #tpu.memory_space<vmem>>, vector<16xf32>,
      %get3A_184 = arith.constant 304 : index
      %get3A_185 = tpu.vector_load %arg14[%get3A_184] {strides = array<i32>} : memref<400xi32, #tpu.memory_space<vmem>>, vector<16xi32>,
      %gather3A_186 = tpu.vector_load_idx %arg11[%get3A_185] : memref<12288xf32, #tpu.memory_space<vmem>>[vector<16xi32>], vector<16xf32>,
      %get3A_187 = arith.constant 304 : index
      %get3A_188 = tpu.vector_load %arg13[%get3A_187] {strides = array<i32>} : memref<400xf32, #tpu.memory_space<vmem>>, vector<16xf32>,
      %div3A_189 = arith.divf %get3A_188, %gather3A_186 : vector<16xf32>
      %swap3A_190 = arith.constant 304 : index
      %swap3A_191 = tpu.vector_load %arg15[%swap3A_190] {strides = array<i32>} : memref<400xf32, #tpu.memory_space<vmem>>, vector<16xf32>,
      tpu.vector_store %arg15[%swap3A_190], %div3A_189 {strides = array<i32>} : memref<400xf32, #tpu.memory_space<vmem>>, vector<16xf32>,
      %get3A_192 = arith.constant 320 : index
      %get3A_193 = tpu.vector_load %arg14[%get3A_192] {strides = array<i32>} : memref<400xi32, #tpu.memory_space<vmem>>, vector<16xi32>,
      %gather3A_194 = tpu.vector_load_idx %arg11[%get3A_193] : memref<12288xf32, #tpu.memory_space<vmem>>[vector<16xi32>], vector<16xf32>,
      %get3A_195 = arith.constant 320 : index
      %get3A_196 = tpu.vector_load %arg13[%get3A_195] {strides = array<i32>} : memref<400xf32, #tpu.memory_space<vmem>>, vector<16xf32>,
      %div3A_197 = arith.divf %get3A_196, %gather3A_194 : vector<16xf32>
      %swap3A_198 = arith.constant 320 : index
      %swap3A_199 = tpu.vector_load %arg15[%swap3A_198] {strides = array<i32>} : memref<400xf32, #tpu.memory_space<vmem>>, vector<16xf32>,
      tpu.vector_store %arg15[%swap3A_198], %div3A_197 {strides = array<i32>} : memref<400xf32, #tpu.memory_space<vmem>>, vector<16xf32>,
      %get3A_200 = arith.constant 336 : index
      %get3A_201 = tpu.vector_load %arg14[%get3A_200] {strides = array<i32>} : memref<400xi32, #tpu.memory_space<vmem>>, vector<16xi32>,
      %gather3A_202 = tpu.vector_load_idx %arg11[%get3A_201] : memref<12288xf32, #tpu.memory_space<vmem>>[vector<16xi32>], vector<16xf32>,
      %get3A_203 = arith.constant 336 : index
      %get3A_204 = tpu.vector_load %arg13[%get3A_203] {strides = array<i32>} : memref<400xf32, #tpu.memory_space<vmem>>, vector<16xf32>,
      %div3A_205 = arith.divf %get3A_204, %gather3A_202 : vector<16xf32>
      %swap3A_206 = arith.constant 336 : index
      %swap3A_207 = tpu.vector_load %arg15[%swap3A_206] {strides = array<i32>} : memref<400xf32, #tpu.memory_space<vmem>>, vector<16xf32>,
      tpu.vector_store %arg15[%swap3A_206], %div3A_205 {strides = array<i32>} : memref<400xf32, #tpu.memory_space<vmem>>, vector<16xf32>,
      %get3A_208 = arith.constant 352 : index
      %get3A_209 = tpu.vector_load %arg14[%get3A_208] {strides = array<i32>} : memref<400xi32, #tpu.memory_space<vmem>>, vector<16xi32>,
      %gather3A_210 = tpu.vector_load_idx %arg11[%get3A_209] : memref<12288xf32, #tpu.memory_space<vmem>>[vector<16xi32>], vector<16xf32>,
      %get3A_211 = arith.constant 352 : index
      %get3A_212 = tpu.vector_load %arg13[%get3A_211] {strides = array<i32>} : memref<400xf32, #tpu.memory_space<vmem>>, vector<16xf32>,
      %div3A_213 = arith.divf %get3A_212, %gather3A_210 : vector<16xf32>
      %swap3A_214 = arith.constant 352 : index
      %swap3A_215 = tpu.vector_load %arg15[%swap3A_214] {strides = array<i32>} : memref<400xf32, #tpu.memory_space<vmem>>, vector<16xf32>,
      tpu.vector_store %arg15[%swap3A_214], %div3A_213 {strides = array<i32>} : memref<400xf32, #tpu.memory_space<vmem>>, vector<16xf32>,
      %get3A_216 = arith.constant 368 : index
      %get3A_217 = tpu.vector_load %arg14[%get3A_216] {strides = array<i32>} : memref<400xi32, #tpu.memory_space<vmem>>, vector<16xi32>,
      %gather3A_218 = tpu.vector_load_idx %arg11[%get3A_217] : memref<12288xf32, #tpu.memory_space<vmem>>[vector<16xi32>], vector<16xf32>,
      %get3A_219 = arith.constant 368 : index
      %get3A_220 = tpu.vector_load %arg13[%get3A_219] {strides = array<i32>} : memref<400xf32, #tpu.memory_space<vmem>>, vector<16xf32>,
      %div3A_221 = arith.divf %get3A_220, %gather3A_218 : vector<16xf32>
      %swap3A_222 = arith.constant 368 : index
      %swap3A_223 = tpu.vector_load %arg15[%swap3A_222] {strides = array<i32>} : memref<400xf32, #tpu.memory_space<vmem>>, vector<16xf32>,
      tpu.vector_store %arg15[%swap3A_222], %div3A_221 {strides = array<i32>} : memref<400xf32, #tpu.memory_space<vmem>>, vector<16xf32>,
      %get3A_224 = arith.constant 384 : index
      %get3A_225 = tpu.vector_load %arg14[%get3A_224] {strides = array<i32>} : memref<400xi32, #tpu.memory_space<vmem>>, vector<16xi32>,
      %gather3A_226 = tpu.vector_load_idx %arg11[%get3A_225] : memref<12288xf32, #tpu.memory_space<vmem>>[vector<16xi32>], vector<16xf32>,
      %get3A_227 = arith.constant 384 : index
      %get3A_228 = tpu.vector_load %arg13[%get3A_227] {strides = array<i32>} : memref<400xf32, #tpu.memory_space<vmem>>, vector<16xf32>,
      %div3A_229 = arith.divf %get3A_228, %gather3A_226 : vector<16xf32>
      %swap3A_230 = arith.constant 384 : index
      %swap3A_231 = tpu.vector_load %arg15[%swap3A_230] {strides = array<i32>} : memref<400xf32, #tpu.memory_space<vmem>>, vector<16xf32>,
      tpu.vector_store %arg15[%swap3A_230], %div3A_229 {strides = array<i32>} : memref<400xf32, #tpu.memory_space<vmem>>, vector<16xf32>,
      "tpu.region"() ({
        %run_scoped3A = tpu.sem_alloc : memref<!tpu.dma_semaphore, #tpu.memory_space<semaphore_mem>>
        %dma_start3A = tpu.memref_slice %arg7[%add3A_35] : memref<320000xf32, #tpu.memory_space<hbm>> -> memref<400xf32, #tpu.memory_space<hbm>>
        %dma_start3A_232 = tpu.memref_slice %arg7[%add3A_35] : memref<320000xf32, #tpu.memory_space<hbm>> -> memref<400xf32, #tpu.memory_space<hbm>>
        tpu.enqueue_dma source(%arg15 : memref<400xf32, #tpu.memory_space<vmem>>) target(%dma_start3A_232 : memref<400xf32, #tpu.memory_space<hbm>>) target_semaphore(%run_scoped3A : memref<!tpu.dma_semaphore, #tpu.memory_space<semaphore_mem>>)
        %dma_wait3A = tpu.memref_slice %arg7[%add3A_35] : memref<320000xf32, #tpu.memory_space<hbm>> -> memref<400xf32, #tpu.memory_space<hbm>>
        %dma_wait3A_233 = tpu.memref_slice %arg7[%add3A_35] : memref<320000xf32, #tpu.memory_space<hbm>> -> memref<400xf32, #tpu.memory_space<hbm>>
        tpu.wait_dma2 semaphore(%run_scoped3A : memref<!tpu.dma_semaphore, #tpu.memory_space<semaphore_mem>>) src(%arg15 : memref<400xf32, #tpu.memory_space<vmem>>) dst(%dma_wait3A_233 : memref<400xf32, #tpu.memory_space<hbm>>)
        tpu.yield
      }) : () -> ()
    }
    %scan3A_27 = arith.constant 25 : i32
    return
  }
}

#map = affine_map<(d0, d1) -> (0, 0)>
#map1 = affine_map<(d0, d1) -> (0)>
module attributes {stable_mosaic.version = 14 : i64} {
  func.func @_sc1_body(%arg0: i32, %arg1: i32, %arg2: memref<320000x128xf32, #tpu.memory_space<hbm>>, %arg3: memref<320000xi32, #tpu.memory_space<hbm>>, %arg4: memref<320512xf32, #tpu.memory_space<hbm>>, %arg5: memref<20480x128xf32, #tpu.memory_space<hbm>>, %arg6: memref<393216xf32, #tpu.memory_space<hbm>>, %arg7: memref<10240x128xf32, #tpu.memory_space<vmem_shared>>, %arg8: memref<80x128xf32, #tpu.memory_space<vmem>>, %arg9: memref<80x128xf32, #tpu.memory_space<vmem>>, %arg10: memref<32x128xf32, #tpu.memory_space<vmem>>, %arg11: memref<128xf32, #tpu.memory_space<vmem>>, %arg12: memref<80xi32, #tpu.memory_space<vmem>>, %arg13: memref<12288xf32, #tpu.memory_space<vmem>>) attributes {dimension_semantics = [#tpu.dimension_semantics<core_parallel>, #tpu.dimension_semantics<subcore_parallel>], iteration_bounds = array<i64: 2, 16>, scalar_prefetch = 0 : i64, scratch_operands = 7 : i64, tpu.core_type = #tpu.core_type<sc_vector_subcore>, window_params = [{transform_indices = #map}, {transform_indices = #map1}, {transform_indices = #map1}, {transform_indices = #map}, {transform_indices = #map1}]} {
    %mul3A = arith.constant 16 : i32
    %mul3A_0 = arith.muli %arg0, %mul3A : i32
    %add3A = arith.addi %mul3A_0, %arg1 : i32
    %mul3A_1 = arith.constant 10000 : i32
    %mul3A_2 = arith.muli %add3A, %mul3A_1 : i32
    %mul3A_3 = arith.constant 640 : i32
    %mul3A_4 = arith.muli %arg1, %mul3A_3 : i32
    %broadcast_in_dim3A = arith.constant 0.000000e+00 : f32
    %broadcast_in_dim3A_5 = vector.broadcast %broadcast_in_dim3A : f32 to vector<16xf32>
    %scan3A = arith.constant 0 : i32
    %scan3A_6 = arith.constant 768 : i32
    %scan3A_7 = arith.addi %scan3A, %scan3A_6 : i32
    %scan3A_8 = arith.constant 1 : i32
    scf.for %scan3A_36 = %scan3A to %scan3A_7 step %scan3A_8  : i32 {
      %mul3A_37 = arith.constant 1 : i32
      %mul3A_38 = arith.muli %scan3A_36, %mul3A_37 : i32
      %add3A_39 = arith.constant 0 : i32
      %add3A_40 = arith.addi %add3A_39, %mul3A_38 : i32
      %mul3A_41 = arith.constant 16 : i32
      %mul3A_42 = arith.muli %add3A_40, %mul3A_41 : i32
      %swap3A = arith.index_cast %mul3A_42 : i32 to index
      %swap3A_43 = tpu.vector_load %arg13[%swap3A] {strides = array<i32>} : memref<12288xf32, #tpu.memory_space<vmem>>, vector<16xf32>,
      tpu.vector_store %arg13[%swap3A], %broadcast_in_dim3A_5 {strides = array<i32>} : memref<12288xf32, #tpu.memory_space<vmem>>, vector<16xf32>,
    }
    %scan3A_9 = arith.constant 768 : i32
    %scan3A_10 = arith.constant 0 : i32
    %scan3A_11 = arith.constant 32 : i32
    %scan3A_12 = arith.addi %scan3A_10, %scan3A_11 : i32
    %scan3A_13 = arith.constant 1 : i32
    scf.for %scan3A_36 = %scan3A_10 to %scan3A_12 step %scan3A_13  : i32 {
      %mul3A_37 = arith.constant 1 : i32
      %mul3A_38 = arith.muli %scan3A_36, %mul3A_37 : i32
      %add3A_39 = arith.constant 0 : i32
      %add3A_40 = arith.addi %add3A_39, %mul3A_38 : i32
      %swap3A = arith.index_cast %add3A_40 : i32 to index
      %swap3A_41 = arith.constant 0 : index
      %swap3A_42 = tpu.vector_load %arg10[%swap3A, %swap3A_41] {strides = array<i32>} : memref<32x128xf32, #tpu.memory_space<vmem>>, vector<16xf32>,
      tpu.vector_store %arg10[%swap3A, %swap3A_41], %broadcast_in_dim3A_5 {strides = array<i32>} : memref<32x128xf32, #tpu.memory_space<vmem>>, vector<16xf32>,
      %swap3A_43 = arith.index_cast %add3A_40 : i32 to index
      %swap3A_44 = arith.constant 16 : index
      %swap3A_45 = tpu.vector_load %arg10[%swap3A_43, %swap3A_44] {strides = array<i32>} : memref<32x128xf32, #tpu.memory_space<vmem>>, vector<16xf32>,
      tpu.vector_store %arg10[%swap3A_43, %swap3A_44], %broadcast_in_dim3A_5 {strides = array<i32>} : memref<32x128xf32, #tpu.memory_space<vmem>>, vector<16xf32>,
      %swap3A_46 = arith.index_cast %add3A_40 : i32 to index
      %swap3A_47 = arith.constant 32 : index
      %swap3A_48 = tpu.vector_load %arg10[%swap3A_46, %swap3A_47] {strides = array<i32>} : memref<32x128xf32, #tpu.memory_space<vmem>>, vector<16xf32>,
      tpu.vector_store %arg10[%swap3A_46, %swap3A_47], %broadcast_in_dim3A_5 {strides = array<i32>} : memref<32x128xf32, #tpu.memory_space<vmem>>, vector<16xf32>,
      %swap3A_49 = arith.index_cast %add3A_40 : i32 to index
      %swap3A_50 = arith.constant 48 : index
      %swap3A_51 = tpu.vector_load %arg10[%swap3A_49, %swap3A_50] {strides = array<i32>} : memref<32x128xf32, #tpu.memory_space<vmem>>, vector<16xf32>,
      tpu.vector_store %arg10[%swap3A_49, %swap3A_50], %broadcast_in_dim3A_5 {strides = array<i32>} : memref<32x128xf32, #tpu.memory_space<vmem>>, vector<16xf32>,
      %swap3A_52 = arith.index_cast %add3A_40 : i32 to index
      %swap3A_53 = arith.constant 64 : index
      %swap3A_54 = tpu.vector_load %arg10[%swap3A_52, %swap3A_53] {strides = array<i32>} : memref<32x128xf32, #tpu.memory_space<vmem>>, vector<16xf32>,
      tpu.vector_store %arg10[%swap3A_52, %swap3A_53], %broadcast_in_dim3A_5 {strides = array<i32>} : memref<32x128xf32, #tpu.memory_space<vmem>>, vector<16xf32>,
      %swap3A_55 = arith.index_cast %add3A_40 : i32 to index
      %swap3A_56 = arith.constant 80 : index
      %swap3A_57 = tpu.vector_load %arg10[%swap3A_55, %swap3A_56] {strides = array<i32>} : memref<32x128xf32, #tpu.memory_space<vmem>>, vector<16xf32>,
      tpu.vector_store %arg10[%swap3A_55, %swap3A_56], %broadcast_in_dim3A_5 {strides = array<i32>} : memref<32x128xf32, #tpu.memory_space<vmem>>, vector<16xf32>,
      %swap3A_58 = arith.index_cast %add3A_40 : i32 to index
      %swap3A_59 = arith.constant 96 : index
      %swap3A_60 = tpu.vector_load %arg10[%swap3A_58, %swap3A_59] {strides = array<i32>} : memref<32x128xf32, #tpu.memory_space<vmem>>, vector<16xf32>,
      tpu.vector_store %arg10[%swap3A_58, %swap3A_59], %broadcast_in_dim3A_5 {strides = array<i32>} : memref<32x128xf32, #tpu.memory_space<vmem>>, vector<16xf32>,
      %swap3A_61 = arith.index_cast %add3A_40 : i32 to index
      %swap3A_62 = arith.constant 112 : index
      %swap3A_63 = tpu.vector_load %arg10[%swap3A_61, %swap3A_62] {strides = array<i32>} : memref<32x128xf32, #tpu.memory_space<vmem>>, vector<16xf32>,
      tpu.vector_store %arg10[%swap3A_61, %swap3A_62], %broadcast_in_dim3A_5 {strides = array<i32>} : memref<32x128xf32, #tpu.memory_space<vmem>>, vector<16xf32>,
    }
    %scan3A_14 = arith.constant 32 : i32
    %scan3A_15 = arith.constant 0 : i32
    %scan3A_16 = arith.constant 20 : i32
    %scan3A_17 = arith.addi %scan3A_15, %scan3A_16 : i32
    %scan3A_18 = arith.constant 1 : i32
    scf.for %scan3A_36 = %scan3A_15 to %scan3A_17 step %scan3A_18  : i32 {
      %mul3A_37 = arith.constant 1 : i32
      %mul3A_38 = arith.muli %scan3A_36, %mul3A_37 : i32
      %add3A_39 = arith.constant 0 : i32
      %add3A_40 = arith.addi %add3A_39, %mul3A_38 : i32
      %mul3A_41 = arith.constant 32 : i32
      %mul3A_42 = arith.muli %add3A_40, %mul3A_41 : i32
      %add3A_43 = arith.addi %mul3A_4, %mul3A_42 : i32
      "tpu.region"() ({
        %run_scoped3A = tpu.sem_alloc : memref<!tpu.dma_semaphore, #tpu.memory_space<semaphore_mem>>
        %dma_start3A = arith.constant 0 : i32
        %dma_start3A_44 = tpu.memref_slice %arg7[%add3A_43, %dma_start3A] : memref<10240x128xf32, #tpu.memory_space<vmem_shared>> -> memref<32x128xf32, #tpu.memory_space<vmem_shared>>
        %dma_start3A_45 = arith.constant 0 : i32
        %dma_start3A_46 = tpu.memref_slice %arg7[%add3A_43, %dma_start3A_45] : memref<10240x128xf32, #tpu.memory_space<vmem_shared>> -> memref<32x128xf32, #tpu.memory_space<vmem_shared>>
        tpu.enqueue_dma source(%arg10 : memref<32x128xf32, #tpu.memory_space<vmem>>) target(%dma_start3A_46 : memref<32x128xf32, #tpu.memory_space<vmem_shared>>) target_semaphore(%run_scoped3A : memref<!tpu.dma_semaphore, #tpu.memory_space<semaphore_mem>>)
        %dma_wait3A = arith.constant 0 : i32
        %dma_wait3A_47 = tpu.memref_slice %arg7[%add3A_43, %dma_wait3A] : memref<10240x128xf32, #tpu.memory_space<vmem_shared>> -> memref<32x128xf32, #tpu.memory_space<vmem_shared>>
        %dma_wait3A_48 = arith.constant 0 : i32
        %dma_wait3A_49 = tpu.memref_slice %arg7[%add3A_43, %dma_wait3A_48] : memref<10240x128xf32, #tpu.memory_space<vmem_shared>> -> memref<32x128xf32, #tpu.memory_space<vmem_shared>>
        tpu.wait_dma2 semaphore(%run_scoped3A : memref<!tpu.dma_semaphore, #tpu.memory_space<semaphore_mem>>) src(%arg10 : memref<32x128xf32, #tpu.memory_space<vmem>>) dst(%dma_wait3A_49 : memref<32x128xf32, #tpu.memory_space<vmem_shared>>)
        tpu.yield
      }) : () -> ()
    }
    %scan3A_19 = arith.constant 20 : i32
    %barrier3A = arith.constant 0 : index
    tpu.barrier barrier_id(%barrier3A)
    %scan3A_20 = arith.constant 0 : i32
    %scan3A_21 = arith.constant 125 : i32
    %scan3A_22 = arith.addi %scan3A_20, %scan3A_21 : i32
    %scan3A_23 = arith.constant 1 : i32
    scf.for %scan3A_36 = %scan3A_20 to %scan3A_22 step %scan3A_23  : i32 {
      %mul3A_37 = arith.constant 1 : i32
      %mul3A_38 = arith.muli %scan3A_36, %mul3A_37 : i32
      %add3A_39 = arith.constant 0 : i32
      %add3A_40 = arith.addi %add3A_39, %mul3A_38 : i32
      %mul3A_41 = arith.constant 80 : i32
      %mul3A_42 = arith.muli %add3A_40, %mul3A_41 : i32
      %add3A_43 = arith.addi %mul3A_2, %mul3A_42 : i32
      "tpu.region"() ({
        %run_scoped3A = tpu.sem_alloc : memref<!tpu.dma_semaphore, #tpu.memory_space<semaphore_mem>>
        %dma_start3A = arith.constant 0 : i32
        %dma_start3A_68 = tpu.memref_slice %arg2[%add3A_43, %dma_start3A] : memref<320000x128xf32, #tpu.memory_space<hbm>> -> memref<80x128xf32, #tpu.memory_space<hbm>>
        %dma_start3A_69 = arith.constant 0 : i32
        %dma_start3A_70 = tpu.memref_slice %arg2[%add3A_43, %dma_start3A_69] : memref<320000x128xf32, #tpu.memory_space<hbm>> -> memref<80x128xf32, #tpu.memory_space<hbm>>
        tpu.enqueue_dma source(%dma_start3A_70 : memref<80x128xf32, #tpu.memory_space<hbm>>) target(%arg8 : memref<80x128xf32, #tpu.memory_space<vmem>>) target_semaphore(%run_scoped3A : memref<!tpu.dma_semaphore, #tpu.memory_space<semaphore_mem>>)
        %dma_wait3A = arith.constant 0 : i32
        %dma_wait3A_71 = tpu.memref_slice %arg2[%add3A_43, %dma_wait3A] : memref<320000x128xf32, #tpu.memory_space<hbm>> -> memref<80x128xf32, #tpu.memory_space<hbm>>
        %dma_wait3A_72 = arith.constant 0 : i32
        %dma_wait3A_73 = tpu.memref_slice %arg2[%add3A_43, %dma_wait3A_72] : memref<320000x128xf32, #tpu.memory_space<hbm>> -> memref<80x128xf32, #tpu.memory_space<hbm>>
        tpu.wait_dma2 semaphore(%run_scoped3A : memref<!tpu.dma_semaphore, #tpu.memory_space<semaphore_mem>>) src(%dma_wait3A_73 : memref<80x128xf32, #tpu.memory_space<hbm>>) dst(%arg8 : memref<80x128xf32, #tpu.memory_space<vmem>>)
        tpu.yield
      }) : () -> ()
      "tpu.region"() ({
        %run_scoped3A = tpu.sem_alloc : memref<!tpu.dma_semaphore, #tpu.memory_space<semaphore_mem>>
        %dma_start3A = arith.constant 0 : i32
        %dma_start3A_68 = tpu.memref_slice %arg11[%dma_start3A] : memref<128xf32, #tpu.memory_space<vmem>> -> memref<80xf32, #tpu.memory_space<vmem>>
        %dma_start3A_69 = tpu.memref_slice %arg4[%add3A_43] : memref<320512xf32, #tpu.memory_space<hbm>> -> memref<80xf32, #tpu.memory_space<hbm>>
        %dma_start3A_70 = arith.constant 0 : i32
        %dma_start3A_71 = tpu.memref_slice %arg11[%dma_start3A_70] : memref<128xf32, #tpu.memory_space<vmem>> -> memref<80xf32, #tpu.memory_space<vmem>>
        %dma_start3A_72 = tpu.memref_slice %arg4[%add3A_43] : memref<320512xf32, #tpu.memory_space<hbm>> -> memref<80xf32, #tpu.memory_space<hbm>>
        tpu.enqueue_dma source(%dma_start3A_72 : memref<80xf32, #tpu.memory_space<hbm>>) target(%dma_start3A_71 : memref<80xf32, #tpu.memory_space<vmem>>) target_semaphore(%run_scoped3A : memref<!tpu.dma_semaphore, #tpu.memory_space<semaphore_mem>>)
        %dma_wait3A = arith.constant 0 : i32
        %dma_wait3A_73 = tpu.memref_slice %arg11[%dma_wait3A] : memref<128xf32, #tpu.memory_space<vmem>> -> memref<80xf32, #tpu.memory_space<vmem>>
        %dma_wait3A_74 = tpu.memref_slice %arg4[%add3A_43] : memref<320512xf32, #tpu.memory_space<hbm>> -> memref<80xf32, #tpu.memory_space<hbm>>
        %dma_wait3A_75 = arith.constant 0 : i32
        %dma_wait3A_76 = tpu.memref_slice %arg11[%dma_wait3A_75] : memref<128xf32, #tpu.memory_space<vmem>> -> memref<80xf32, #tpu.memory_space<vmem>>
        %dma_wait3A_77 = tpu.memref_slice %arg4[%add3A_43] : memref<320512xf32, #tpu.memory_space<hbm>> -> memref<80xf32, #tpu.memory_space<hbm>>
        tpu.wait_dma2 semaphore(%run_scoped3A : memref<!tpu.dma_semaphore, #tpu.memory_space<semaphore_mem>>) src(%dma_wait3A_77 : memref<80xf32, #tpu.memory_space<hbm>>) dst(%dma_wait3A_76 : memref<80xf32, #tpu.memory_space<vmem>>)
        tpu.yield
      }) : () -> ()
      "tpu.region"() ({
        %run_scoped3A = tpu.sem_alloc : memref<!tpu.dma_semaphore, #tpu.memory_space<semaphore_mem>>
        %dma_start3A = tpu.memref_slice %arg3[%add3A_43] : memref<320000xi32, #tpu.memory_space<hbm>> -> memref<80xi32, #tpu.memory_space<hbm>>
        %dma_start3A_68 = tpu.memref_slice %arg3[%add3A_43] : memref<320000xi32, #tpu.memory_space<hbm>> -> memref<80xi32, #tpu.memory_space<hbm>>
        tpu.enqueue_dma source(%dma_start3A_68 : memref<80xi32, #tpu.memory_space<hbm>>) target(%arg12 : memref<80xi32, #tpu.memory_space<vmem>>) target_semaphore(%run_scoped3A : memref<!tpu.dma_semaphore, #tpu.memory_space<semaphore_mem>>)
        %dma_wait3A = tpu.memref_slice %arg3[%add3A_43] : memref<320000xi32, #tpu.memory_space<hbm>> -> memref<80xi32, #tpu.memory_space<hbm>>
        %dma_wait3A_69 = tpu.memref_slice %arg3[%add3A_43] : memref<320000xi32, #tpu.memory_space<hbm>> -> memref<80xi32, #tpu.memory_space<hbm>>
        tpu.wait_dma2 semaphore(%run_scoped3A : memref<!tpu.dma_semaphore, #tpu.memory_space<semaphore_mem>>) src(%dma_wait3A_69 : memref<80xi32, #tpu.memory_space<hbm>>) dst(%arg12 : memref<80xi32, #tpu.memory_space<vmem>>)
        tpu.yield
      }) : () -> ()
      %scan3A_44 = arith.constant 0 : i32
      %scan3A_45 = arith.constant 80 : i32
      %scan3A_46 = arith.addi %scan3A_44, %scan3A_45 : i32
      %scan3A_47 = arith.constant 8 : i32
      scf.for %scan3A_68 = %scan3A_44 to %scan3A_46 step %scan3A_47  : i32 {
        %mul3A_69 = arith.constant 1 : i32
        %mul3A_70 = arith.muli %scan3A_68, %mul3A_69 : i32
        %add3A_71 = arith.constant 0 : i32
        %add3A_72 = arith.addi %add3A_71, %mul3A_70 : i32
        %broadcast_in_dim3A_73 = vector.broadcast %add3A_72 : i32 to vector<16xi32>
        %gather3A = tpu.vector_load_idx %arg11[%broadcast_in_dim3A_73] : memref<128xf32, #tpu.memory_space<vmem>>[vector<16xi32>], vector<16xf32>,
        %get3A_74 = arith.index_cast %add3A_72 : i32 to index
        %get3A_75 = arith.constant 0 : index
        %get3A_76 = tpu.vector_load %arg8[%get3A_74, %get3A_75] {strides = array<i32>} : memref<80x128xf32, #tpu.memory_space<vmem>>, vector<16xf32>,
        %mul3A_77 = arith.mulf %get3A_76, %gather3A : vector<16xf32>
        %swap3A = arith.index_cast %add3A_72 : i32 to index
        %swap3A_78 = arith.constant 0 : index
        %swap3A_79 = tpu.vector_load %arg9[%swap3A, %swap3A_78] {strides = array<i32>} : memref<80x128xf32, #tpu.memory_space<vmem>>, vector<16xf32>,
        tpu.vector_store %arg9[%swap3A, %swap3A_78], %mul3A_77 {strides = array<i32>} : memref<80x128xf32, #tpu.memory_space<vmem>>, vector<16xf32>,
        %get3A_80 = arith.index_cast %add3A_72 : i32 to index
        %get3A_81 = arith.constant 16 : index
        %get3A_82 = tpu.vector_load %arg8[%get3A_80, %get3A_81] {strides = array<i32>} : memref<80x128xf32, #tpu.memory_space<vmem>>, vector<16xf32>,
        %mul3A_83 = arith.mulf %get3A_82, %gather3A : vector<16xf32>
        %swap3A_84 = arith.index_cast %add3A_72 : i32 to index
        %swap3A_85 = arith.constant 16 : index
        %swap3A_86 = tpu.vector_load %arg9[%swap3A_84, %swap3A_85] {strides = array<i32>} : memref<80x128xf32, #tpu.memory_space<vmem>>, vector<16xf32>,
        tpu.vector_store %arg9[%swap3A_84, %swap3A_85], %mul3A_83 {strides = array<i32>} : memref<80x128xf32, #tpu.memory_space<vmem>>, vector<16xf32>,
        %get3A_87 = arith.index_cast %add3A_72 : i32 to index
        %get3A_88 = arith.constant 32 : index
        %get3A_89 = tpu.vector_load %arg8[%get3A_87, %get3A_88] {strides = array<i32>} : memref<80x128xf32, #tpu.memory_space<vmem>>, vector<16xf32>,
        %mul3A_90 = arith.mulf %get3A_89, %gather3A : vector<16xf32>
        %swap3A_91 = arith.index_cast %add3A_72 : i32 to index
        %swap3A_92 = arith.constant 32 : index
        %swap3A_93 = tpu.vector_load %arg9[%swap3A_91, %swap3A_92] {strides = array<i32>} : memref<80x128xf32, #tpu.memory_space<vmem>>, vector<16xf32>,
        tpu.vector_store %arg9[%swap3A_91, %swap3A_92], %mul3A_90 {strides = array<i32>} : memref<80x128xf32, #tpu.memory_space<vmem>>, vector<16xf32>,
        %get3A_94 = arith.index_cast %add3A_72 : i32 to index
        %get3A_95 = arith.constant 48 : index
        %get3A_96 = tpu.vector_load %arg8[%get3A_94, %get3A_95] {strides = array<i32>} : memref<80x128xf32, #tpu.memory_space<vmem>>, vector<16xf32>,
        %mul3A_97 = arith.mulf %get3A_96, %gather3A : vector<16xf32>
        %swap3A_98 = arith.index_cast %add3A_72 : i32 to index
        %swap3A_99 = arith.constant 48 : index
        %swap3A_100 = tpu.vector_load %arg9[%swap3A_98, %swap3A_99] {strides = array<i32>} : memref<80x128xf32, #tpu.memory_space<vmem>>, vector<16xf32>,
        tpu.vector_store %arg9[%swap3A_98, %swap3A_99], %mul3A_97 {strides = array<i32>} : memref<80x128xf32, #tpu.memory_space<vmem>>, vector<16xf32>,
        %get3A_101 = arith.index_cast %add3A_72 : i32 to index
        %get3A_102 = arith.constant 64 : index
        %get3A_103 = tpu.vector_load %arg8[%get3A_101, %get3A_102] {strides = array<i32>} : memref<80x128xf32, #tpu.memory_space<vmem>>, vector<16xf32>,
        %mul3A_104 = arith.mulf %get3A_103, %gather3A : vector<16xf32>
        %swap3A_105 = arith.index_cast %add3A_72 : i32 to index
        %swap3A_106 = arith.constant 64 : index
        %swap3A_107 = tpu.vector_load %arg9[%swap3A_105, %swap3A_106] {strides = array<i32>} : memref<80x128xf32, #tpu.memory_space<vmem>>, vector<16xf32>,
        tpu.vector_store %arg9[%swap3A_105, %swap3A_106], %mul3A_104 {strides = array<i32>} : memref<80x128xf32, #tpu.memory_space<vmem>>, vector<16xf32>,
        %get3A_108 = arith.index_cast %add3A_72 : i32 to index
        %get3A_109 = arith.constant 80 : index
        %get3A_110 = tpu.vector_load %arg8[%get3A_108, %get3A_109] {strides = array<i32>} : memref<80x128xf32, #tpu.memory_space<vmem>>, vector<16xf32>,
        %mul3A_111 = arith.mulf %get3A_110, %gather3A : vector<16xf32>
        %swap3A_112 = arith.index_cast %add3A_72 : i32 to index
        %swap3A_113 = arith.constant 80 : index
        %swap3A_114 = tpu.vector_load %arg9[%swap3A_112, %swap3A_113] {strides = array<i32>} : memref<80x128xf32, #tpu.memory_space<vmem>>, vector<16xf32>,
        tpu.vector_store %arg9[%swap3A_112, %swap3A_113], %mul3A_111 {strides = array<i32>} : memref<80x128xf32, #tpu.memory_space<vmem>>, vector<16xf32>,
        %get3A_115 = arith.index_cast %add3A_72 : i32 to index
        %get3A_116 = arith.constant 96 : index
        %get3A_117 = tpu.vector_load %arg8[%get3A_115, %get3A_116] {strides = array<i32>} : memref<80x128xf32, #tpu.memory_space<vmem>>, vector<16xf32>,
        %mul3A_118 = arith.mulf %get3A_117, %gather3A : vector<16xf32>
        %swap3A_119 = arith.index_cast %add3A_72 : i32 to index
        %swap3A_120 = arith.constant 96 : index
        %swap3A_121 = tpu.vector_load %arg9[%swap3A_119, %swap3A_120] {strides = array<i32>} : memref<80x128xf32, #tpu.memory_space<vmem>>, vector<16xf32>,
        tpu.vector_store %arg9[%swap3A_119, %swap3A_120], %mul3A_118 {strides = array<i32>} : memref<80x128xf32, #tpu.memory_space<vmem>>, vector<16xf32>,
        %get3A_122 = arith.index_cast %add3A_72 : i32 to index
        %get3A_123 = arith.constant 112 : index
        %get3A_124 = tpu.vector_load %arg8[%get3A_122, %get3A_123] {strides = array<i32>} : memref<80x128xf32, #tpu.memory_space<vmem>>, vector<16xf32>,
        %mul3A_125 = arith.mulf %get3A_124, %gather3A : vector<16xf32>
        %swap3A_126 = arith.index_cast %add3A_72 : i32 to index
        %swap3A_127 = arith.constant 112 : index
        %swap3A_128 = tpu.vector_load %arg9[%swap3A_126, %swap3A_127] {strides = array<i32>} : memref<80x128xf32, #tpu.memory_space<vmem>>, vector<16xf32>,
        tpu.vector_store %arg9[%swap3A_126, %swap3A_127], %mul3A_125 {strides = array<i32>} : memref<80x128xf32, #tpu.memory_space<vmem>>, vector<16xf32>,
        %scan3A_129 = arith.constant 1 : i32
        %scan3A_130 = arith.addi %scan3A_68, %scan3A_129 : i32
        %mul3A_131 = arith.constant 1 : i32
        %mul3A_132 = arith.muli %scan3A_130, %mul3A_131 : i32
        %add3A_133 = arith.constant 0 : i32
        %add3A_134 = arith.addi %add3A_133, %mul3A_132 : i32
        %broadcast_in_dim3A_135 = vector.broadcast %add3A_134 : i32 to vector<16xi32>
        %gather3A_136 = tpu.vector_load_idx %arg11[%broadcast_in_dim3A_135] : memref<128xf32, #tpu.memory_space<vmem>>[vector<16xi32>], vector<16xf32>,
        %get3A_137 = arith.index_cast %add3A_134 : i32 to index
        %get3A_138 = arith.constant 0 : index
        %get3A_139 = tpu.vector_load %arg8[%get3A_137, %get3A_138] {strides = array<i32>} : memref<80x128xf32, #tpu.memory_space<vmem>>, vector<16xf32>,
        %mul3A_140 = arith.mulf %get3A_139, %gather3A_136 : vector<16xf32>
        %swap3A_141 = arith.index_cast %add3A_134 : i32 to index
        %swap3A_142 = arith.constant 0 : index
        %swap3A_143 = tpu.vector_load %arg9[%swap3A_141, %swap3A_142] {strides = array<i32>} : memref<80x128xf32, #tpu.memory_space<vmem>>, vector<16xf32>,
        tpu.vector_store %arg9[%swap3A_141, %swap3A_142], %mul3A_140 {strides = array<i32>} : memref<80x128xf32, #tpu.memory_space<vmem>>, vector<16xf32>,
        %get3A_144 = arith.index_cast %add3A_134 : i32 to index
        %get3A_145 = arith.constant 16 : index
        %get3A_146 = tpu.vector_load %arg8[%get3A_144, %get3A_145] {strides = array<i32>} : memref<80x128xf32, #tpu.memory_space<vmem>>, vector<16xf32>,
        %mul3A_147 = arith.mulf %get3A_146, %gather3A_136 : vector<16xf32>
        %swap3A_148 = arith.index_cast %add3A_134 : i32 to index
        %swap3A_149 = arith.constant 16 : index
        %swap3A_150 = tpu.vector_load %arg9[%swap3A_148, %swap3A_149] {strides = array<i32>} : memref<80x128xf32, #tpu.memory_space<vmem>>, vector<16xf32>,
        tpu.vector_store %arg9[%swap3A_148, %swap3A_149], %mul3A_147 {strides = array<i32>} : memref<80x128xf32, #tpu.memory_space<vmem>>, vector<16xf32>,
        %get3A_151 = arith.index_cast %add3A_134 : i32 to index
        %get3A_152 = arith.constant 32 : index
        %get3A_153 = tpu.vector_load %arg8[%get3A_151, %get3A_152] {strides = array<i32>} : memref<80x128xf32, #tpu.memory_space<vmem>>, vector<16xf32>,
        %mul3A_154 = arith.mulf %get3A_153, %gather3A_136 : vector<16xf32>
        %swap3A_155 = arith.index_cast %add3A_134 : i32 to index
        %swap3A_156 = arith.constant 32 : index
        %swap3A_157 = tpu.vector_load %arg9[%swap3A_155, %swap3A_156] {strides = array<i32>} : memref<80x128xf32, #tpu.memory_space<vmem>>, vector<16xf32>,
        tpu.vector_store %arg9[%swap3A_155, %swap3A_156], %mul3A_154 {strides = array<i32>} : memref<80x128xf32, #tpu.memory_space<vmem>>, vector<16xf32>,
        %get3A_158 = arith.index_cast %add3A_134 : i32 to index
        %get3A_159 = arith.constant 48 : index
        %get3A_160 = tpu.vector_load %arg8[%get3A_158, %get3A_159] {strides = array<i32>} : memref<80x128xf32, #tpu.memory_space<vmem>>, vector<16xf32>,
        %mul3A_161 = arith.mulf %get3A_160, %gather3A_136 : vector<16xf32>
        %swap3A_162 = arith.index_cast %add3A_134 : i32 to index
        %swap3A_163 = arith.constant 48 : index
        %swap3A_164 = tpu.vector_load %arg9[%swap3A_162, %swap3A_163] {strides = array<i32>} : memref<80x128xf32, #tpu.memory_space<vmem>>, vector<16xf32>,
        tpu.vector_store %arg9[%swap3A_162, %swap3A_163], %mul3A_161 {strides = array<i32>} : memref<80x128xf32, #tpu.memory_space<vmem>>, vector<16xf32>,
        %get3A_165 = arith.index_cast %add3A_134 : i32 to index
        %get3A_166 = arith.constant 64 : index
        %get3A_167 = tpu.vector_load %arg8[%get3A_165, %get3A_166] {strides = array<i32>} : memref<80x128xf32, #tpu.memory_space<vmem>>, vector<16xf32>,
        %mul3A_168 = arith.mulf %get3A_167, %gather3A_136 : vector<16xf32>
        %swap3A_169 = arith.index_cast %add3A_134 : i32 to index
        %swap3A_170 = arith.constant 64 : index
        %swap3A_171 = tpu.vector_load %arg9[%swap3A_169, %swap3A_170] {strides = array<i32>} : memref<80x128xf32, #tpu.memory_space<vmem>>, vector<16xf32>,
        tpu.vector_store %arg9[%swap3A_169, %swap3A_170], %mul3A_168 {strides = array<i32>} : memref<80x128xf32, #tpu.memory_space<vmem>>, vector<16xf32>,
        %get3A_172 = arith.index_cast %add3A_134 : i32 to index
        %get3A_173 = arith.constant 80 : index
        %get3A_174 = tpu.vector_load %arg8[%get3A_172, %get3A_173] {strides = array<i32>} : memref<80x128xf32, #tpu.memory_space<vmem>>, vector<16xf32>,
        %mul3A_175 = arith.mulf %get3A_174, %gather3A_136 : vector<16xf32>
        %swap3A_176 = arith.index_cast %add3A_134 : i32 to index
        %swap3A_177 = arith.constant 80 : index
        %swap3A_178 = tpu.vector_load %arg9[%swap3A_176, %swap3A_177] {strides = array<i32>} : memref<80x128xf32, #tpu.memory_space<vmem>>, vector<16xf32>,
        tpu.vector_store %arg9[%swap3A_176, %swap3A_177], %mul3A_175 {strides = array<i32>} : memref<80x128xf32, #tpu.memory_space<vmem>>, vector<16xf32>,
        %get3A_179 = arith.index_cast %add3A_134 : i32 to index
        %get3A_180 = arith.constant 96 : index
        %get3A_181 = tpu.vector_load %arg8[%get3A_179, %get3A_180] {strides = array<i32>} : memref<80x128xf32, #tpu.memory_space<vmem>>, vector<16xf32>,
        %mul3A_182 = arith.mulf %get3A_181, %gather3A_136 : vector<16xf32>
        %swap3A_183 = arith.index_cast %add3A_134 : i32 to index
        %swap3A_184 = arith.constant 96 : index
        %swap3A_185 = tpu.vector_load %arg9[%swap3A_183, %swap3A_184] {strides = array<i32>} : memref<80x128xf32, #tpu.memory_space<vmem>>, vector<16xf32>,
        tpu.vector_store %arg9[%swap3A_183, %swap3A_184], %mul3A_182 {strides = array<i32>} : memref<80x128xf32, #tpu.memory_space<vmem>>, vector<16xf32>,
        %get3A_186 = arith.index_cast %add3A_134 : i32 to index
        %get3A_187 = arith.constant 112 : index
        %get3A_188 = tpu.vector_load %arg8[%get3A_186, %get3A_187] {strides = array<i32>} : memref<80x128xf32, #tpu.memory_space<vmem>>, vector<16xf32>,
        %mul3A_189 = arith.mulf %get3A_188, %gather3A_136 : vector<16xf32>
        %swap3A_190 = arith.index_cast %add3A_134 : i32 to index
        %swap3A_191 = arith.constant 112 : index
        %swap3A_192 = tpu.vector_load %arg9[%swap3A_190, %swap3A_191] {strides = array<i32>} : memref<80x128xf32, #tpu.memory_space<vmem>>, vector<16xf32>,
        tpu.vector_store %arg9[%swap3A_190, %swap3A_191], %mul3A_189 {strides = array<i32>} : memref<80x128xf32, #tpu.memory_space<vmem>>, vector<16xf32>,
        %scan3A_193 = arith.constant 2 : i32
        %scan3A_194 = arith.addi %scan3A_68, %scan3A_193 : i32
        %mul3A_195 = arith.constant 1 : i32
        %mul3A_196 = arith.muli %scan3A_194, %mul3A_195 : i32
        %add3A_197 = arith.constant 0 : i32
        %add3A_198 = arith.addi %add3A_197, %mul3A_196 : i32
        %broadcast_in_dim3A_199 = vector.broadcast %add3A_198 : i32 to vector<16xi32>
        %gather3A_200 = tpu.vector_load_idx %arg11[%broadcast_in_dim3A_199] : memref<128xf32, #tpu.memory_space<vmem>>[vector<16xi32>], vector<16xf32>,
        %get3A_201 = arith.index_cast %add3A_198 : i32 to index
        %get3A_202 = arith.constant 0 : index
        %get3A_203 = tpu.vector_load %arg8[%get3A_201, %get3A_202] {strides = array<i32>} : memref<80x128xf32, #tpu.memory_space<vmem>>, vector<16xf32>,
        %mul3A_204 = arith.mulf %get3A_203, %gather3A_200 : vector<16xf32>
        %swap3A_205 = arith.index_cast %add3A_198 : i32 to index
        %swap3A_206 = arith.constant 0 : index
        %swap3A_207 = tpu.vector_load %arg9[%swap3A_205, %swap3A_206] {strides = array<i32>} : memref<80x128xf32, #tpu.memory_space<vmem>>, vector<16xf32>,
        tpu.vector_store %arg9[%swap3A_205, %swap3A_206], %mul3A_204 {strides = array<i32>} : memref<80x128xf32, #tpu.memory_space<vmem>>, vector<16xf32>,
        %get3A_208 = arith.index_cast %add3A_198 : i32 to index
        %get3A_209 = arith.constant 16 : index
        %get3A_210 = tpu.vector_load %arg8[%get3A_208, %get3A_209] {strides = array<i32>} : memref<80x128xf32, #tpu.memory_space<vmem>>, vector<16xf32>,
        %mul3A_211 = arith.mulf %get3A_210, %gather3A_200 : vector<16xf32>
        %swap3A_212 = arith.index_cast %add3A_198 : i32 to index
        %swap3A_213 = arith.constant 16 : index
        %swap3A_214 = tpu.vector_load %arg9[%swap3A_212, %swap3A_213] {strides = array<i32>} : memref<80x128xf32, #tpu.memory_space<vmem>>, vector<16xf32>,
        tpu.vector_store %arg9[%swap3A_212, %swap3A_213], %mul3A_211 {strides = array<i32>} : memref<80x128xf32, #tpu.memory_space<vmem>>, vector<16xf32>,
        %get3A_215 = arith.index_cast %add3A_198 : i32 to index
        %get3A_216 = arith.constant 32 : index
        %get3A_217 = tpu.vector_load %arg8[%get3A_215, %get3A_216] {strides = array<i32>} : memref<80x128xf32, #tpu.memory_space<vmem>>, vector<16xf32>,
        %mul3A_218 = arith.mulf %get3A_217, %gather3A_200 : vector<16xf32>
        %swap3A_219 = arith.index_cast %add3A_198 : i32 to index
        %swap3A_220 = arith.constant 32 : index
        %swap3A_221 = tpu.vector_load %arg9[%swap3A_219, %swap3A_220] {strides = array<i32>} : memref<80x128xf32, #tpu.memory_space<vmem>>, vector<16xf32>,
        tpu.vector_store %arg9[%swap3A_219, %swap3A_220], %mul3A_218 {strides = array<i32>} : memref<80x128xf32, #tpu.memory_space<vmem>>, vector<16xf32>,
        %get3A_222 = arith.index_cast %add3A_198 : i32 to index
        %get3A_223 = arith.constant 48 : index
        %get3A_224 = tpu.vector_load %arg8[%get3A_222, %get3A_223] {strides = array<i32>} : memref<80x128xf32, #tpu.memory_space<vmem>>, vector<16xf32>,
        %mul3A_225 = arith.mulf %get3A_224, %gather3A_200 : vector<16xf32>
        %swap3A_226 = arith.index_cast %add3A_198 : i32 to index
        %swap3A_227 = arith.constant 48 : index
        %swap3A_228 = tpu.vector_load %arg9[%swap3A_226, %swap3A_227] {strides = array<i32>} : memref<80x128xf32, #tpu.memory_space<vmem>>, vector<16xf32>,
        tpu.vector_store %arg9[%swap3A_226, %swap3A_227], %mul3A_225 {strides = array<i32>} : memref<80x128xf32, #tpu.memory_space<vmem>>, vector<16xf32>,
        %get3A_229 = arith.index_cast %add3A_198 : i32 to index
        %get3A_230 = arith.constant 64 : index
        %get3A_231 = tpu.vector_load %arg8[%get3A_229, %get3A_230] {strides = array<i32>} : memref<80x128xf32, #tpu.memory_space<vmem>>, vector<16xf32>,
        %mul3A_232 = arith.mulf %get3A_231, %gather3A_200 : vector<16xf32>
        %swap3A_233 = arith.index_cast %add3A_198 : i32 to index
        %swap3A_234 = arith.constant 64 : index
        %swap3A_235 = tpu.vector_load %arg9[%swap3A_233, %swap3A_234] {strides = array<i32>} : memref<80x128xf32, #tpu.memory_space<vmem>>, vector<16xf32>,
        tpu.vector_store %arg9[%swap3A_233, %swap3A_234], %mul3A_232 {strides = array<i32>} : memref<80x128xf32, #tpu.memory_space<vmem>>, vector<16xf32>,
        %get3A_236 = arith.index_cast %add3A_198 : i32 to index
        %get3A_237 = arith.constant 80 : index
        %get3A_238 = tpu.vector_load %arg8[%get3A_236, %get3A_237] {strides = array<i32>} : memref<80x128xf32, #tpu.memory_space<vmem>>, vector<16xf32>,
        %mul3A_239 = arith.mulf %get3A_238, %gather3A_200 : vector<16xf32>
        %swap3A_240 = arith.index_cast %add3A_198 : i32 to index
        %swap3A_241 = arith.constant 80 : index
        %swap3A_242 = tpu.vector_load %arg9[%swap3A_240, %swap3A_241] {strides = array<i32>} : memref<80x128xf32, #tpu.memory_space<vmem>>, vector<16xf32>,
        tpu.vector_store %arg9[%swap3A_240, %swap3A_241], %mul3A_239 {strides = array<i32>} : memref<80x128xf32, #tpu.memory_space<vmem>>, vector<16xf32>,
        %get3A_243 = arith.index_cast %add3A_198 : i32 to index
        %get3A_244 = arith.constant 96 : index
        %get3A_245 = tpu.vector_load %arg8[%get3A_243, %get3A_244] {strides = array<i32>} : memref<80x128xf32, #tpu.memory_space<vmem>>, vector<16xf32>,
        %mul3A_246 = arith.mulf %get3A_245, %gather3A_200 : vector<16xf32>
        %swap3A_247 = arith.index_cast %add3A_198 : i32 to index
        %swap3A_248 = arith.constant 96 : index
        %swap3A_249 = tpu.vector_load %arg9[%swap3A_247, %swap3A_248] {strides = array<i32>} : memref<80x128xf32, #tpu.memory_space<vmem>>, vector<16xf32>,
        tpu.vector_store %arg9[%swap3A_247, %swap3A_248], %mul3A_246 {strides = array<i32>} : memref<80x128xf32, #tpu.memory_space<vmem>>, vector<16xf32>,
        %get3A_250 = arith.index_cast %add3A_198 : i32 to index
        %get3A_251 = arith.constant 112 : index
        %get3A_252 = tpu.vector_load %arg8[%get3A_250, %get3A_251] {strides = array<i32>} : memref<80x128xf32, #tpu.memory_space<vmem>>, vector<16xf32>,
        %mul3A_253 = arith.mulf %get3A_252, %gather3A_200 : vector<16xf32>
        %swap3A_254 = arith.index_cast %add3A_198 : i32 to index
        %swap3A_255 = arith.constant 112 : index
        %swap3A_256 = tpu.vector_load %arg9[%swap3A_254, %swap3A_255] {strides = array<i32>} : memref<80x128xf32, #tpu.memory_space<vmem>>, vector<16xf32>,
        tpu.vector_store %arg9[%swap3A_254, %swap3A_255], %mul3A_253 {strides = array<i32>} : memref<80x128xf32, #tpu.memory_space<vmem>>, vector<16xf32>,
        %scan3A_257 = arith.constant 3 : i32
        %scan3A_258 = arith.addi %scan3A_68, %scan3A_257 : i32
        %mul3A_259 = arith.constant 1 : i32
        %mul3A_260 = arith.muli %scan3A_258, %mul3A_259 : i32
        %add3A_261 = arith.constant 0 : i32
        %add3A_262 = arith.addi %add3A_261, %mul3A_260 : i32
        %broadcast_in_dim3A_263 = vector.broadcast %add3A_262 : i32 to vector<16xi32>
        %gather3A_264 = tpu.vector_load_idx %arg11[%broadcast_in_dim3A_263] : memref<128xf32, #tpu.memory_space<vmem>>[vector<16xi32>], vector<16xf32>,
        %get3A_265 = arith.index_cast %add3A_262 : i32 to index
        %get3A_266 = arith.constant 0 : index
        %get3A_267 = tpu.vector_load %arg8[%get3A_265, %get3A_266] {strides = array<i32>} : memref<80x128xf32, #tpu.memory_space<vmem>>, vector<16xf32>,
        %mul3A_268 = arith.mulf %get3A_267, %gather3A_264 : vector<16xf32>
        %swap3A_269 = arith.index_cast %add3A_262 : i32 to index
        %swap3A_270 = arith.constant 0 : index
        %swap3A_271 = tpu.vector_load %arg9[%swap3A_269, %swap3A_270] {strides = array<i32>} : memref<80x128xf32, #tpu.memory_space<vmem>>, vector<16xf32>,
        tpu.vector_store %arg9[%swap3A_269, %swap3A_270], %mul3A_268 {strides = array<i32>} : memref<80x128xf32, #tpu.memory_space<vmem>>, vector<16xf32>,
        %get3A_272 = arith.index_cast %add3A_262 : i32 to index
        %get3A_273 = arith.constant 16 : index
        %get3A_274 = tpu.vector_load %arg8[%get3A_272, %get3A_273] {strides = array<i32>} : memref<80x128xf32, #tpu.memory_space<vmem>>, vector<16xf32>,
        %mul3A_275 = arith.mulf %get3A_274, %gather3A_264 : vector<16xf32>
        %swap3A_276 = arith.index_cast %add3A_262 : i32 to index
        %swap3A_277 = arith.constant 16 : index
        %swap3A_278 = tpu.vector_load %arg9[%swap3A_276, %swap3A_277] {strides = array<i32>} : memref<80x128xf32, #tpu.memory_space<vmem>>, vector<16xf32>,
        tpu.vector_store %arg9[%swap3A_276, %swap3A_277], %mul3A_275 {strides = array<i32>} : memref<80x128xf32, #tpu.memory_space<vmem>>, vector<16xf32>,
        %get3A_279 = arith.index_cast %add3A_262 : i32 to index
        %get3A_280 = arith.constant 32 : index
        %get3A_281 = tpu.vector_load %arg8[%get3A_279, %get3A_280] {strides = array<i32>} : memref<80x128xf32, #tpu.memory_space<vmem>>, vector<16xf32>,
        %mul3A_282 = arith.mulf %get3A_281, %gather3A_264 : vector<16xf32>
        %swap3A_283 = arith.index_cast %add3A_262 : i32 to index
        %swap3A_284 = arith.constant 32 : index
        %swap3A_285 = tpu.vector_load %arg9[%swap3A_283, %swap3A_284] {strides = array<i32>} : memref<80x128xf32, #tpu.memory_space<vmem>>, vector<16xf32>,
        tpu.vector_store %arg9[%swap3A_283, %swap3A_284], %mul3A_282 {strides = array<i32>} : memref<80x128xf32, #tpu.memory_space<vmem>>, vector<16xf32>,
        %get3A_286 = arith.index_cast %add3A_262 : i32 to index
        %get3A_287 = arith.constant 48 : index
        %get3A_288 = tpu.vector_load %arg8[%get3A_286, %get3A_287] {strides = array<i32>} : memref<80x128xf32, #tpu.memory_space<vmem>>, vector<16xf32>,
        %mul3A_289 = arith.mulf %get3A_288, %gather3A_264 : vector<16xf32>
        %swap3A_290 = arith.index_cast %add3A_262 : i32 to index
        %swap3A_291 = arith.constant 48 : index
        %swap3A_292 = tpu.vector_load %arg9[%swap3A_290, %swap3A_291] {strides = array<i32>} : memref<80x128xf32, #tpu.memory_space<vmem>>, vector<16xf32>,
        tpu.vector_store %arg9[%swap3A_290, %swap3A_291], %mul3A_289 {strides = array<i32>} : memref<80x128xf32, #tpu.memory_space<vmem>>, vector<16xf32>,
        %get3A_293 = arith.index_cast %add3A_262 : i32 to index
        %get3A_294 = arith.constant 64 : index
        %get3A_295 = tpu.vector_load %arg8[%get3A_293, %get3A_294] {strides = array<i32>} : memref<80x128xf32, #tpu.memory_space<vmem>>, vector<16xf32>,
        %mul3A_296 = arith.mulf %get3A_295, %gather3A_264 : vector<16xf32>
        %swap3A_297 = arith.index_cast %add3A_262 : i32 to index
        %swap3A_298 = arith.constant 64 : index
        %swap3A_299 = tpu.vector_load %arg9[%swap3A_297, %swap3A_298] {strides = array<i32>} : memref<80x128xf32, #tpu.memory_space<vmem>>, vector<16xf32>,
        tpu.vector_store %arg9[%swap3A_297, %swap3A_298], %mul3A_296 {strides = array<i32>} : memref<80x128xf32, #tpu.memory_space<vmem>>, vector<16xf32>,
        %get3A_300 = arith.index_cast %add3A_262 : i32 to index
        %get3A_301 = arith.constant 80 : index
        %get3A_302 = tpu.vector_load %arg8[%get3A_300, %get3A_301] {strides = array<i32>} : memref<80x128xf32, #tpu.memory_space<vmem>>, vector<16xf32>,
        %mul3A_303 = arith.mulf %get3A_302, %gather3A_264 : vector<16xf32>
        %swap3A_304 = arith.index_cast %add3A_262 : i32 to index
        %swap3A_305 = arith.constant 80 : index
        %swap3A_306 = tpu.vector_load %arg9[%swap3A_304, %swap3A_305] {strides = array<i32>} : memref<80x128xf32, #tpu.memory_space<vmem>>, vector<16xf32>,
        tpu.vector_store %arg9[%swap3A_304, %swap3A_305], %mul3A_303 {strides = array<i32>} : memref<80x128xf32, #tpu.memory_space<vmem>>, vector<16xf32>,
        %get3A_307 = arith.index_cast %add3A_262 : i32 to index
        %get3A_308 = arith.constant 96 : index
        %get3A_309 = tpu.vector_load %arg8[%get3A_307, %get3A_308] {strides = array<i32>} : memref<80x128xf32, #tpu.memory_space<vmem>>, vector<16xf32>,
        %mul3A_310 = arith.mulf %get3A_309, %gather3A_264 : vector<16xf32>
        %swap3A_311 = arith.index_cast %add3A_262 : i32 to index
        %swap3A_312 = arith.constant 96 : index
        %swap3A_313 = tpu.vector_load %arg9[%swap3A_311, %swap3A_312] {strides = array<i32>} : memref<80x128xf32, #tpu.memory_space<vmem>>, vector<16xf32>,
        tpu.vector_store %arg9[%swap3A_311, %swap3A_312], %mul3A_310 {strides = array<i32>} : memref<80x128xf32, #tpu.memory_space<vmem>>, vector<16xf32>,
        %get3A_314 = arith.index_cast %add3A_262 : i32 to index
        %get3A_315 = arith.constant 112 : index
        %get3A_316 = tpu.vector_load %arg8[%get3A_314, %get3A_315] {strides = array<i32>} : memref<80x128xf32, #tpu.memory_space<vmem>>, vector<16xf32>,
        %mul3A_317 = arith.mulf %get3A_316, %gather3A_264 : vector<16xf32>
        %swap3A_318 = arith.index_cast %add3A_262 : i32 to index
        %swap3A_319 = arith.constant 112 : index
        %swap3A_320 = tpu.vector_load %arg9[%swap3A_318, %swap3A_319] {strides = array<i32>} : memref<80x128xf32, #tpu.memory_space<vmem>>, vector<16xf32>,
        tpu.vector_store %arg9[%swap3A_318, %swap3A_319], %mul3A_317 {strides = array<i32>} : memref<80x128xf32, #tpu.memory_space<vmem>>, vector<16xf32>,
        %scan3A_321 = arith.constant 4 : i32
        %scan3A_322 = arith.addi %scan3A_68, %scan3A_321 : i32
        %mul3A_323 = arith.constant 1 : i32
        %mul3A_324 = arith.muli %scan3A_322, %mul3A_323 : i32
        %add3A_325 = arith.constant 0 : i32
        %add3A_326 = arith.addi %add3A_325, %mul3A_324 : i32
        %broadcast_in_dim3A_327 = vector.broadcast %add3A_326 : i32 to vector<16xi32>
        %gather3A_328 = tpu.vector_load_idx %arg11[%broadcast_in_dim3A_327] : memref<128xf32, #tpu.memory_space<vmem>>[vector<16xi32>], vector<16xf32>,
        %get3A_329 = arith.index_cast %add3A_326 : i32 to index
        %get3A_330 = arith.constant 0 : index
        %get3A_331 = tpu.vector_load %arg8[%get3A_329, %get3A_330] {strides = array<i32>} : memref<80x128xf32, #tpu.memory_space<vmem>>, vector<16xf32>,
        %mul3A_332 = arith.mulf %get3A_331, %gather3A_328 : vector<16xf32>
        %swap3A_333 = arith.index_cast %add3A_326 : i32 to index
        %swap3A_334 = arith.constant 0 : index
        %swap3A_335 = tpu.vector_load %arg9[%swap3A_333, %swap3A_334] {strides = array<i32>} : memref<80x128xf32, #tpu.memory_space<vmem>>, vector<16xf32>,
        tpu.vector_store %arg9[%swap3A_333, %swap3A_334], %mul3A_332 {strides = array<i32>} : memref<80x128xf32, #tpu.memory_space<vmem>>, vector<16xf32>,
        %get3A_336 = arith.index_cast %add3A_326 : i32 to index
        %get3A_337 = arith.constant 16 : index
        %get3A_338 = tpu.vector_load %arg8[%get3A_336, %get3A_337] {strides = array<i32>} : memref<80x128xf32, #tpu.memory_space<vmem>>, vector<16xf32>,
        %mul3A_339 = arith.mulf %get3A_338, %gather3A_328 : vector<16xf32>
        %swap3A_340 = arith.index_cast %add3A_326 : i32 to index
        %swap3A_341 = arith.constant 16 : index
        %swap3A_342 = tpu.vector_load %arg9[%swap3A_340, %swap3A_341] {strides = array<i32>} : memref<80x128xf32, #tpu.memory_space<vmem>>, vector<16xf32>,
        tpu.vector_store %arg9[%swap3A_340, %swap3A_341], %mul3A_339 {strides = array<i32>} : memref<80x128xf32, #tpu.memory_space<vmem>>, vector<16xf32>,
        %get3A_343 = arith.index_cast %add3A_326 : i32 to index
        %get3A_344 = arith.constant 32 : index
        %get3A_345 = tpu.vector_load %arg8[%get3A_343, %get3A_344] {strides = array<i32>} : memref<80x128xf32, #tpu.memory_space<vmem>>, vector<16xf32>,
        %mul3A_346 = arith.mulf %get3A_345, %gather3A_328 : vector<16xf32>
        %swap3A_347 = arith.index_cast %add3A_326 : i32 to index
        %swap3A_348 = arith.constant 32 : index
        %swap3A_349 = tpu.vector_load %arg9[%swap3A_347, %swap3A_348] {strides = array<i32>} : memref<80x128xf32, #tpu.memory_space<vmem>>, vector<16xf32>,
        tpu.vector_store %arg9[%swap3A_347, %swap3A_348], %mul3A_346 {strides = array<i32>} : memref<80x128xf32, #tpu.memory_space<vmem>>, vector<16xf32>,
        %get3A_350 = arith.index_cast %add3A_326 : i32 to index
        %get3A_351 = arith.constant 48 : index
        %get3A_352 = tpu.vector_load %arg8[%get3A_350, %get3A_351] {strides = array<i32>} : memref<80x128xf32, #tpu.memory_space<vmem>>, vector<16xf32>,
        %mul3A_353 = arith.mulf %get3A_352, %gather3A_328 : vector<16xf32>
        %swap3A_354 = arith.index_cast %add3A_326 : i32 to index
        %swap3A_355 = arith.constant 48 : index
        %swap3A_356 = tpu.vector_load %arg9[%swap3A_354, %swap3A_355] {strides = array<i32>} : memref<80x128xf32, #tpu.memory_space<vmem>>, vector<16xf32>,
        tpu.vector_store %arg9[%swap3A_354, %swap3A_355], %mul3A_353 {strides = array<i32>} : memref<80x128xf32, #tpu.memory_space<vmem>>, vector<16xf32>,
        %get3A_357 = arith.index_cast %add3A_326 : i32 to index
        %get3A_358 = arith.constant 64 : index
        %get3A_359 = tpu.vector_load %arg8[%get3A_357, %get3A_358] {strides = array<i32>} : memref<80x128xf32, #tpu.memory_space<vmem>>, vector<16xf32>,
        %mul3A_360 = arith.mulf %get3A_359, %gather3A_328 : vector<16xf32>
        %swap3A_361 = arith.index_cast %add3A_326 : i32 to index
        %swap3A_362 = arith.constant 64 : index
        %swap3A_363 = tpu.vector_load %arg9[%swap3A_361, %swap3A_362] {strides = array<i32>} : memref<80x128xf32, #tpu.memory_space<vmem>>, vector<16xf32>,
        tpu.vector_store %arg9[%swap3A_361, %swap3A_362], %mul3A_360 {strides = array<i32>} : memref<80x128xf32, #tpu.memory_space<vmem>>, vector<16xf32>,
        %get3A_364 = arith.index_cast %add3A_326 : i32 to index
        %get3A_365 = arith.constant 80 : index
        %get3A_366 = tpu.vector_load %arg8[%get3A_364, %get3A_365] {strides = array<i32>} : memref<80x128xf32, #tpu.memory_space<vmem>>, vector<16xf32>,
        %mul3A_367 = arith.mulf %get3A_366, %gather3A_328 : vector<16xf32>
        %swap3A_368 = arith.index_cast %add3A_326 : i32 to index
        %swap3A_369 = arith.constant 80 : index
        %swap3A_370 = tpu.vector_load %arg9[%swap3A_368, %swap3A_369] {strides = array<i32>} : memref<80x128xf32, #tpu.memory_space<vmem>>, vector<16xf32>,
        tpu.vector_store %arg9[%swap3A_368, %swap3A_369], %mul3A_367 {strides = array<i32>} : memref<80x128xf32, #tpu.memory_space<vmem>>, vector<16xf32>,
        %get3A_371 = arith.index_cast %add3A_326 : i32 to index
        %get3A_372 = arith.constant 96 : index
        %get3A_373 = tpu.vector_load %arg8[%get3A_371, %get3A_372] {strides = array<i32>} : memref<80x128xf32, #tpu.memory_space<vmem>>, vector<16xf32>,
        %mul3A_374 = arith.mulf %get3A_373, %gather3A_328 : vector<16xf32>
        %swap3A_375 = arith.index_cast %add3A_326 : i32 to index
        %swap3A_376 = arith.constant 96 : index
        %swap3A_377 = tpu.vector_load %arg9[%swap3A_375, %swap3A_376] {strides = array<i32>} : memref<80x128xf32, #tpu.memory_space<vmem>>, vector<16xf32>,
        tpu.vector_store %arg9[%swap3A_375, %swap3A_376], %mul3A_374 {strides = array<i32>} : memref<80x128xf32, #tpu.memory_space<vmem>>, vector<16xf32>,
        %get3A_378 = arith.index_cast %add3A_326 : i32 to index
        %get3A_379 = arith.constant 112 : index
        %get3A_380 = tpu.vector_load %arg8[%get3A_378, %get3A_379] {strides = array<i32>} : memref<80x128xf32, #tpu.memory_space<vmem>>, vector<16xf32>,
        %mul3A_381 = arith.mulf %get3A_380, %gather3A_328 : vector<16xf32>
        %swap3A_382 = arith.index_cast %add3A_326 : i32 to index
        %swap3A_383 = arith.constant 112 : index
        %swap3A_384 = tpu.vector_load %arg9[%swap3A_382, %swap3A_383] {strides = array<i32>} : memref<80x128xf32, #tpu.memory_space<vmem>>, vector<16xf32>,
        tpu.vector_store %arg9[%swap3A_382, %swap3A_383], %mul3A_381 {strides = array<i32>} : memref<80x128xf32, #tpu.memory_space<vmem>>, vector<16xf32>,
        %scan3A_385 = arith.constant 5 : i32
        %scan3A_386 = arith.addi %scan3A_68, %scan3A_385 : i32
        %mul3A_387 = arith.constant 1 : i32
        %mul3A_388 = arith.muli %scan3A_386, %mul3A_387 : i32
        %add3A_389 = arith.constant 0 : i32
        %add3A_390 = arith.addi %add3A_389, %mul3A_388 : i32
        %broadcast_in_dim3A_391 = vector.broadcast %add3A_390 : i32 to vector<16xi32>
        %gather3A_392 = tpu.vector_load_idx %arg11[%broadcast_in_dim3A_391] : memref<128xf32, #tpu.memory_space<vmem>>[vector<16xi32>], vector<16xf32>,
        %get3A_393 = arith.index_cast %add3A_390 : i32 to index
        %get3A_394 = arith.constant 0 : index
        %get3A_395 = tpu.vector_load %arg8[%get3A_393, %get3A_394] {strides = array<i32>} : memref<80x128xf32, #tpu.memory_space<vmem>>, vector<16xf32>,
        %mul3A_396 = arith.mulf %get3A_395, %gather3A_392 : vector<16xf32>
        %swap3A_397 = arith.index_cast %add3A_390 : i32 to index
        %swap3A_398 = arith.constant 0 : index
        %swap3A_399 = tpu.vector_load %arg9[%swap3A_397, %swap3A_398] {strides = array<i32>} : memref<80x128xf32, #tpu.memory_space<vmem>>, vector<16xf32>,
        tpu.vector_store %arg9[%swap3A_397, %swap3A_398], %mul3A_396 {strides = array<i32>} : memref<80x128xf32, #tpu.memory_space<vmem>>, vector<16xf32>,
        %get3A_400 = arith.index_cast %add3A_390 : i32 to index
        %get3A_401 = arith.constant 16 : index
        %get3A_402 = tpu.vector_load %arg8[%get3A_400, %get3A_401] {strides = array<i32>} : memref<80x128xf32, #tpu.memory_space<vmem>>, vector<16xf32>,
        %mul3A_403 = arith.mulf %get3A_402, %gather3A_392 : vector<16xf32>
        %swap3A_404 = arith.index_cast %add3A_390 : i32 to index
        %swap3A_405 = arith.constant 16 : index
        %swap3A_406 = tpu.vector_load %arg9[%swap3A_404, %swap3A_405] {strides = array<i32>} : memref<80x128xf32, #tpu.memory_space<vmem>>, vector<16xf32>,
        tpu.vector_store %arg9[%swap3A_404, %swap3A_405], %mul3A_403 {strides = array<i32>} : memref<80x128xf32, #tpu.memory_space<vmem>>, vector<16xf32>,
        %get3A_407 = arith.index_cast %add3A_390 : i32 to index
        %get3A_408 = arith.constant 32 : index
        %get3A_409 = tpu.vector_load %arg8[%get3A_407, %get3A_408] {strides = array<i32>} : memref<80x128xf32, #tpu.memory_space<vmem>>, vector<16xf32>,
        %mul3A_410 = arith.mulf %get3A_409, %gather3A_392 : vector<16xf32>
        %swap3A_411 = arith.index_cast %add3A_390 : i32 to index
        %swap3A_412 = arith.constant 32 : index
        %swap3A_413 = tpu.vector_load %arg9[%swap3A_411, %swap3A_412] {strides = array<i32>} : memref<80x128xf32, #tpu.memory_space<vmem>>, vector<16xf32>,
        tpu.vector_store %arg9[%swap3A_411, %swap3A_412], %mul3A_410 {strides = array<i32>} : memref<80x128xf32, #tpu.memory_space<vmem>>, vector<16xf32>,
        %get3A_414 = arith.index_cast %add3A_390 : i32 to index
        %get3A_415 = arith.constant 48 : index
        %get3A_416 = tpu.vector_load %arg8[%get3A_414, %get3A_415] {strides = array<i32>} : memref<80x128xf32, #tpu.memory_space<vmem>>, vector<16xf32>,
        %mul3A_417 = arith.mulf %get3A_416, %gather3A_392 : vector<16xf32>
        %swap3A_418 = arith.index_cast %add3A_390 : i32 to index
        %swap3A_419 = arith.constant 48 : index
        %swap3A_420 = tpu.vector_load %arg9[%swap3A_418, %swap3A_419] {strides = array<i32>} : memref<80x128xf32, #tpu.memory_space<vmem>>, vector<16xf32>,
        tpu.vector_store %arg9[%swap3A_418, %swap3A_419], %mul3A_417 {strides = array<i32>} : memref<80x128xf32, #tpu.memory_space<vmem>>, vector<16xf32>,
        %get3A_421 = arith.index_cast %add3A_390 : i32 to index
        %get3A_422 = arith.constant 64 : index
        %get3A_423 = tpu.vector_load %arg8[%get3A_421, %get3A_422] {strides = array<i32>} : memref<80x128xf32, #tpu.memory_space<vmem>>, vector<16xf32>,
        %mul3A_424 = arith.mulf %get3A_423, %gather3A_392 : vector<16xf32>
        %swap3A_425 = arith.index_cast %add3A_390 : i32 to index
        %swap3A_426 = arith.constant 64 : index
        %swap3A_427 = tpu.vector_load %arg9[%swap3A_425, %swap3A_426] {strides = array<i32>} : memref<80x128xf32, #tpu.memory_space<vmem>>, vector<16xf32>,
        tpu.vector_store %arg9[%swap3A_425, %swap3A_426], %mul3A_424 {strides = array<i32>} : memref<80x128xf32, #tpu.memory_space<vmem>>, vector<16xf32>,
        %get3A_428 = arith.index_cast %add3A_390 : i32 to index
        %get3A_429 = arith.constant 80 : index
        %get3A_430 = tpu.vector_load %arg8[%get3A_428, %get3A_429] {strides = array<i32>} : memref<80x128xf32, #tpu.memory_space<vmem>>, vector<16xf32>,
        %mul3A_431 = arith.mulf %get3A_430, %gather3A_392 : vector<16xf32>
        %swap3A_432 = arith.index_cast %add3A_390 : i32 to index
        %swap3A_433 = arith.constant 80 : index
        %swap3A_434 = tpu.vector_load %arg9[%swap3A_432, %swap3A_433] {strides = array<i32>} : memref<80x128xf32, #tpu.memory_space<vmem>>, vector<16xf32>,
        tpu.vector_store %arg9[%swap3A_432, %swap3A_433], %mul3A_431 {strides = array<i32>} : memref<80x128xf32, #tpu.memory_space<vmem>>, vector<16xf32>,
        %get3A_435 = arith.index_cast %add3A_390 : i32 to index
        %get3A_436 = arith.constant 96 : index
        %get3A_437 = tpu.vector_load %arg8[%get3A_435, %get3A_436] {strides = array<i32>} : memref<80x128xf32, #tpu.memory_space<vmem>>, vector<16xf32>,
        %mul3A_438 = arith.mulf %get3A_437, %gather3A_392 : vector<16xf32>
        %swap3A_439 = arith.index_cast %add3A_390 : i32 to index
        %swap3A_440 = arith.constant 96 : index
        %swap3A_441 = tpu.vector_load %arg9[%swap3A_439, %swap3A_440] {strides = array<i32>} : memref<80x128xf32, #tpu.memory_space<vmem>>, vector<16xf32>,
        tpu.vector_store %arg9[%swap3A_439, %swap3A_440], %mul3A_438 {strides = array<i32>} : memref<80x128xf32, #tpu.memory_space<vmem>>, vector<16xf32>,
        %get3A_442 = arith.index_cast %add3A_390 : i32 to index
        %get3A_443 = arith.constant 112 : index
        %get3A_444 = tpu.vector_load %arg8[%get3A_442, %get3A_443] {strides = array<i32>} : memref<80x128xf32, #tpu.memory_space<vmem>>, vector<16xf32>,
        %mul3A_445 = arith.mulf %get3A_444, %gather3A_392 : vector<16xf32>
        %swap3A_446 = arith.index_cast %add3A_390 : i32 to index
        %swap3A_447 = arith.constant 112 : index
        %swap3A_448 = tpu.vector_load %arg9[%swap3A_446, %swap3A_447] {strides = array<i32>} : memref<80x128xf32, #tpu.memory_space<vmem>>, vector<16xf32>,
        tpu.vector_store %arg9[%swap3A_446, %swap3A_447], %mul3A_445 {strides = array<i32>} : memref<80x128xf32, #tpu.memory_space<vmem>>, vector<16xf32>,
        %scan3A_449 = arith.constant 6 : i32
        %scan3A_450 = arith.addi %scan3A_68, %scan3A_449 : i32
        %mul3A_451 = arith.constant 1 : i32
        %mul3A_452 = arith.muli %scan3A_450, %mul3A_451 : i32
        %add3A_453 = arith.constant 0 : i32
        %add3A_454 = arith.addi %add3A_453, %mul3A_452 : i32
        %broadcast_in_dim3A_455 = vector.broadcast %add3A_454 : i32 to vector<16xi32>
        %gather3A_456 = tpu.vector_load_idx %arg11[%broadcast_in_dim3A_455] : memref<128xf32, #tpu.memory_space<vmem>>[vector<16xi32>], vector<16xf32>,
        %get3A_457 = arith.index_cast %add3A_454 : i32 to index
        %get3A_458 = arith.constant 0 : index
        %get3A_459 = tpu.vector_load %arg8[%get3A_457, %get3A_458] {strides = array<i32>} : memref<80x128xf32, #tpu.memory_space<vmem>>, vector<16xf32>,
        %mul3A_460 = arith.mulf %get3A_459, %gather3A_456 : vector<16xf32>
        %swap3A_461 = arith.index_cast %add3A_454 : i32 to index
        %swap3A_462 = arith.constant 0 : index
        %swap3A_463 = tpu.vector_load %arg9[%swap3A_461, %swap3A_462] {strides = array<i32>} : memref<80x128xf32, #tpu.memory_space<vmem>>, vector<16xf32>,
        tpu.vector_store %arg9[%swap3A_461, %swap3A_462], %mul3A_460 {strides = array<i32>} : memref<80x128xf32, #tpu.memory_space<vmem>>, vector<16xf32>,
        %get3A_464 = arith.index_cast %add3A_454 : i32 to index
        %get3A_465 = arith.constant 16 : index
        %get3A_466 = tpu.vector_load %arg8[%get3A_464, %get3A_465] {strides = array<i32>} : memref<80x128xf32, #tpu.memory_space<vmem>>, vector<16xf32>,
        %mul3A_467 = arith.mulf %get3A_466, %gather3A_456 : vector<16xf32>
        %swap3A_468 = arith.index_cast %add3A_454 : i32 to index
        %swap3A_469 = arith.constant 16 : index
        %swap3A_470 = tpu.vector_load %arg9[%swap3A_468, %swap3A_469] {strides = array<i32>} : memref<80x128xf32, #tpu.memory_space<vmem>>, vector<16xf32>,
        tpu.vector_store %arg9[%swap3A_468, %swap3A_469], %mul3A_467 {strides = array<i32>} : memref<80x128xf32, #tpu.memory_space<vmem>>, vector<16xf32>,
        %get3A_471 = arith.index_cast %add3A_454 : i32 to index
        %get3A_472 = arith.constant 32 : index
        %get3A_473 = tpu.vector_load %arg8[%get3A_471, %get3A_472] {strides = array<i32>} : memref<80x128xf32, #tpu.memory_space<vmem>>, vector<16xf32>,
        %mul3A_474 = arith.mulf %get3A_473, %gather3A_456 : vector<16xf32>
        %swap3A_475 = arith.index_cast %add3A_454 : i32 to index
        %swap3A_476 = arith.constant 32 : index
        %swap3A_477 = tpu.vector_load %arg9[%swap3A_475, %swap3A_476] {strides = array<i32>} : memref<80x128xf32, #tpu.memory_space<vmem>>, vector<16xf32>,
        tpu.vector_store %arg9[%swap3A_475, %swap3A_476], %mul3A_474 {strides = array<i32>} : memref<80x128xf32, #tpu.memory_space<vmem>>, vector<16xf32>,
        %get3A_478 = arith.index_cast %add3A_454 : i32 to index
        %get3A_479 = arith.constant 48 : index
        %get3A_480 = tpu.vector_load %arg8[%get3A_478, %get3A_479] {strides = array<i32>} : memref<80x128xf32, #tpu.memory_space<vmem>>, vector<16xf32>,
        %mul3A_481 = arith.mulf %get3A_480, %gather3A_456 : vector<16xf32>
        %swap3A_482 = arith.index_cast %add3A_454 : i32 to index
        %swap3A_483 = arith.constant 48 : index
        %swap3A_484 = tpu.vector_load %arg9[%swap3A_482, %swap3A_483] {strides = array<i32>} : memref<80x128xf32, #tpu.memory_space<vmem>>, vector<16xf32>,
        tpu.vector_store %arg9[%swap3A_482, %swap3A_483], %mul3A_481 {strides = array<i32>} : memref<80x128xf32, #tpu.memory_space<vmem>>, vector<16xf32>,
        %get3A_485 = arith.index_cast %add3A_454 : i32 to index
        %get3A_486 = arith.constant 64 : index
        %get3A_487 = tpu.vector_load %arg8[%get3A_485, %get3A_486] {strides = array<i32>} : memref<80x128xf32, #tpu.memory_space<vmem>>, vector<16xf32>,
        %mul3A_488 = arith.mulf %get3A_487, %gather3A_456 : vector<16xf32>
        %swap3A_489 = arith.index_cast %add3A_454 : i32 to index
        %swap3A_490 = arith.constant 64 : index
        %swap3A_491 = tpu.vector_load %arg9[%swap3A_489, %swap3A_490] {strides = array<i32>} : memref<80x128xf32, #tpu.memory_space<vmem>>, vector<16xf32>,
        tpu.vector_store %arg9[%swap3A_489, %swap3A_490], %mul3A_488 {strides = array<i32>} : memref<80x128xf32, #tpu.memory_space<vmem>>, vector<16xf32>,
        %get3A_492 = arith.index_cast %add3A_454 : i32 to index
        %get3A_493 = arith.constant 80 : index
        %get3A_494 = tpu.vector_load %arg8[%get3A_492, %get3A_493] {strides = array<i32>} : memref<80x128xf32, #tpu.memory_space<vmem>>, vector<16xf32>,
        %mul3A_495 = arith.mulf %get3A_494, %gather3A_456 : vector<16xf32>
        %swap3A_496 = arith.index_cast %add3A_454 : i32 to index
        %swap3A_497 = arith.constant 80 : index
        %swap3A_498 = tpu.vector_load %arg9[%swap3A_496, %swap3A_497] {strides = array<i32>} : memref<80x128xf32, #tpu.memory_space<vmem>>, vector<16xf32>,
        tpu.vector_store %arg9[%swap3A_496, %swap3A_497], %mul3A_495 {strides = array<i32>} : memref<80x128xf32, #tpu.memory_space<vmem>>, vector<16xf32>,
        %get3A_499 = arith.index_cast %add3A_454 : i32 to index
        %get3A_500 = arith.constant 96 : index
        %get3A_501 = tpu.vector_load %arg8[%get3A_499, %get3A_500] {strides = array<i32>} : memref<80x128xf32, #tpu.memory_space<vmem>>, vector<16xf32>,
        %mul3A_502 = arith.mulf %get3A_501, %gather3A_456 : vector<16xf32>
        %swap3A_503 = arith.index_cast %add3A_454 : i32 to index
        %swap3A_504 = arith.constant 96 : index
        %swap3A_505 = tpu.vector_load %arg9[%swap3A_503, %swap3A_504] {strides = array<i32>} : memref<80x128xf32, #tpu.memory_space<vmem>>, vector<16xf32>,
        tpu.vector_store %arg9[%swap3A_503, %swap3A_504], %mul3A_502 {strides = array<i32>} : memref<80x128xf32, #tpu.memory_space<vmem>>, vector<16xf32>,
        %get3A_506 = arith.index_cast %add3A_454 : i32 to index
        %get3A_507 = arith.constant 112 : index
        %get3A_508 = tpu.vector_load %arg8[%get3A_506, %get3A_507] {strides = array<i32>} : memref<80x128xf32, #tpu.memory_space<vmem>>, vector<16xf32>,
        %mul3A_509 = arith.mulf %get3A_508, %gather3A_456 : vector<16xf32>
        %swap3A_510 = arith.index_cast %add3A_454 : i32 to index
        %swap3A_511 = arith.constant 112 : index
        %swap3A_512 = tpu.vector_load %arg9[%swap3A_510, %swap3A_511] {strides = array<i32>} : memref<80x128xf32, #tpu.memory_space<vmem>>, vector<16xf32>,
        tpu.vector_store %arg9[%swap3A_510, %swap3A_511], %mul3A_509 {strides = array<i32>} : memref<80x128xf32, #tpu.memory_space<vmem>>, vector<16xf32>,
        %scan3A_513 = arith.constant 7 : i32
        %scan3A_514 = arith.addi %scan3A_68, %scan3A_513 : i32
        %mul3A_515 = arith.constant 1 : i32
        %mul3A_516 = arith.muli %scan3A_514, %mul3A_515 : i32
        %add3A_517 = arith.constant 0 : i32
        %add3A_518 = arith.addi %add3A_517, %mul3A_516 : i32
        %broadcast_in_dim3A_519 = vector.broadcast %add3A_518 : i32 to vector<16xi32>
        %gather3A_520 = tpu.vector_load_idx %arg11[%broadcast_in_dim3A_519] : memref<128xf32, #tpu.memory_space<vmem>>[vector<16xi32>], vector<16xf32>,
        %get3A_521 = arith.index_cast %add3A_518 : i32 to index
        %get3A_522 = arith.constant 0 : index
        %get3A_523 = tpu.vector_load %arg8[%get3A_521, %get3A_522] {strides = array<i32>} : memref<80x128xf32, #tpu.memory_space<vmem>>, vector<16xf32>,
        %mul3A_524 = arith.mulf %get3A_523, %gather3A_520 : vector<16xf32>
        %swap3A_525 = arith.index_cast %add3A_518 : i32 to index
        %swap3A_526 = arith.constant 0 : index
        %swap3A_527 = tpu.vector_load %arg9[%swap3A_525, %swap3A_526] {strides = array<i32>} : memref<80x128xf32, #tpu.memory_space<vmem>>, vector<16xf32>,
        tpu.vector_store %arg9[%swap3A_525, %swap3A_526], %mul3A_524 {strides = array<i32>} : memref<80x128xf32, #tpu.memory_space<vmem>>, vector<16xf32>,
        %get3A_528 = arith.index_cast %add3A_518 : i32 to index
        %get3A_529 = arith.constant 16 : index
        %get3A_530 = tpu.vector_load %arg8[%get3A_528, %get3A_529] {strides = array<i32>} : memref<80x128xf32, #tpu.memory_space<vmem>>, vector<16xf32>,
        %mul3A_531 = arith.mulf %get3A_530, %gather3A_520 : vector<16xf32>
        %swap3A_532 = arith.index_cast %add3A_518 : i32 to index
        %swap3A_533 = arith.constant 16 : index
        %swap3A_534 = tpu.vector_load %arg9[%swap3A_532, %swap3A_533] {strides = array<i32>} : memref<80x128xf32, #tpu.memory_space<vmem>>, vector<16xf32>,
        tpu.vector_store %arg9[%swap3A_532, %swap3A_533], %mul3A_531 {strides = array<i32>} : memref<80x128xf32, #tpu.memory_space<vmem>>, vector<16xf32>,
        %get3A_535 = arith.index_cast %add3A_518 : i32 to index
        %get3A_536 = arith.constant 32 : index
        %get3A_537 = tpu.vector_load %arg8[%get3A_535, %get3A_536] {strides = array<i32>} : memref<80x128xf32, #tpu.memory_space<vmem>>, vector<16xf32>,
        %mul3A_538 = arith.mulf %get3A_537, %gather3A_520 : vector<16xf32>
        %swap3A_539 = arith.index_cast %add3A_518 : i32 to index
        %swap3A_540 = arith.constant 32 : index
        %swap3A_541 = tpu.vector_load %arg9[%swap3A_539, %swap3A_540] {strides = array<i32>} : memref<80x128xf32, #tpu.memory_space<vmem>>, vector<16xf32>,
        tpu.vector_store %arg9[%swap3A_539, %swap3A_540], %mul3A_538 {strides = array<i32>} : memref<80x128xf32, #tpu.memory_space<vmem>>, vector<16xf32>,
        %get3A_542 = arith.index_cast %add3A_518 : i32 to index
        %get3A_543 = arith.constant 48 : index
        %get3A_544 = tpu.vector_load %arg8[%get3A_542, %get3A_543] {strides = array<i32>} : memref<80x128xf32, #tpu.memory_space<vmem>>, vector<16xf32>,
        %mul3A_545 = arith.mulf %get3A_544, %gather3A_520 : vector<16xf32>
        %swap3A_546 = arith.index_cast %add3A_518 : i32 to index
        %swap3A_547 = arith.constant 48 : index
        %swap3A_548 = tpu.vector_load %arg9[%swap3A_546, %swap3A_547] {strides = array<i32>} : memref<80x128xf32, #tpu.memory_space<vmem>>, vector<16xf32>,
        tpu.vector_store %arg9[%swap3A_546, %swap3A_547], %mul3A_545 {strides = array<i32>} : memref<80x128xf32, #tpu.memory_space<vmem>>, vector<16xf32>,
        %get3A_549 = arith.index_cast %add3A_518 : i32 to index
        %get3A_550 = arith.constant 64 : index
        %get3A_551 = tpu.vector_load %arg8[%get3A_549, %get3A_550] {strides = array<i32>} : memref<80x128xf32, #tpu.memory_space<vmem>>, vector<16xf32>,
        %mul3A_552 = arith.mulf %get3A_551, %gather3A_520 : vector<16xf32>
        %swap3A_553 = arith.index_cast %add3A_518 : i32 to index
        %swap3A_554 = arith.constant 64 : index
        %swap3A_555 = tpu.vector_load %arg9[%swap3A_553, %swap3A_554] {strides = array<i32>} : memref<80x128xf32, #tpu.memory_space<vmem>>, vector<16xf32>,
        tpu.vector_store %arg9[%swap3A_553, %swap3A_554], %mul3A_552 {strides = array<i32>} : memref<80x128xf32, #tpu.memory_space<vmem>>, vector<16xf32>,
        %get3A_556 = arith.index_cast %add3A_518 : i32 to index
        %get3A_557 = arith.constant 80 : index
        %get3A_558 = tpu.vector_load %arg8[%get3A_556, %get3A_557] {strides = array<i32>} : memref<80x128xf32, #tpu.memory_space<vmem>>, vector<16xf32>,
        %mul3A_559 = arith.mulf %get3A_558, %gather3A_520 : vector<16xf32>
        %swap3A_560 = arith.index_cast %add3A_518 : i32 to index
        %swap3A_561 = arith.constant 80 : index
        %swap3A_562 = tpu.vector_load %arg9[%swap3A_560, %swap3A_561] {strides = array<i32>} : memref<80x128xf32, #tpu.memory_space<vmem>>, vector<16xf32>,
        tpu.vector_store %arg9[%swap3A_560, %swap3A_561], %mul3A_559 {strides = array<i32>} : memref<80x128xf32, #tpu.memory_space<vmem>>, vector<16xf32>,
        %get3A_563 = arith.index_cast %add3A_518 : i32 to index
        %get3A_564 = arith.constant 96 : index
        %get3A_565 = tpu.vector_load %arg8[%get3A_563, %get3A_564] {strides = array<i32>} : memref<80x128xf32, #tpu.memory_space<vmem>>, vector<16xf32>,
        %mul3A_566 = arith.mulf %get3A_565, %gather3A_520 : vector<16xf32>
        %swap3A_567 = arith.index_cast %add3A_518 : i32 to index
        %swap3A_568 = arith.constant 96 : index
        %swap3A_569 = tpu.vector_load %arg9[%swap3A_567, %swap3A_568] {strides = array<i32>} : memref<80x128xf32, #tpu.memory_space<vmem>>, vector<16xf32>,
        tpu.vector_store %arg9[%swap3A_567, %swap3A_568], %mul3A_566 {strides = array<i32>} : memref<80x128xf32, #tpu.memory_space<vmem>>, vector<16xf32>,
        %get3A_570 = arith.index_cast %add3A_518 : i32 to index
        %get3A_571 = arith.constant 112 : index
        %get3A_572 = tpu.vector_load %arg8[%get3A_570, %get3A_571] {strides = array<i32>} : memref<80x128xf32, #tpu.memory_space<vmem>>, vector<16xf32>,
        %mul3A_573 = arith.mulf %get3A_572, %gather3A_520 : vector<16xf32>
        %swap3A_574 = arith.index_cast %add3A_518 : i32 to index
        %swap3A_575 = arith.constant 112 : index
        %swap3A_576 = tpu.vector_load %arg9[%swap3A_574, %swap3A_575] {strides = array<i32>} : memref<80x128xf32, #tpu.memory_space<vmem>>, vector<16xf32>,
        tpu.vector_store %arg9[%swap3A_574, %swap3A_575], %mul3A_573 {strides = array<i32>} : memref<80x128xf32, #tpu.memory_space<vmem>>, vector<16xf32>,
      }
      %scan3A_48 = arith.constant 80 : i32
      %get3A = arith.constant 0 : index
      %get3A_49 = tpu.vector_load %arg12[%get3A] {strides = array<i32>} : memref<80xi32, #tpu.memory_space<vmem>>, vector<16xi32>,
      %get3A_50 = arith.constant 0 : index
      %get3A_51 = tpu.vector_load %arg11[%get3A_50] {strides = array<i32>} : memref<128xf32, #tpu.memory_space<vmem>>, vector<16xf32>,
      tpu.vector_store_idx %arg13[%get3A_49], %get3A_51 {add = true} : memref<12288xf32, #tpu.memory_space<vmem>>[vector<16xi32>], vector<16xf32>,
      %get3A_52 = arith.constant 16 : index
      %get3A_53 = tpu.vector_load %arg12[%get3A_52] {strides = array<i32>} : memref<80xi32, #tpu.memory_space<vmem>>, vector<16xi32>,
      %get3A_54 = arith.constant 16 : index
      %get3A_55 = tpu.vector_load %arg11[%get3A_54] {strides = array<i32>} : memref<128xf32, #tpu.memory_space<vmem>>, vector<16xf32>,
      tpu.vector_store_idx %arg13[%get3A_53], %get3A_55 {add = true} : memref<12288xf32, #tpu.memory_space<vmem>>[vector<16xi32>], vector<16xf32>,
      %get3A_56 = arith.constant 32 : index
      %get3A_57 = tpu.vector_load %arg12[%get3A_56] {strides = array<i32>} : memref<80xi32, #tpu.memory_space<vmem>>, vector<16xi32>,
      %get3A_58 = arith.constant 32 : index
      %get3A_59 = tpu.vector_load %arg11[%get3A_58] {strides = array<i32>} : memref<128xf32, #tpu.memory_space<vmem>>, vector<16xf32>,
      tpu.vector_store_idx %arg13[%get3A_57], %get3A_59 {add = true} : memref<12288xf32, #tpu.memory_space<vmem>>[vector<16xi32>], vector<16xf32>,
      %get3A_60 = arith.constant 48 : index
      %get3A_61 = tpu.vector_load %arg12[%get3A_60] {strides = array<i32>} : memref<80xi32, #tpu.memory_space<vmem>>, vector<16xi32>,
      %get3A_62 = arith.constant 48 : index
      %get3A_63 = tpu.vector_load %arg11[%get3A_62] {strides = array<i32>} : memref<128xf32, #tpu.memory_space<vmem>>, vector<16xf32>,
      tpu.vector_store_idx %arg13[%get3A_61], %get3A_63 {add = true} : memref<12288xf32, #tpu.memory_space<vmem>>[vector<16xi32>], vector<16xf32>,
      %get3A_64 = arith.constant 64 : index
      %get3A_65 = tpu.vector_load %arg12[%get3A_64] {strides = array<i32>} : memref<80xi32, #tpu.memory_space<vmem>>, vector<16xi32>,
      %get3A_66 = arith.constant 64 : index
      %get3A_67 = tpu.vector_load %arg11[%get3A_66] {strides = array<i32>} : memref<128xf32, #tpu.memory_space<vmem>>, vector<16xf32>,
      tpu.vector_store_idx %arg13[%get3A_65], %get3A_67 {add = true} : memref<12288xf32, #tpu.memory_space<vmem>>[vector<16xi32>], vector<16xf32>,
      "tpu.region"() ({
        %run_scoped3A = tpu.sem_alloc : memref<!tpu.dma_semaphore, #tpu.memory_space<semaphore_mem>>
        %dma_start3A = arith.constant 0 : i32
        %dma_start3A_68 = arith.constant 0 : i32
        %dma_start3A_69 = tpu.memref_slice %arg7[%dma_start3A, %dma_start3A_68] : memref<10240x128xf32, #tpu.memory_space<vmem_shared>> -> memref<10240x128xf32, #tpu.memory_space<vmem_shared>>
        tpu.enqueue_indirect_dma source(%arg9 : memref<80x128xf32, #tpu.memory_space<vmem>>) target(%dma_start3A_69 : memref<10240x128xf32, #tpu.memory_space<vmem_shared>>) offsets(%arg12 : memref<80xi32, #tpu.memory_space<vmem>>) semaphore(%run_scoped3A : memref<!tpu.dma_semaphore, #tpu.memory_space<semaphore_mem>>) {add = true}
        %dma_wait3A = arith.constant 0 : i32
        %dma_wait3A_70 = arith.constant 0 : i32
        %dma_wait3A_71 = tpu.memref_slice %arg7[%dma_wait3A, %dma_wait3A_70] : memref<10240x128xf32, #tpu.memory_space<vmem_shared>> -> memref<10240x128xf32, #tpu.memory_space<vmem_shared>>
        tpu.wait_indirect_dma semaphore(%run_scoped3A : memref<!tpu.dma_semaphore, #tpu.memory_space<semaphore_mem>>) src(%arg9 : memref<80x128xf32, #tpu.memory_space<vmem>>) dst(%dma_wait3A_71 : memref<10240x128xf32, #tpu.memory_space<vmem_shared>>)
        tpu.yield
      }) : () -> ()
    }
    %scan3A_24 = arith.constant 125 : i32
    %barrier3A_25 = arith.constant 0 : index
    tpu.barrier barrier_id(%barrier3A_25)
    %mul3A_26 = arith.constant 10240 : i32
    %mul3A_27 = arith.muli %arg0, %mul3A_26 : i32
    %add3A_28 = arith.addi %mul3A_27, %mul3A_4 : i32
    %scan3A_29 = arith.constant 0 : i32
    %scan3A_30 = arith.constant 20 : i32
    %scan3A_31 = arith.addi %scan3A_29, %scan3A_30 : i32
    %scan3A_32 = arith.constant 1 : i32
    scf.for %scan3A_36 = %scan3A_29 to %scan3A_31 step %scan3A_32  : i32 {
      %mul3A_37 = arith.constant 1 : i32
      %mul3A_38 = arith.muli %scan3A_36, %mul3A_37 : i32
      %add3A_39 = arith.constant 0 : i32
      %add3A_40 = arith.addi %add3A_39, %mul3A_38 : i32
      %mul3A_41 = arith.constant 32 : i32
      %mul3A_42 = arith.muli %add3A_40, %mul3A_41 : i32
      %add3A_43 = arith.addi %mul3A_4, %mul3A_42 : i32
      %mul3A_44 = arith.constant 32 : i32
      %mul3A_45 = arith.muli %add3A_40, %mul3A_44 : i32
      %add3A_46 = arith.addi %add3A_28, %mul3A_45 : i32
      "tpu.region"() ({
        %run_scoped3A = tpu.sem_alloc : memref<!tpu.dma_semaphore, #tpu.memory_space<semaphore_mem>>
        %dma_start3A = arith.constant 0 : i32
        %dma_start3A_47 = tpu.memref_slice %arg5[%add3A_46, %dma_start3A] : memref<20480x128xf32, #tpu.memory_space<hbm>> -> memref<32x128xf32, #tpu.memory_space<hbm>>
        %dma_start3A_48 = arith.constant 0 : i32
        %dma_start3A_49 = tpu.memref_slice %arg7[%add3A_43, %dma_start3A_48] : memref<10240x128xf32, #tpu.memory_space<vmem_shared>> -> memref<32x128xf32, #tpu.memory_space<vmem_shared>>
        tpu.enqueue_dma source(%dma_start3A_49 : memref<32x128xf32, #tpu.memory_space<vmem_shared>>) target(%dma_start3A_47 : memref<32x128xf32, #tpu.memory_space<hbm>>) target_semaphore(%run_scoped3A : memref<!tpu.dma_semaphore, #tpu.memory_space<semaphore_mem>>)
        %dma_wait3A = arith.constant 0 : i32
        %dma_wait3A_50 = tpu.memref_slice %arg5[%add3A_46, %dma_wait3A] : memref<20480x128xf32, #tpu.memory_space<hbm>> -> memref<32x128xf32, #tpu.memory_space<hbm>>
        %dma_wait3A_51 = arith.constant 0 : i32
        %dma_wait3A_52 = tpu.memref_slice %arg7[%add3A_43, %dma_wait3A_51] : memref<10240x128xf32, #tpu.memory_space<vmem_shared>> -> memref<32x128xf32, #tpu.memory_space<vmem_shared>>
        tpu.wait_dma2 semaphore(%run_scoped3A : memref<!tpu.dma_semaphore, #tpu.memory_space<semaphore_mem>>) src(%dma_wait3A_52 : memref<32x128xf32, #tpu.memory_space<vmem_shared>>) dst(%dma_wait3A_50 : memref<32x128xf32, #tpu.memory_space<hbm>>)
        tpu.yield
      }) : () -> ()
    }
    %scan3A_33 = arith.constant 20 : i32
    %mul3A_34 = arith.constant 12288 : i32
    %mul3A_35 = arith.muli %add3A, %mul3A_34 : i32
    "tpu.region"() ({
      %run_scoped3A = tpu.sem_alloc : memref<!tpu.dma_semaphore, #tpu.memory_space<semaphore_mem>>
      %dma_start3A = tpu.memref_slice %arg6[%mul3A_35] : memref<393216xf32, #tpu.memory_space<hbm>> -> memref<12288xf32, #tpu.memory_space<hbm>>
      %dma_start3A_36 = tpu.memref_slice %arg6[%mul3A_35] : memref<393216xf32, #tpu.memory_space<hbm>> -> memref<12288xf32, #tpu.memory_space<hbm>>
      tpu.enqueue_dma source(%arg13 : memref<12288xf32, #tpu.memory_space<vmem>>) target(%dma_start3A_36 : memref<12288xf32, #tpu.memory_space<hbm>>) target_semaphore(%run_scoped3A : memref<!tpu.dma_semaphore, #tpu.memory_space<semaphore_mem>>)
      %dma_wait3A = tpu.memref_slice %arg6[%mul3A_35] : memref<393216xf32, #tpu.memory_space<hbm>> -> memref<12288xf32, #tpu.memory_space<hbm>>
      %dma_wait3A_37 = tpu.memref_slice %arg6[%mul3A_35] : memref<393216xf32, #tpu.memory_space<hbm>> -> memref<12288xf32, #tpu.memory_space<hbm>>
      tpu.wait_dma2 semaphore(%run_scoped3A : memref<!tpu.dma_semaphore, #tpu.memory_space<semaphore_mem>>) src(%arg13 : memref<12288xf32, #tpu.memory_space<vmem>>) dst(%dma_wait3A_37 : memref<12288xf32, #tpu.memory_space<hbm>>)
      tpu.yield
    }) : () -> ()
    return
  }
}

module attributes {stable_mosaic.version = 14 : i64} {
  func.func @_e_body(%arg0: i32, %arg1: memref<1024x128xf32, #tpu.memory_space<vmem>>, %arg2: memref<128x128xf32, #tpu.memory_space<vmem>>, %arg3: memref<1x128xf32, #tpu.memory_space<vmem>>, %arg4: memref<1x128xf32, #tpu.memory_space<vmem>>, %arg5: memref<8x128xf32, #tpu.memory_space<vmem>>) attributes {dimension_semantics = [#tpu.dimension_semantics<arbitrary>], iteration_bounds = array<i64: 313>, scalar_prefetch = 0 : i64, scratch_operands = 0 : i64, tpu.core_type = #tpu.core_type<tc>, window_params = [{transform_indices = @transform_0, window_bounds = array<i64: 1024, 128>}, {pipeline_mode = #tpu.pipeline_mode<synchronous>, transform_indices = @transform_1, window_bounds = array<i64: 128, 128>}, {pipeline_mode = #tpu.pipeline_mode<synchronous>, transform_indices = @transform_2, window_bounds = array<i64: 1, 128>}, {pipeline_mode = #tpu.pipeline_mode<synchronous>, transform_indices = @transform_3, window_bounds = array<i64: 1, 128>}, {transform_indices = @transform_4, window_bounds = array<i64: 8, 128>}]} {
    %get3A = arith.constant 0 : index
    %get3A_0 = arith.constant 0 : index
    %get3A_1 = vector.load %arg1[%get3A, %get3A_0] : memref<1024x128xf32, #tpu.memory_space<vmem>>, vector<1024x128xf32>
    %get3A_2 = arith.constant 0 : index
    %get3A_3 = arith.constant 0 : index
    %get3A_4 = vector.load %arg2[%get3A_2, %get3A_3] : memref<128x128xf32, #tpu.memory_space<vmem>>, vector<128x128xf32>
    %dot_general3A = arith.constant dense<0.000000e+00> : vector<1024x128xf32>
    %dot_general3A_5 = tpu.matmul %get3A_1, %get3A_4, %dot_general3A {dimension_numbers = #tpu.dot_dimension_numbers<[1], [0], [0], [1], [0, 0, 1, 1], [], []>, transpose_lhs_hint = false} : vector<1024x128xf32>, vector<128x128xf32>, vector<1024x128xf32> -> vector<1024x128xf32>
    %get3A_6 = arith.constant 0 : index
    %get3A_7 = arith.constant 0 : index
    %get3A_8 = vector.load %arg3[%get3A_6, %get3A_7] : memref<1x128xf32, #tpu.memory_space<vmem>>, vector<1x128xf32>
    %add3A = vector.broadcast %get3A_8 : vector<1x128xf32> to vector<1024x128xf32>
    %add3A_9 = arith.addf %dot_general3A_5, %add3A : vector<1024x128xf32>
    %tanh3A = math.tanh %add3A_9 : vector<1024x128xf32>
    %get3A_10 = arith.constant 0 : index
    %get3A_11 = arith.constant 0 : index
    %get3A_12 = vector.load %arg4[%get3A_10, %get3A_11] : memref<1x128xf32, #tpu.memory_space<vmem>>, vector<1x128xf32>
    %mul3A = vector.broadcast %get3A_12 : vector<1x128xf32> to vector<1024x128xf32>
    %mul3A_13 = arith.mulf %tanh3A, %mul3A : vector<1024x128xf32>
    %reduce_sum3A = arith.constant dense<0.000000e+00> : vector<1024xf32>
    %reduce_sum3A_14 = vector.multi_reduction <add>, %mul3A_13, %reduce_sum3A [1] : vector<1024x128xf32> to vector<1024xf32>
    %exp3A = math.exp %reduce_sum3A_14 : vector<1024xf32>
    %reshape3A = vector.shape_cast %exp3A : vector<1024xf32> to vector<8x128xf32>
    %swap3A = arith.constant 0 : index
    %swap3A_15 = arith.constant 0 : index
    %swap3A_16 = vector.load %arg5[%swap3A, %swap3A_15] : memref<8x128xf32, #tpu.memory_space<vmem>>, vector<8x128xf32>
    tpu.vector_store %arg5[%swap3A, %swap3A_15], %reshape3A {strides = array<i32>} : memref<8x128xf32, #tpu.memory_space<vmem>>, vector<8x128xf32>,
    return
  }
  func.func @transform_0(%arg0: i32) -> (i32, i32) {
    %c0_i32 = arith.constant 0 : i32
    %c0_i32_0 = arith.constant 0 : i32
    return %arg0, %c0_i32 : i32, i32
  }
  func.func @transform_1(%arg0: i32) -> (i32, i32) {
    %c0_i32 = arith.constant 0 : i32
    %c0_i32_0 = arith.constant 0 : i32
    %c0_i32_1 = arith.constant 0 : i32
    return %c0_i32, %c0_i32_0 : i32, i32
  }
  func.func @transform_2(%arg0: i32) -> (i32, i32) {
    %c0_i32 = arith.constant 0 : i32
    %c0_i32_0 = arith.constant 0 : i32
    %c0_i32_1 = arith.constant 0 : i32
    return %c0_i32, %c0_i32_0 : i32, i32
  }
  func.func @transform_3(%arg0: i32) -> (i32, i32) {
    %c0_i32 = arith.constant 0 : i32
    %c0_i32_0 = arith.constant 0 : i32
    %c0_i32_1 = arith.constant 0 : i32
    return %c0_i32, %c0_i32_0 : i32, i32
  }
  func.func @transform_4(%arg0: i32) -> (i32, i32) {
    %c0_i32 = arith.constant 0 : i32
    %c0_i32_0 = arith.constant 0 : i32
    return %arg0, %c0_i32 : i32, i32
  }
}

</mosaic_0001>

<sc_bundles>
// kernel: kernel.5.cloned.1.call-start
scs
__scs_entry_jumppad:
0x0: {  	(pc) =	sbr.rel $0x88, $3  }
0x1: {  	(tag) =	ssettag $0x0;
	lr =	simm.s32 $0x1  }
0x2: {  	[smem:$0x3F9C] =	sst lr;
	_ =	strace $0xD0000000  }
0x3: {  	_ = 	snop  }
0x4: {  	_ = 	snop  }
0x5: {  	_ = 	snop  }
0x6: {  	_ = 	snop  }
0x7: {  	_ = 	snop  }
__scs_overlays_trampoline_lowered:
0x8: {  	[smem:$0x3FAB] =	sst s0  }
0x9: {  	[smem:$0x3FAC] =	sst s1  }
0xa: {  	[smem:$0x3FAD] =	sst s2  }
0xb: {  	[smem:$0x3FAE] =	sst s3  }
0xc: {  	[smem:$0x3FAF] =	sst s4  }
0xd: {  	[smem:$0x3FB0] =	sst s5  }
0xe: {  	[smem:$0x3FB1] =	sst s6  }
0xf: {  	[smem:$0x3FB2] =	sst s7  }
0x10: {  	[smem:$0x3FB3] =	sst s8  }
0x11: {  	[smem:$0x3FB4] =	sst s9;
	s0 =	simm.s32 @!p0 $0x0  }
0x12: {  	s1 =	sld [smem:$0x3F9A];
	s0 =	simm.s32 @p0 $0x1  }
0x13: {  	[smem:$0x3FB5] =	sst s0;
	s0 =	simm.s32 @!p1 $0x0  }
0x14: {  	s2 =	sld [smem:$0x3F99];
	s0 =	simm.s32 @p1 $0x1  }
0x15: {  	[smem:$0x3FB6] =	sst s0;
	s0 =	simm.s32 @!p2 $0x0  }
0x16: {  	s3 =	sld [smem:$0x3FDB];
	s0 =	simm.s32 @p2 $0x1  }
0x17: {  	s4 =	simm.s32 $0x1BF5;
	[smem:$0x3FB8] =	sst s0  }
0x18: {  	s0 =	sld [smem:$0x3F9B];
	_ =	swait.ge [sflag:s4], $0x0  }
0x19: {  	s7 =	sld [smem:$0x3F9C]  }
0x1a: {  	s8 =	sadd.s32 $0xFFFFE003, lr  }
0x1b: {  	s9 =	sadd.s32 $0xFFFFFEF7, lr;
	s5 =	simm.s32 $0xFFFFFFFF;
	p2 =	slt.u32 s8, $0xFFFFF086  }
0x1c: {  	p1 =	slt.u32 s9, $0xF7A;
	s5 =	simm.s32 @!p2 $0x0  }
0x1d: {  	s5 =	simm.s32 @p1 $0x1;
	p0 =	seq.s32 s7, s2  }
0x1e: {  	s7 =	smul.u32 @!p0 $0xF7A, s2;
	p2 =	seq.s32 @!p0 s5, $0x0  }
0x1f: {  	s9 =	smul.u32 $0xF7A, s1;
	s8 =	simm.s32 @!p0 $0x1BF5;
	p2 =	por !p2, p0  }
0x20: {  	[sflag:s8] =	ssyncset.s32 @!p0 $0xFFFFF086;
	s6 =	sadd.s32 @!p0 s3, s7;
	s7 =	simm.s32 @!p0 $0x108  }
0x21: {  	s3 =	sadd.s32 s3, s9;
	s6 =	sadd.s32 @!p0 $0x88, s6;
	s7 =	simm.s32 @p2 $0x1082  }
0x22: {  	[simem:s7], [sflag:s8] =	dma.local @!p0 [hbm:s6], $0xF7A  }
0x23: {  	s9 =	sor.u32 $0xD0000000, s2;
	s6 =	simm.s32 $0x108;
	_ =	swait.ge @!p0 [sflag:s8], $0x0  }
0x24: {  	s3 =	sadd.s32 $0x88, s3;
	s6 =	simm.s32 @!p1 $0x1082;
	[sflag:s4] =	ssyncset.s32 $0xFFFFF086  }
0x25: {  	[simem:s6], [sflag:s4] =	dma.local [hbm:s3], $0xF7A  }
0x26: {  	[smem:$0x3F9C] =	sst s1;
	(tag) =	ssettag s2;
	_ =	strace s9  }
0x27: {  	s1 =	sld [smem:$0x3FAC]  }
0x28: {  	s2 =	sld [smem:$0x3FAD]  }
0x29: {  	s4 =	sld [smem:$0x3FAF]  }
0x2a: {  	p0 =	seq.s32 s5, $0x0;
	s5 =	sld [smem:$0x3FB0]  }
0x2b: {  	s6 =	sld [smem:$0x3FB1]  }
0x2c: {  	s7 =	sld [smem:$0x3FB2]  }
0x2d: {  	s3 =	simm.s32 $0x108;
	s8 =	sld [smem:$0x3FB3]  }
0x2e: {  	s3 =	simm.s32 @!p0 $0x1082;
	s9 =	sld [smem:$0x3FB4]  }
0x2f: {  	lr =	sadd.s32 s0, s3;
	s0 =	sld [smem:$0x3FAB]  }
0x30: {  	s3 =	sld [smem:$0x3FAE]  }
0x31: {  	[smem:$0x3FB7] =	sst s10  }
0x32: {  	s10 =	sld [smem:$0x3FB5];
	_ =	sdelay $0x3  }
0x33: {  	p0 =	seq.s32 s10, $0x1;
	s10 =	sld [smem:$0x3FB7];
	_ =	sdelay $0x3  }
0x34: {  	[smem:$0x3FB7] =	sst s10  }
0x35: {  	s10 =	sld [smem:$0x3FB6];
	_ =	sdelay $0x3  }
0x36: {  	p1 =	seq.s32 s10, $0x1;
	s10 =	sld [smem:$0x3FB7];
	_ =	sdelay $0x3  }
0x37: {  	[smem:$0x3FB7] =	sst s10  }
0x38: {  	s10 =	sld [smem:$0x3FB8]  }
0x39: {  	_ = 	snop;
	(pc) =	sbr.ind lr, $3  }
0x3a: {  	_ = 	snop  }
0x3b: {  	_ = 	snop  }
0x3c: {  	p2 =	seq.s32 s10, $0x1;
	s10 =	sld [smem:$0x3FB7]  }
0x3d: {  	_ =	shalt  }
0x3e: {  	_ =	shalt  }
0x3f: {  	_ =	shalt  }
0x40: {  	_ =	shalt  }
0x41: {  	_ =	shalt  }
0x42: {  	_ =	shalt  }
0x43: {  	_ =	shalt  }
0x44: {  	_ =	shalt  }
0x45: {  	_ =	shalt  }
0x46: {  	_ =	shalt  }
0x47: {  	_ =	shalt  }
0x48: {  	_ =	shalt  }
0x49: {  	_ =	shalt  }
0x4a: {  	_ =	shalt  }
0x4b: {  	_ =	shalt  }
0x4c: {  	_ =	shalt  }
0x4d: {  	_ =	shalt  }
0x4e: {  	_ =	shalt  }
0x4f: {  	_ =	shalt  }
0x50: {  	_ =	shalt  }
0x51: {  	_ =	shalt  }
0x52: {  	_ =	shalt  }
0x53: {  	_ =	shalt  }
0x54: {  	_ =	shalt  }
0x55: {  	_ =	shalt  }
0x56: {  	_ =	shalt  }
0x57: {  	_ =	shalt  }
0x58: {  	_ =	shalt  }
0x59: {  	_ =	shalt  }
0x5a: {  	_ =	shalt  }
0x5b: {  	_ =	shalt  }
0x5c: {  	_ =	shalt  }
0x5d: {  	_ =	shalt  }
0x5e: {  	_ =	shalt  }
0x5f: {  	_ =	shalt  }
0x60: {  	_ =	shalt  }
0x61: {  	_ =	shalt  }
0x62: {  	_ =	shalt  }
0x63: {  	_ =	shalt  }
0x64: {  	_ =	shalt  }
0x65: {  	_ =	shalt  }
0x66: {  	_ =	shalt  }
0x67: {  	_ =	shalt  }
0x68: {  	_ =	shalt  }
0x69: {  	_ =	shalt  }
0x6a: {  	_ =	shalt  }
0x6b: {  	_ =	shalt  }
0x6c: {  	_ =	shalt  }
0x6d: {  	_ =	shalt  }
0x6e: {  	_ =	shalt  }
0x6f: {  	_ =	shalt  }
0x70: {  	_ =	shalt  }
0x71: {  	_ =	shalt  }
0x72: {  	_ =	shalt  }
0x73: {  	_ =	shalt  }
0x74: {  	_ =	shalt  }
0x75: {  	_ =	shalt  }
0x76: {  	_ =	shalt  }
0x77: {  	_ =	shalt  }
0x78: {  	_ =	shalt  }
0x79: {  	_ =	shalt  }
0x7a: {  	_ =	shalt  }
0x7b: {  	_ =	shalt  }
0x7c: {  	_ =	shalt  }
0x7d: {  	_ =	shalt  }
0x7e: {  	_ =	shalt  }
0x7f: {  	_ =	shalt  }
0x80: {  	_ =	shalt  }
0x81: {  	_ =	shalt  }
0x82: {  	_ =	shalt  }
0x83: {  	_ =	shalt  }
0x84: {  	_ =	shalt  }
0x85: {  	_ =	shalt  }
0x86: {  	_ =	shalt  }
0x87: {  	_ =	shalt  }
.Lfunc_end0:
.L_simem_size_0:
called_computation_lowered:
.L_overlay_start_0:
0x88: {  	s2 =	sld [smem:$0x3FD9]  }
0x89: {  	s3 =	sld [smem:$0x3FFE];
	_ =	sdelay $0x1  }
0x8a: {  	s1 =	srdreg.scid  }
0x8b: {  	s0 =	sand.u32 $0x1, s1  }
0x8c: {  	s14 =	sshll.u32 s0, $0xA;
	s2 =	sadd.s32 s3, s2  }
0x8d: {  	s2 =	sadd.s32 s2, s14  }
0x8e: {  	[smem:$0x3FC3] =	sst s2  }
0x8f: {  	_ = 	snop  }
0x90: {  	s2 =	sld [smem:$0x3FD0];
	_ =	sdelay $0x1  }
0x91: {  	s15 =	sld [smem:$0x3FC9]  }
0x92: {  	s5 =	simm.s32 $0xA;
	s6 =	simm.s32 $0x10;
	s4 =	sld [smem:$0x3FC8]  }
0x93: {  	[smem:s6], [sflag:s5] =	dma.local [hbm:s2], $0x1  }
0x94: {  	_ =	swait.eq [sflag:s5], $0x1  }
0x95: {  	[sflag:s5] =	ssyncset.done $0x0  }
0x96: {  	[sflag:s5] =	ssyncadd.s32 $0xFFFFFFFF  }
0x97: {  	s16 =	sld [smem:$0x10];
	(tm) =	ssettm $0x1  }
0x98: {  	s17 =	sld [smem:$0x3FFB];
	_ =	sdelay $0x3  }
0x99: {  	_ =	strace s17  }
0x9a: {  	s5 =	sld [smem:$0x3FFC];
	_ =	sdelay $0x3  }
0x9b: {  	_ =	strace s5  }
0x9c: {  	s5 =	sld [smem:$0x3FFD];
	_ =	sdelay $0x3  }
0x9d: {  	_ =	strace s5  }
0x9e: {  	_ =	strace $0x8FFFFFFF  }
0x9f: {  	s18 =	sld [smem:$0x3FDB];
	_ =	sdelay $0x1  }
0xa0: {  	s19 =	simm.s32 $_scs_section_size  }
0xa1: {  	s7 =	simm.s32 $_size__tile_overlayer_lowered;
	s8 =	simm.s32 $_tile_overlayer_lowered  }
0xa2: {  	s22 =	simm.s32 $0x1BFF;
	s21 =	sshll.u32 s8, $0x1;
	s5 =	sadd.s32 s19, s18  }
0xa3: {  	s9 =	simm.s32 $0x0;
	s20 =	sshll.u32 s7, $0x1;
	s7 =	sadd.s32 s21, s5  }
0xa4: {  	[timem:s9], [sflag:s22] =	dma.local [hbm:s7], s20  }
0xa5: {  	_ =	swait.ge [sflag:s22], s20  }
0xa6: {  	s6 =	ssub.s32 $0x0, s20;
	[sflag:s22] =	ssyncset.done $0x0  }
0xa7: {  	[sflag:s22] =	ssyncadd.s32 s6;
	_ =	sdelay $0x1  }
0xa8: {  	s23 =	simm.s32 $0x1B8B  }
0xa9: {  	_ =	swait.ge [sflag:s23], $0x1  }
0xaa: {  	[sflag:s23] =	ssyncset.done $0x0  }
0xab: {  	s25 =	simm.s32 $0x1B8E;
	s24 =	sld [smem:$0x3FFE];
	[sflag:s23] =	ssyncadd.s32 $0xFFFFFFFF  }
0xac: {  	s26 =	simm.s32 $execute0_lowered;
	[smem:$0x3FD2] =	sst s25  }
0xad: {  	s7 =	sshll.u32 s26, $0x1;
	_ =	strace $0x80000046;
	[dreg:$0x1] =	wrdreg $0xFFFFFFFF  }
0xae: {  	s28 =	simm.s32 $_size_execute0_lowered;
	s5 =	sadd.s32 s5, s7;
	[dreg:$0x0] =	wrdreg $0x0  }
0xaf: {  	s7 =	sshll.u32 s28, $0x1;
	[dreg:$0x2] =	wrdreg s5  }
0xb0: {  	[dreg:$0x3] =	wrdreg s7  }
0xb1: {  	[dreg:$0x4] =	wrdreg $0xC0  }
0xb2: {  	_ =	task [dreg:s9], $0x5FFFF  }
0xb3: {  	[dreg:$0x1] =	wrdreg $0xFFFFFFFF  }
0xb4: {  	[dreg:$0x0] =	wrdreg $0x60  }
0xb5: {  	[dreg:$0x2] =	wrdreg s15  }
0xb6: {  	[dreg:$0x3] =	wrdreg s4  }
0xb7: {  	[dreg:$0x4] =	wrdreg s24  }
0xb8: {  	[dreg:$0x5] =	wrdreg s16  }
0xb9: {  	[dreg:$0x6] =	wrdreg $0x0  }
0xba: {  	[dreg:$0x7] =	wrdreg $0x9  }
0xbb: {  	_ =	task.clear_ibuf [dreg:s9], $0x8FFFF;
	_ =	strace $0x90000046  }
0xbc: {  	s29 =	simm.s32 $0x9;
	_ =	strace $0x80000048  }
0xbd: {  	_ =	swait.ge [sflag:s29], $0x1  }
0xbe: {  	[sflag:s29] =	ssyncadd.s32 $0xFFFFFFFF  }
0xbf: {  	_ =	strace $0x90000048  }
0xc0: {  	_ =	sfence  }
0xc1: {  	s30 =	sld [smem:$0x0];
	_ =	sdelay $0x2  }
0xc2: {  	s31 =	sshll.u32 s1, $0xD;
	s1 =	sshrl.u32 s1, $0x2  }
0xc3: {  	s3 =	sand.u32 $0x4000, s31;
	s1 =	sadd.s32 s1, s30  }
0xc4: {  	s0 =	sor.u32 s3, s0;
	s1 =	sshll.u32 s1, $0x11  }
0xc5: {  	s0 =	sor.u32 s1, s0  }
0xc6: {  	s0 =	sadd.s32 $0x8F2B, s0  }
0xc7: {  	[sflag:s0] =	ssyncadd.remote.s32 $0x1  }
0xc8: {  	_ =	sfence.sel $0xFFFF  }
0xc9: {  	[dreg:$0x0] =	wrdreg $0xFFFFFFFF;
	(pc) =	sbr.abs _section_cstart, $3  }
0xca: {  	[dreg:$0x1] =	wrdreg $0xFFFFFFFF  }
0xcb: {  	_ =	task.clear_ibuf [dreg:s9], $0x2FFFF;
	_ =	strace $0x9FFFFFFF  }
0xcc: {  	(tm) =	ssettm $0x7FFFFFFF  }
0xcd: {  	_ =	shalt  }
tec
execute0_lowered:
.L_overlay_start_1:
0x0: {  	(tag) =	ssettag $0x1  }
0x1: {  	s1 =	rddreg [dreg:$0x0]  }
0x2: {  	s2 =	rddreg [dreg:$0x1]  }
0x3: {  	s0 =	rddreg [dreg:$0x2]  }
0x4: {  	s4 =	rddreg [dreg:$0x3]  }
0x5: {  	s3 =	rddreg [dreg:$0x4];
	s6 =	simm.s32 $0x0;
	s5 =	srdreg.scid  }
0x6: {  	s12 =	stileid.u32;
	[smem:$0x7FF] =	sst s6  }
0x7: {  	s5 =	sand.u32 $0x1, s5;
	s6 =	sadd.s32 $0x1A00, s0;
	s9 =	smul.u32 $0x50000, s12  }
0x8: {  	s24 =	smul.u32 $0x2800, s12;
	_ =	strace $0x80000047;
	s8 =	sshll.u32 s5, $0x4  }
0x9: {  	s7 =	smul.u32 $0x28000, s5;
	s5 =	ssub.s32 $0x2, s5;
	s13 =	sor.u32 s12, s8  }
0xa: {  	s14 =	sshrl.u32 s5, $0x1;
	s9 =	sshrl.u32 s9, $0x2;
	s12 =	simm.s32 $0x1A100  }
0xb: {  	s0 =	sadd.s32 s7, s0;
	s10 =	smul.u32 $0x600, s13;
	s5 =	ssub.s32 s5, s14  }
0xc: {  	s7 =	smul.u32 $0x2710, s13;
	s8 =	sadd.s32 s9, s3;
	s15 =	smax.u32 s5, $0x1  }
0xd: {  	s9 =	simm.s32 $0x1A000;
	s16 =	sadd.s32 $0x2000, s8;
	[dreg:$0x7] =	wrdreg s15  }
0xe: {  	s13 =	simm.s32 $0x50;
	s17 =	sadd.s32 $0x3000, s8;
	[dreg:$0x8] =	wrdreg s16  }
0xf: {  	s14 =	simm.s32 $0x16800;
	s18 =	sadd.s32 $0x4000, s8;
	[dreg:$0x9] =	wrdreg s17  }
0x10: {  	s11 =	sadd.s32 $0x1000, s8;
	s19 =	sadd.s32 $0x5000, s8;
	[dreg:$0xa] =	wrdreg s18  }
0x11: {  	s20 =	sadd.s32 $0x6000, s8;
	s21 =	sadd.s32 $0x7000, s8;
	[dreg:$0xb] =	wrdreg s19  }
0x12: {  	s22 =	sadd.s32 $0x8000, s8;
	s23 =	sadd.s32 $0x9000, s8;
	[dreg:$0xc] =	wrdreg s20  }
0x13: {  	s25 =	sadd.s32 $0xA000, s8;
	s26 =	sadd.s32 $0xB000, s8;
	[dreg:$0xd] =	wrdreg s21  }
0x14: {  	s0 =	sadd.s32 s24, s0;
	s24 =	sadd.s32 $0xE000, s8;
	[dreg:$0xe] =	wrdreg s22  }
0x15: {  	s28 =	sadd.s32 $0x10000, s8;
	s29 =	sadd.s32 $0x11000, s8;
	[dreg:$0xf] =	wrdreg s23  }
0x16: {  	s30 =	sadd.s32 $0x12000, s8;
	s31 =	sadd.s32 $0x13000, s8;
	[dreg:$0x10] =	wrdreg s25  }
0x17: {  	s5 =	simm.s32 $0x14000;
	s4 =	sadd.s32 s4, s10;
	[dreg:$0x11] =	wrdreg s26  }
0x18: {  	s22 =	sadd.s32 $0xC000, s8;
	s23 =	sadd.s32 $0xD000, s8;
	s25 =	sadd.s32 $0xB800, s0  }
0x19: {  	s26 =	sadd.s32 $0xF000, s8;
	s0 =	simm.s32 $0x19000;
	s10 =	simm.s32 $0x1A080  }
0x1a: {  	v0 =	vimm.f32 $0.0e+00;
	s15 =	simm.s32 $0x0;
	[dreg:$0x6] =	wrdreg s4;
	s4 =	simm.s32 $0x1  }
.LBB2_1:
0x1b: {  	s16 =	simm.s32 $0x0  }
.LBB2_2:
0x1c: {  	p0 =	sne.s32 s16, $0xBFC0  }
.Ltmp0:
0x1d: {  	_ = 	snop;
	(pc) =	sbr.rel @p0 .LBB2_2-.Ltmp0, $3  }
0x1e: {  	_ =	sdelay $0x1  }
0x1f: {  	s17 =	sshra.s32 s16, $0x2  }
0x20: {  	s16 =	sadd.s32 $0x40, s16;
	[tilespmem:s17+$0x1A100] =	vst v0  }
0x21: {  	s16 =	simm.s32 $0x0;
	s17 =	simm.s32 $0x200  }
.LBB2_4:
0x22: {  	p0 =	sne.s32 s17, $0x3E00;
	[tilespmem:s16+$0x19070] =	vst v0  }
0x23: {  	[tilespmem:s16+$0x19000] =	vst v0  }
0x24: {  	[tilespmem:s16+$0x19010] =	vst v0  }
.Ltmp1:
0x25: {  	[tilespmem:s16+$0x19020] =	vst v0;
	(pc) =	sbr.rel @p0 .LBB2_4-.Ltmp1, $4  }
0x26: {  	[tilespmem:s16+$0x19030] =	vst v0  }
0x27: {  	[tilespmem:s16+$0x19040] =	vst v0  }
0x28: {  	[tilespmem:s16+$0x19050] =	vst v0  }
0x29: {  	[tilespmem:s16+$0x19060] =	vst v0;
	s16 =	sshra.s32 s17, $0x2;
	s17 =	sadd.s32 $0x200, s17  }
0x2a: {  	[tilespmem:s16+$0x19070] =	vst v0  }
0x2b: {  	[tilespmem:s16+$0x19000] =	vst v0  }
0x2c: {  	[tilespmem:s16+$0x19010] =	vst v0  }
0x2d: {  	[tilespmem:s16+$0x19020] =	vst v0  }
0x2e: {  	[tilespmem:s16+$0x19030] =	vst v0  }
0x2f: {  	[tilespmem:s16+$0x19040] =	vst v0  }
0x30: {  	[tilespmem:s16+$0x19050] =	vst v0  }
0x31: {  	[tilespmem:s16+$0x19060] =	vst v0  }
0x32: {  	[spmem:s8] =	stream.linear.scatter [tilespmem:s0], [sflag:$0x1], $0x1000, $0x38;
	[tilespmem:$0x1D100] =	vst v63  }
0x33: {  	_ =	swait.ge [sflag:s4], $0x1000  }
0x34: {  	[sflag:s4] =	ssyncset.done $0x0  }
0x35: {  	[sflag:s4] =	ssyncadd.s32 $0xFFFFF000  }
0x36: {  	[spmem:s11] =	stream.linear.scatter [tilespmem:s0], [sflag:$0x1], $0x1000, $0x38;
	[tilespmem:$0x1D100] =	vst v63  }
0x37: {  	_ =	swait.ge [sflag:s4], $0x1000  }
0x38: {  	[sflag:s4] =	ssyncset.done $0x0  }
0x39: {  	s17 =	rddreg [dreg:$0x8];
	[sflag:s4] =	ssyncadd.s32 $0xFFFFF000  }
0x3a: {  	[spmem:s17] =	stream.linear.scatter [tilespmem:s0], [sflag:$0x1], $0x1000, $0x38;
	[tilespmem:$0x1D100] =	vst v63  }
0x3b: {  	_ =	swait.ge [sflag:s4], $0x1000  }
0x3c: {  	[sflag:s4] =	ssyncset.done $0x0  }
0x3d: {  	s18 =	rddreg [dreg:$0x9];
	[sflag:s4] =	ssyncadd.s32 $0xFFFFF000  }
0x3e: {  	[spmem:s18] =	stream.linear.scatter [tilespmem:s0], [sflag:$0x1], $0x1000, $0x38;
	[tilespmem:$0x1D100] =	vst v63  }
0x3f: {  	_ =	swait.ge [sflag:s4], $0x1000  }
0x40: {  	[sflag:s4] =	ssyncset.done $0x0  }
0x41: {  	s19 =	rddreg [dreg:$0xa];
	[sflag:s4] =	ssyncadd.s32 $0xFFFFF000  }
0x42: {  	[spmem:s19] =	stream.linear.scatter [tilespmem:s0], [sflag:$0x1], $0x1000, $0x38;
	[tilespmem:$0x1D100] =	vst v63  }
0x43: {  	_ =	swait.ge [sflag:s4], $0x1000  }
0x44: {  	[sflag:s4] =	ssyncset.done $0x0  }
0x45: {  	s20 =	rddreg [dreg:$0xb];
	[sflag:s4] =	ssyncadd.s32 $0xFFFFF000  }
0x46: {  	[spmem:s20] =	stream.linear.scatter [tilespmem:s0], [sflag:$0x1], $0x1000, $0x38;
	[tilespmem:$0x1D100] =	vst v63  }
0x47: {  	_ =	swait.ge [sflag:s4], $0x1000  }
0x48: {  	[sflag:s4] =	ssyncset.done $0x0  }
0x49: {  	s21 =	rddreg [dreg:$0xc];
	[sflag:s4] =	ssyncadd.s32 $0xFFFFF000  }
0x4a: {  	[spmem:s21] =	stream.linear.scatter [tilespmem:s0], [sflag:$0x1], $0x1000, $0x38;
	[tilespmem:$0x1D100] =	vst v63  }
0x4b: {  	_ =	swait.ge [sflag:s4], $0x1000  }
0x4c: {  	[sflag:s4] =	ssyncset.done $0x0  }
0x4d: {  	s17 =	rddreg [dreg:$0xd];
	[sflag:s4] =	ssyncadd.s32 $0xFFFFF000  }
0x4e: {  	[spmem:s17] =	stream.linear.scatter [tilespmem:s0], [sflag:$0x1], $0x1000, $0x38;
	[tilespmem:$0x1D100] =	vst v63  }
0x4f: {  	_ =	swait.ge [sflag:s4], $0x1000  }
0x50: {  	[sflag:s4] =	ssyncset.done $0x0  }
0x51: {  	s18 =	rddreg [dreg:$0xe];
	[sflag:s4] =	ssyncadd.s32 $0xFFFFF000  }
0x52: {  	[spmem:s18] =	stream.linear.scatter [tilespmem:s0], [sflag:$0x1], $0x1000, $0x38;
	[tilespmem:$0x1D100] =	vst v63  }
0x53: {  	_ =	swait.ge [sflag:s4], $0x1000  }
0x54: {  	[sflag:s4] =	ssyncset.done $0x0  }
0x55: {  	s19 =	rddreg [dreg:$0xf];
	[sflag:s4] =	ssyncadd.s32 $0xFFFFF000  }
0x56: {  	[spmem:s19] =	stream.linear.scatter [tilespmem:s0], [sflag:$0x1], $0x1000, $0x38;
	[tilespmem:$0x1D100] =	vst v63  }
0x57: {  	_ =	swait.ge [sflag:s4], $0x1000  }
0x58: {  	[sflag:s4] =	ssyncset.done $0x0  }
0x59: {  	s20 =	rddreg [dreg:$0x10];
	[sflag:s4] =	ssyncadd.s32 $0xFFFFF000  }
0x5a: {  	[spmem:s20] =	stream.linear.scatter [tilespmem:s0], [sflag:$0x1], $0x1000, $0x38;
	[tilespmem:$0x1D100] =	vst v63  }
0x5b: {  	_ =	swait.ge [sflag:s4], $0x1000  }
0x5c: {  	[sflag:s4] =	ssyncset.done $0x0  }
0x5d: {  	s21 =	rddreg [dreg:$0x11];
	[sflag:s4] =	ssyncadd.s32 $0xFFFFF000  }
0x5e: {  	[spmem:s21] =	stream.linear.scatter [tilespmem:s0], [sflag:$0x1], $0x1000, $0x38;
	[tilespmem:$0x1D100] =	vst v63  }
0x5f: {  	_ =	swait.ge [sflag:s4], $0x1000  }
0x60: {  	[sflag:s4] =	ssyncset.done $0x0  }
0x61: {  	[sflag:s4] =	ssyncadd.s32 $0xFFFFF000  }
0x62: {  	[spmem:s22] =	stream.linear.scatter [tilespmem:s0], [sflag:$0x1], $0x1000, $0x38;
	[tilespmem:$0x1D100] =	vst v63  }
0x63: {  	_ =	swait.ge [sflag:s4], $0x1000  }
0x64: {  	[sflag:s4] =	ssyncset.done $0x0  }
0x65: {  	[sflag:s4] =	ssyncadd.s32 $0xFFFFF000  }
0x66: {  	[spmem:s23] =	stream.linear.scatter [tilespmem:s0], [sflag:$0x1], $0x1000, $0x38;
	[tilespmem:$0x1D100] =	vst v63  }
0x67: {  	_ =	swait.ge [sflag:s4], $0x1000  }
0x68: {  	[sflag:s4] =	ssyncset.done $0x0  }
0x69: {  	[sflag:s4] =	ssyncadd.s32 $0xFFFFF000  }
0x6a: {  	[spmem:s24] =	stream.linear.scatter [tilespmem:s0], [sflag:$0x1], $0x1000, $0x38;
	[tilespmem:$0x1D100] =	vst v63  }
0x6b: {  	_ =	swait.ge [sflag:s4], $0x1000  }
0x6c: {  	[sflag:s4] =	ssyncset.done $0x0  }
0x6d: {  	[sflag:s4] =	ssyncadd.s32 $0xFFFFF000  }
0x6e: {  	[spmem:s26] =	stream.linear.scatter [tilespmem:s0], [sflag:$0x1], $0x1000, $0x38;
	[tilespmem:$0x1D100] =	vst v63  }
0x6f: {  	_ =	swait.ge [sflag:s4], $0x1000  }
0x70: {  	[sflag:s4] =	ssyncset.done $0x0  }
0x71: {  	[sflag:s4] =	ssyncadd.s32 $0xFFFFF000  }
0x72: {  	[spmem:s28] =	stream.linear.scatter [tilespmem:s0], [sflag:$0x1], $0x1000, $0x38;
	[tilespmem:$0x1D100] =	vst v63  }
0x73: {  	_ =	swait.ge [sflag:s4], $0x1000  }
0x74: {  	[sflag:s4] =	ssyncset.done $0x0  }
0x75: {  	[sflag:s4] =	ssyncadd.s32 $0xFFFFF000  }
0x76: {  	[spmem:s29] =	stream.linear.scatter [tilespmem:s0], [sflag:$0x1], $0x1000, $0x38;
	[tilespmem:$0x1D100] =	vst v63  }
0x77: {  	_ =	swait.ge [sflag:s4], $0x1000  }
0x78: {  	[sflag:s4] =	ssyncset.done $0x0  }
0x79: {  	[sflag:s4] =	ssyncadd.s32 $0xFFFFF000  }
0x7a: {  	[spmem:s30] =	stream.linear.scatter [tilespmem:s0], [sflag:$0x1], $0x1000, $0x38;
	[tilespmem:$0x1D100] =	vst v63  }
0x7b: {  	_ =	swait.ge [sflag:s4], $0x1000  }
0x7c: {  	[sflag:s4] =	ssyncset.done $0x0  }
0x7d: {  	[sflag:s4] =	ssyncadd.s32 $0xFFFFF000  }
0x7e: {  	[spmem:s31] =	stream.linear.scatter [tilespmem:s0], [sflag:$0x1], $0x1000, $0x38;
	[tilespmem:$0x1D100] =	vst v63  }
0x7f: {  	_ =	swait.ge [sflag:s4], $0x1000  }
0x80: {  	[sflag:s4] =	ssyncset.done $0x0  }
0x81: {  	[sflag:s4] =	ssyncadd.s32 $0xFFFFF000  }
0x82: {  	s16 =	simm.s32 $0x0;
	s17 =	simm.s32 $0x0;
	[bflag:$0x0] =	sbarrier.arrive $0xFFFF  }
.LBB2_6:
0x83: {  	s18 =	smul.u32 $0x50, s17;
	_ =	sdelay $0x1  }
0x84: {  	s18 =	sadd.s32 s7, s18  }
0x85: {  	s19 =	sshll.u32 s18, $0x4  }
0x86: {  	s19 =	sadd.s32 s1, s19  }
0x87: {  	[tilespmem:s5], [sflag:$0x1] =	stream.linear.gather [hbm4b:s19+s16], $0x2800, $0x38;
	[tilespmem:$0x1D100] =	vst v63  }
0x88: {  	_ =	swait.ge [sflag:s4], $0x2800  }
0x89: {  	s18 =	sshrl.u32 s18, $0x3;
	[sflag:s4] =	ssyncset.done $0x0  }
0x8a: {  	s21 =	sadd.s32 s6, s18;
	[sflag:s4] =	ssyncadd.s32 $0xFFFFD800  }
0x8b: {  	[tilespmem:s9], [sflag:$0x1] =	stream.linear.gather [hbm4b:s21+s16], $0x50, $0x38;
	[tilespmem:$0x1D100] =	vst v63  }
0x8c: {  	_ =	swait.ge [sflag:s4], $0x50  }
0x8d: {  	[sflag:s4] =	ssyncset.done $0x0  }
0x8e: {  	s18 =	sadd.s32 s2, s18;
	[sflag:s4] =	ssyncadd.s32 $0xFFFFFFB0  }
0x8f: {  	[tilespmem:s10], [sflag:$0x1] =	stream.linear.gather [hbm4b:s18+s16], $0x50, $0x38;
	[tilespmem:$0x1D100] =	vst v63  }
0x90: {  	_ =	swait.ge [sflag:s4], $0x50  }
0x91: {  	s20 =	simm.s32 $0x0;
	[sflag:s4] =	ssyncset.done $0x0  }
0x92: {  	s19 =	simm.s32 $0x14200;
	s18 =	simm.s32 $0x16A00;
	[sflag:s4] =	ssyncadd.s32 $0xFFFFFFB0  }
.LBB2_7:
0x93: {  	v1 =	vmov s20  }
0x94: {  	v1 =	vand.u32 $0xFFFFFFF8, v1  }
0x95: {  	v1 =	vbroadcast v1, $0x0;
	_ =	sdelay $0x4  }
0x96: {  	v2 =	vld [tilespmem:s19+$0xFFFFFE00]  }
0x97: {  	v1 =	vld.idx.msk [tilespmem:v1+s9+$0x0], $0xffff;
	_ =	sdelay $0x4  }
0x98: {  	v2 =	vmul.f32 v2, v1;
	_ =	sdelay $0x1  }
0x99: {  	[tilespmem:s18+$0xFFFFFE00] =	vst v2  }
0x9a: {  	v2 =	vld [tilespmem:s19+$0xFFFFFE10];
	_ =	sdelay $0x4  }
0x9b: {  	v2 =	vmul.f32 v2, v1;
	_ =	sdelay $0x1  }
0x9c: {  	[tilespmem:s18+$0xFFFFFE10] =	vst v2  }
0x9d: {  	v2 =	vld [tilespmem:s19+$0xFFFFFE20];
	_ =	sdelay $0x4  }
0x9e: {  	v2 =	vmul.f32 v2, v1;
	_ =	sdelay $0x1  }
0x9f: {  	[tilespmem:s18+$0xFFFFFE20] =	vst v2  }
0xa0: {  	v2 =	vld [tilespmem:s19+$0xFFFFFE30];
	_ =	sdelay $0x4  }
0xa1: {  	v2 =	vmul.f32 v2, v1;
	_ =	sdelay $0x1  }
0xa2: {  	[tilespmem:s18+$0xFFFFFE30] =	vst v2  }
0xa3: {  	v2 =	vld [tilespmem:s19+$0xFFFFFE40];
	_ =	sdelay $0x4  }
0xa4: {  	v2 =	vmul.f32 v2, v1;
	_ =	sdelay $0x1  }
0xa5: {  	[tilespmem:s18+$0xFFFFFE40] =	vst v2  }
0xa6: {  	v2 =	vld [tilespmem:s19+$0xFFFFFE50];
	_ =	sdelay $0x4  }
0xa7: {  	v2 =	vmul.f32 v2, v1;
	_ =	sdelay $0x1  }
0xa8: {  	[tilespmem:s18+$0xFFFFFE50] =	vst v2  }
0xa9: {  	v2 =	vld [tilespmem:s19+$0xFFFFFE60];
	_ =	sdelay $0x4  }
0xaa: {  	v2 =	vmul.f32 v2, v1;
	_ =	sdelay $0x1  }
0xab: {  	s21 =	sadd.s32 $0x1, s20;
	[tilespmem:s18+$0xFFFFFE60] =	vst v2  }
0xac: {  	v3 =	vmov s21;
	v2 =	vld [tilespmem:s19+$0xFFFFFE70]  }
0xad: {  	v3 =	vand.u32 $0xFFFFFFF9, v3  }
0xae: {  	v3 =	vbroadcast v3, $0x0;
	_ =	sdelay $0x2  }
0xaf: {  	v1 =	vmul.f32 v2, v1;
	_ =	sdelay $0x1  }
0xb0: {  	[tilespmem:s18+$0xFFFFFE70] =	vst v1  }
0xb1: {  	v1 =	vld.idx.msk [tilespmem:v3+s9+$0x0], $0xffff  }
0xb2: {  	v2 =	vld [tilespmem:s19+$0xFFFFFE80];
	_ =	sdelay $0x4  }
0xb3: {  	v2 =	vmul.f32 v2, v1;
	_ =	sdelay $0x1  }
0xb4: {  	[tilespmem:s18+$0xFFFFFE80] =	vst v2  }
0xb5: {  	v2 =	vld [tilespmem:s19+$0xFFFFFE90];
	_ =	sdelay $0x4  }
0xb6: {  	v2 =	vmul.f32 v2, v1;
	_ =	sdelay $0x1  }
0xb7: {  	[tilespmem:s18+$0xFFFFFE90] =	vst v2  }
0xb8: {  	v2 =	vld [tilespmem:s19+$0xFFFFFEA0];
	_ =	sdelay $0x4  }
0xb9: {  	v2 =	vmul.f32 v2, v1;
	_ =	sdelay $0x1  }
0xba: {  	[tilespmem:s18+$0xFFFFFEA0] =	vst v2  }
0xbb: {  	v2 =	vld [tilespmem:s19+$0xFFFFFEB0];
	_ =	sdelay $0x4  }
0xbc: {  	v2 =	vmul.f32 v2, v1;
	_ =	sdelay $0x1  }
0xbd: {  	[tilespmem:s18+$0xFFFFFEB0] =	vst v2  }
0xbe: {  	v2 =	vld [tilespmem:s19+$0xFFFFFEC0];
	_ =	sdelay $0x4  }
0xbf: {  	v2 =	vmul.f32 v2, v1;
	_ =	sdelay $0x1  }
0xc0: {  	[tilespmem:s18+$0xFFFFFEC0] =	vst v2  }
0xc1: {  	v2 =	vld [tilespmem:s19+$0xFFFFFED0];
	_ =	sdelay $0x4  }
0xc2: {  	v2 =	vmul.f32 v2, v1;
	_ =	sdelay $0x1  }
0xc3: {  	[tilespmem:s18+$0xFFFFFED0] =	vst v2  }
0xc4: {  	v2 =	vld [tilespmem:s19+$0xFFFFFEE0];
	_ =	sdelay $0x4  }
0xc5: {  	v2 =	vmul.f32 v2, v1;
	_ =	sdelay $0x1  }
0xc6: {  	s21 =	sadd.s32 $0x2, s20;
	[tilespmem:s18+$0xFFFFFEE0] =	vst v2  }
0xc7: {  	v3 =	vmov s21;
	v2 =	vld [tilespmem:s19+$0xFFFFFEF0]  }
0xc8: {  	v3 =	vand.u32 $0xFFFFFFFA, v3  }
0xc9: {  	v3 =	vbroadcast v3, $0x0;
	_ =	sdelay $0x2  }
0xca: {  	v1 =	vmul.f32 v2, v1;
	_ =	sdelay $0x1  }
0xcb: {  	[tilespmem:s18+$0xFFFFFEF0] =	vst v1  }
0xcc: {  	v1 =	vld.idx.msk [tilespmem:v3+s9+$0x0], $0xffff  }
0xcd: {  	v2 =	vld [tilespmem:s19+$0xFFFFFF00];
	_ =	sdelay $0x4  }
0xce: {  	v2 =	vmul.f32 v2, v1;
	_ =	sdelay $0x1  }
0xcf: {  	[tilespmem:s18+$0xFFFFFF00] =	vst v2  }
0xd0: {  	v2 =	vld [tilespmem:s19+$0xFFFFFF10];
	_ =	sdelay $0x4  }
0xd1: {  	v2 =	vmul.f32 v2, v1;
	_ =	sdelay $0x1  }
0xd2: {  	[tilespmem:s18+$0xFFFFFF10] =	vst v2  }
0xd3: {  	v2 =	vld [tilespmem:s19+$0xFFFFFF20];
	_ =	sdelay $0x4  }
0xd4: {  	v2 =	vmul.f32 v2, v1;
	_ =	sdelay $0x1  }
0xd5: {  	[tilespmem:s18+$0xFFFFFF20] =	vst v2  }
0xd6: {  	v2 =	vld [tilespmem:s19+$0xFFFFFF30];
	_ =	sdelay $0x4  }
0xd7: {  	v2 =	vmul.f32 v2, v1;
	_ =	sdelay $0x1  }
0xd8: {  	[tilespmem:s18+$0xFFFFFF30] =	vst v2  }
0xd9: {  	v2 =	vld [tilespmem:s19+$0xFFFFFF40];
	_ =	sdelay $0x4  }
0xda: {  	v2 =	vmul.f32 v2, v1;
	_ =	sdelay $0x1  }
0xdb: {  	[tilespmem:s18+$0xFFFFFF40] =	vst v2  }
0xdc: {  	v2 =	vld [tilespmem:s19+$0xFFFFFF50];
	_ =	sdelay $0x4  }
0xdd: {  	v2 =	vmul.f32 v2, v1;
	_ =	sdelay $0x1  }
0xde: {  	[tilespmem:s18+$0xFFFFFF50] =	vst v2  }
0xdf: {  	v2 =	vld [tilespmem:s19+$0xFFFFFF60];
	_ =	sdelay $0x4  }
0xe0: {  	v2 =	vmul.f32 v2, v1;
	_ =	sdelay $0x1  }
0xe1: {  	s21 =	sadd.s32 $0x3, s20;
	[tilespmem:s18+$0xFFFFFF60] =	vst v2  }
0xe2: {  	v3 =	vmov s21;
	v2 =	vld [tilespmem:s19+$0xFFFFFF70]  }
0xe3: {  	v3 =	vand.u32 $0xFFFFFFFB, v3  }
0xe4: {  	v3 =	vbroadcast v3, $0x0;
	_ =	sdelay $0x2  }
0xe5: {  	v1 =	vmul.f32 v2, v1;
	_ =	sdelay $0x1  }
0xe6: {  	[tilespmem:s18+$0xFFFFFF70] =	vst v1  }
0xe7: {  	v1 =	vld.idx.msk [tilespmem:v3+s9+$0x0], $0xffff  }
0xe8: {  	v2 =	vld [tilespmem:s19+$0xFFFFFF80];
	_ =	sdelay $0x4  }
0xe9: {  	v2 =	vmul.f32 v2, v1;
	_ =	sdelay $0x1  }
0xea: {  	[tilespmem:s18+$0xFFFFFF80] =	vst v2  }
0xeb: {  	v2 =	vld [tilespmem:s19+$0xFFFFFF90];
	_ =	sdelay $0x4  }
0xec: {  	v2 =	vmul.f32 v2, v1;
	_ =	sdelay $0x1  }
0xed: {  	[tilespmem:s18+$0xFFFFFF90] =	vst v2  }
0xee: {  	v2 =	vld [tilespmem:s19+$0xFFFFFFA0];
	_ =	sdelay $0x4  }
0xef: {  	v2 =	vmul.f32 v2, v1;
	_ =	sdelay $0x1  }
0xf0: {  	[tilespmem:s18+$0xFFFFFFA0] =	vst v2  }
0xf1: {  	v2 =	vld [tilespmem:s19+$0xFFFFFFB0];
	_ =	sdelay $0x4  }
0xf2: {  	v2 =	vmul.f32 v2, v1;
	_ =	sdelay $0x1  }
0xf3: {  	[tilespmem:s18+$0xFFFFFFB0] =	vst v2  }
0xf4: {  	v2 =	vld [tilespmem:s19+$0xFFFFFFC0];
	_ =	sdelay $0x4  }
0xf5: {  	v2 =	vmul.f32 v2, v1;
	_ =	sdelay $0x1  }
0xf6: {  	[tilespmem:s18+$0xFFFFFFC0] =	vst v2  }
0xf7: {  	v2 =	vld [tilespmem:s19+$0xFFFFFFD0];
	_ =	sdelay $0x4  }
0xf8: {  	v2 =	vmul.f32 v2, v1;
	_ =	sdelay $0x1  }
0xf9: {  	[tilespmem:s18+$0xFFFFFFD0] =	vst v2  }
0xfa: {  	v2 =	vld [tilespmem:s19+$0xFFFFFFE0];
	_ =	sdelay $0x4  }
0xfb: {  	v2 =	vmul.f32 v2, v1;
	_ =	sdelay $0x1  }
0xfc: {  	s21 =	sadd.s32 $0x4, s20;
	[tilespmem:s18+$0xFFFFFFE0] =	vst v2  }
0xfd: {  	v3 =	vmov s21;
	v2 =	vld [tilespmem:s19+$0xFFFFFFF0]  }
0xfe: {  	v3 =	vand.u32 $0xFFFFFFFC, v3  }
0xff: {  	v3 =	vbroadcast v3, $0x0;
	_ =	sdelay $0x2  }
0x100: {  	v1 =	vmul.f32 v2, v1;
	_ =	sdelay $0x1  }
0x101: {  	[tilespmem:s18+$0xFFFFFFF0] =	vst v1  }
0x102: {  	v1 =	vld.idx.msk [tilespmem:v3+s9+$0x0], $0xffff  }
0x103: {  	v2 =	vld [tilespmem:s19+$0x0];
	_ =	sdelay $0x4  }
0x104: {  	v2 =	vmul.f32 v2, v1;
	_ =	sdelay $0x1  }
0x105: {  	[tilespmem:s18+$0x0] =	vst v2  }
0x106: {  	v2 =	vld [tilespmem:s19+$0x10];
	_ =	sdelay $0x4  }
0x107: {  	v2 =	vmul.f32 v2, v1;
	_ =	sdelay $0x1  }
0x108: {  	[tilespmem:s18+$0x10] =	vst v2  }
0x109: {  	v2 =	vld [tilespmem:s19+$0x20];
	_ =	sdelay $0x4  }
0x10a: {  	v2 =	vmul.f32 v2, v1;
	_ =	sdelay $0x1  }
0x10b: {  	[tilespmem:s18+$0x20] =	vst v2  }
0x10c: {  	v2 =	vld [tilespmem:s19+$0x30];
	_ =	sdelay $0x4  }
0x10d: {  	v2 =	vmul.f32 v2, v1;
	_ =	sdelay $0x1  }
0x10e: {  	[tilespmem:s18+$0x30] =	vst v2  }
0x10f: {  	v2 =	vld [tilespmem:s19+$0x40];
	_ =	sdelay $0x4  }
0x110: {  	v2 =	vmul.f32 v2, v1;
	_ =	sdelay $0x1  }
0x111: {  	[tilespmem:s18+$0x40] =	vst v2  }
0x112: {  	v2 =	vld [tilespmem:s19+$0x50];
	_ =	sdelay $0x4  }
0x113: {  	v2 =	vmul.f32 v2, v1;
	_ =	sdelay $0x1  }
0x114: {  	[tilespmem:s18+$0x50] =	vst v2  }
0x115: {  	v2 =	vld [tilespmem:s19+$0x60];
	_ =	sdelay $0x4  }
0x116: {  	v2 =	vmul.f32 v2, v1;
	_ =	sdelay $0x1  }
0x117: {  	s21 =	sadd.s32 $0x5, s20;
	[tilespmem:s18+$0x60] =	vst v2  }
0x118: {  	v3 =	vmov s21;
	v2 =	vld [tilespmem:s19+$0x70]  }
0x119: {  	v3 =	vand.u32 $0xFFFFFFFD, v3  }
0x11a: {  	v3 =	vbroadcast v3, $0x0;
	_ =	sdelay $0x2  }
0x11b: {  	v1 =	vmul.f32 v2, v1;
	_ =	sdelay $0x1  }
0x11c: {  	[tilespmem:s18+$0x70] =	vst v1  }
0x11d: {  	v1 =	vld.idx.msk [tilespmem:v3+s9+$0x0], $0xffff  }
0x11e: {  	v2 =	vld [tilespmem:s19+$0x80];
	_ =	sdelay $0x4  }
0x11f: {  	v2 =	vmul.f32 v2, v1;
	_ =	sdelay $0x1  }
0x120: {  	[tilespmem:s18+$0x80] =	vst v2  }
0x121: {  	v2 =	vld [tilespmem:s19+$0x90];
	_ =	sdelay $0x4  }
0x122: {  	v2 =	vmul.f32 v2, v1;
	_ =	sdelay $0x1  }
0x123: {  	[tilespmem:s18+$0x90] =	vst v2  }
0x124: {  	v2 =	vld [tilespmem:s19+$0xA0];
	_ =	sdelay $0x4  }
0x125: {  	v2 =	vmul.f32 v2, v1;
	_ =	sdelay $0x1  }
0x126: {  	[tilespmem:s18+$0xA0] =	vst v2  }
0x127: {  	v2 =	vld [tilespmem:s19+$0xB0];
	_ =	sdelay $0x4  }
0x128: {  	v2 =	vmul.f32 v2, v1;
	_ =	sdelay $0x1  }
0x129: {  	[tilespmem:s18+$0xB0] =	vst v2  }
0x12a: {  	v2 =	vld [tilespmem:s19+$0xC0];
	_ =	sdelay $0x4  }
0x12b: {  	v2 =	vmul.f32 v2, v1;
	_ =	sdelay $0x1  }
0x12c: {  	[tilespmem:s18+$0xC0] =	vst v2  }
0x12d: {  	v2 =	vld [tilespmem:s19+$0xD0];
	_ =	sdelay $0x4  }
0x12e: {  	v2 =	vmul.f32 v2, v1;
	_ =	sdelay $0x1  }
0x12f: {  	[tilespmem:s18+$0xD0] =	vst v2  }
0x130: {  	v2 =	vld [tilespmem:s19+$0xE0];
	_ =	sdelay $0x4  }
0x131: {  	v2 =	vmul.f32 v2, v1;
	_ =	sdelay $0x1  }
0x132: {  	s21 =	sadd.s32 $0x6, s20;
	[tilespmem:s18+$0xE0] =	vst v2  }
0x133: {  	v3 =	vmov s21;
	v2 =	vld [tilespmem:s19+$0xF0]  }
0x134: {  	v3 =	vand.u32 $0xFFFFFFFE, v3  }
0x135: {  	v3 =	vbroadcast v3, $0x0;
	_ =	sdelay $0x2  }
0x136: {  	v1 =	vmul.f32 v2, v1;
	_ =	sdelay $0x1  }
0x137: {  	[tilespmem:s18+$0xF0] =	vst v1  }
0x138: {  	v1 =	vld.idx.msk [tilespmem:v3+s9+$0x0], $0xffff  }
0x139: {  	v2 =	vld [tilespmem:s19+$0x100];
	_ =	sdelay $0x4  }
0x13a: {  	v2 =	vmul.f32 v2, v1;
	_ =	sdelay $0x1  }
0x13b: {  	[tilespmem:s18+$0x100] =	vst v2  }
0x13c: {  	v2 =	vld [tilespmem:s19+$0x110];
	_ =	sdelay $0x4  }
0x13d: {  	v2 =	vmul.f32 v2, v1;
	_ =	sdelay $0x1  }
0x13e: {  	[tilespmem:s18+$0x110] =	vst v2  }
0x13f: {  	v2 =	vld [tilespmem:s19+$0x120];
	_ =	sdelay $0x4  }
0x140: {  	v2 =	vmul.f32 v2, v1;
	_ =	sdelay $0x1  }
0x141: {  	[tilespmem:s18+$0x120] =	vst v2  }
0x142: {  	v2 =	vld [tilespmem:s19+$0x130];
	_ =	sdelay $0x4  }
0x143: {  	v2 =	vmul.f32 v2, v1;
	_ =	sdelay $0x1  }
0x144: {  	[tilespmem:s18+$0x130] =	vst v2  }
0x145: {  	v2 =	vld [tilespmem:s19+$0x140];
	_ =	sdelay $0x4  }
0x146: {  	v2 =	vmul.f32 v2, v1;
	_ =	sdelay $0x1  }
0x147: {  	[tilespmem:s18+$0x140] =	vst v2  }
0x148: {  	v2 =	vld [tilespmem:s19+$0x150];
	_ =	sdelay $0x4  }
0x149: {  	v2 =	vmul.f32 v2, v1;
	_ =	sdelay $0x1  }
0x14a: {  	[tilespmem:s18+$0x150] =	vst v2  }
0x14b: {  	v2 =	vld [tilespmem:s19+$0x160];
	_ =	sdelay $0x4  }
0x14c: {  	v2 =	vmul.f32 v2, v1;
	_ =	sdelay $0x1  }
0x14d: {  	[tilespmem:s18+$0x160] =	vst v2  }
0x14e: {  	v2 =	vld [tilespmem:s19+$0x170];
	_ =	sdelay $0x1  }
0x14f: {  	s21 =	sadd.s32 $0x7, s20  }
0x150: {  	v3 =	vmov s21;
	_ =	sdelay $0x1  }
0x151: {  	v1 =	vmul.f32 v2, v1;
	_ =	sdelay $0x1  }
0x152: {  	[tilespmem:s18+$0x170] =	vst v1  }
0x153: {  	v1 =	vld.idx.msk [tilespmem:v3+s9+$0x0], $0xffff  }
0x154: {  	v2 =	vld [tilespmem:s19+$0x180];
	_ =	sdelay $0x4  }
0x155: {  	v2 =	vmul.f32 v2, v1;
	_ =	sdelay $0x1  }
0x156: {  	[tilespmem:s18+$0x180] =	vst v2  }
0x157: {  	v2 =	vld [tilespmem:s19+$0x190];
	_ =	sdelay $0x4  }
0x158: {  	v2 =	vmul.f32 v2, v1;
	_ =	sdelay $0x1  }
0x159: {  	[tilespmem:s18+$0x190] =	vst v2  }
0x15a: {  	v2 =	vld [tilespmem:s19+$0x1A0];
	_ =	sdelay $0x4  }
0x15b: {  	v2 =	vmul.f32 v2, v1;
	_ =	sdelay $0x1  }
0x15c: {  	[tilespmem:s18+$0x1A0] =	vst v2  }
0x15d: {  	v2 =	vld [tilespmem:s19+$0x1B0];
	_ =	sdelay $0x4  }
0x15e: {  	v2 =	vmul.f32 v2, v1;
	_ =	sdelay $0x1  }
0x15f: {  	[tilespmem:s18+$0x1B0] =	vst v2  }
0x160: {  	v2 =	vld [tilespmem:s19+$0x1C0];
	_ =	sdelay $0x4  }
0x161: {  	v2 =	vmul.f32 v2, v1;
	_ =	sdelay $0x1  }
0x162: {  	[tilespmem:s18+$0x1C0] =	vst v2  }
0x163: {  	v2 =	vld [tilespmem:s19+$0x1D0];
	_ =	sdelay $0x4  }
0x164: {  	v2 =	vmul.f32 v2, v1;
	_ =	sdelay $0x1  }
0x165: {  	[tilespmem:s18+$0x1D0] =	vst v2  }
0x166: {  	v2 =	vld [tilespmem:s19+$0x1E0];
	_ =	sdelay $0x4  }
0x167: {  	v2 =	vmul.f32 v2, v1;
	_ =	sdelay $0x1  }
0x168: {  	[tilespmem:s18+$0x1E0] =	vst v2  }
0x169: {  	v2 =	vld [tilespmem:s19+$0x1F0];
	_ =	sdelay $0x1  }
0x16a: {  	p0 =	slt.u32 s20, $0x48  }
.Ltmp2:
0x16b: {  	_ = 	snop;
	(pc) =	sbr.rel @p0 .LBB2_7-.Ltmp2, $3  }
0x16c: {  	_ = 	snop  }
0x16d: {  	v1 =	vmul.f32 v2, v1;
	_ =	sdelay $0x1  }
0x16e: {  	s20 =	sadd.s32 $0x8, s20;
	s19 =	sadd.s32 $0x400, s19;
	[tilespmem:s18+$0x1F0] =	vst v1;
	s18 =	sadd.s32 $0x400, s18  }
0x16f: {  	v1 =	vld [tilespmem:$0x1A080];
	_ =	sdelay $0x2  }
0x170: {  	v2 =	vld [tilespmem:$0x1A000];
	_ =	sdelay $0x4  }
0x171: {  	[tilespmem:v1+s12+$0x0] =	vst.idx.add.f32.msk $0xffff, v2  }
0x172: {  	v1 =	vld [tilespmem:$0x1A090];
	_ =	sdelay $0x2  }
0x173: {  	v2 =	vld [tilespmem:$0x1A010];
	_ =	sdelay $0x4  }
0x174: {  	[tilespmem:v1+s12+$0x0] =	vst.idx.add.f32.msk $0xffff, v2  }
0x175: {  	v1 =	vld [tilespmem:$0x1A0A0];
	_ =	sdelay $0x2  }
0x176: {  	v2 =	vld [tilespmem:$0x1A020];
	_ =	sdelay $0x4  }
0x177: {  	[tilespmem:v1+s12+$0x0] =	vst.idx.add.f32.msk $0xffff, v2  }
0x178: {  	v1 =	vld [tilespmem:$0x1A0B0];
	_ =	sdelay $0x2  }
0x179: {  	v2 =	vld [tilespmem:$0x1A030];
	_ =	sdelay $0x4  }
0x17a: {  	[tilespmem:v1+s12+$0x0] =	vst.idx.add.f32.msk $0xffff, v2  }
0x17b: {  	v1 =	vld [tilespmem:$0x1A0C0];
	_ =	sdelay $0x2  }
0x17c: {  	v2 =	vld [tilespmem:$0x1A040];
	_ =	sdelay $0x2  }
0x17d: {  	s17 =	sadd.s32 $0x1, s17  }
0x17e: {  	p0 =	sne.s32 s17, $0x7D  }
.Ltmp3:
0x17f: {  	[tilespmem:v1+s12+$0x0] =	vst.idx.add.f32.msk $0xffff, v2;
	(pc) =	sbr.rel @p0 .LBB2_6-.Ltmp3, $4  }
0x180: {  	[spmem:s3] =	stream.indirect.scatter.add.f32 [tilespmem:s14], [sflag:$0x1], $0x80, s10, s13, $0xb8;
	[tilespmem:$0x1D100] =	vst v63  }
0x181: {  	_ =	swait.ge [sflag:s4], $0x2800  }
0x182: {  	[sflag:s4] =	ssyncset.done $0x0  }
0x183: {  	[sflag:s4] =	ssyncadd.s32 $0xFFFFD800  }
0x184: {  	s16 =	stileid.u32  }
0x185: {  	[bflag:$0x0] =	sbarrier.arrive $0xFFFF;
	s16 =	sshll.u32 s16, $0x6  }
0x186: {  	s17 =	sadd.s32 $0x0, s25;
	s18 =	sshrl.u32 s8, $0x3;
	s16 =	sor.u32 $0x1C01, s16  }
0x187: {  	[hbm:s17], [sflag:s16] =	dma.local [spmem:s18], $0x200  }
0x188: {  	s17 =	simm.s32 $0x200;
	s18 =	smov.u32 s11;
	_ =	swait.ge [sflag:s4], $0x200  }
.LBB2_10:
0x189: {  	s19 =	sadd.s32 s17, s25;
	[sflag:s4] =	ssyncset.done $0x0;
	p0 =	sne.s32 s17, $0x2600  }
.Ltmp4:
0x18a: {  	s20 =	sshrl.u32 s18, $0x3;
	[sflag:s4] =	ssyncadd.s32 $0xFFFFFE00;
	(pc) =	sbr.rel @p0 .LBB2_10-.Ltmp4, $3  }
0x18b: {  	[hbm:s19], [sflag:s16] =	dma.local [spmem:s20], $0x200  }
0x18c: {  	s17 =	sadd.s32 $0x200, s17;
	_ =	sdelay $0x1  }
0x18d: {  	s18 =	sadd.s32 $0x1000, s18;
	_ =	swait.ge [sflag:s4], $0x200  }
0x18e: {  	[sflag:s4] =	ssyncset.done $0x0  }
0x18f: {  	s16 =	simm.s32 $0x0;
	s17 =	rddreg [dreg:$0x6];
	[sflag:s4] =	ssyncadd.s32 $0xFFFFFE00  }
0x190: {  	[hbm4b:s17+s16] =	stream.linear.scatter [tilespmem:s12], [sflag:$0x1], $0x3000, $0x38;
	[tilespmem:$0x1D100] =	vst v63  }
0x191: {  	_ =	swait.ge [sflag:s4], $0x3000  }
0x192: {  	s15 =	sadd.s32 $0x1, s15;
	s21 =	rddreg [dreg:$0x7]  }
0x193: {  	p0 =	sne.s32 s15, s21  }
.Ltmp5:
0x194: {  	_ = 	snop;
	(pc) =	sbr.rel @p0 .LBB2_1-.Ltmp5, $3  }
0x195: {  	_ =	sdelay $0x1  }
0x196: {  	[sflag:s4] =	ssyncset.done $0x0  }
0x197: {  	[sflag:s4] =	ssyncadd.s32 $0xFFFFD000  }
0x198: {  	_ =	sfence.sel $0x180000  }
0x199: {  	[bflag:$0x0] =	sbarrier.arrive $0xFFFF  }
0x19a: {  	_ =	strace $0x90000047  }
0x19b: {  	s0 =	stileid.u32;
	[bflag:$0x2] =	sbarrier.arrive $0xFFFF  }
0x19c: {  	p0 =	sne.s32 s0, $0x0;
	s0 =	rddreg [dreg:$0x5]  }
0x19d: {  	s0 =	sadd.s32 @!p0 $0x100000, s0  }
0x19e: {  	[sflag:s0] =	ssyncadd.tile.s32 @!p0 $0x1;
	_ =	shalt  }
.Lfunc_end2:
_tile_overlayer_lowered:
.L_overlay_start_2:
0x19f: {  	(tag) =	ssettag $0x2  }
0x1a0: {  	s0 =	rddreg [dreg:$0x0];
	s2 =	stileid.u32  }
0x1a1: {  	s1 =	rddreg [dreg:$0x1];
	p0 =	sne.s32 s2, $0x0  }
0x1a2: {  	s3 =	rddreg [dreg:$0x2];
	[bflag:$0x3] =	sbarrier.arrive $0xFFFF;
	s2 =	simm.s32 @!p0 $0x1C01  }
0x1a3: {  	[timem:s3], [sflag:s2] =	dma.local @!p0 [hbm:s0], s1  }
0x1a4: {  	s0 =	simm.s32 @!p0 $0x1  }
0x1a5: {  	_ =	swait.ge @!p0 [sflag:s0], s1  }
0x1a6: {  	s1 =	ssub.s32 @!p0 $0x0, s1;
	[sflag:s0] =	ssyncset.done @!p0 $0x0  }
0x1a7: {  	[sflag:s0] =	ssyncadd.s32 @!p0 s1  }
0x1a8: {  	[bflag:$0x3] =	sbarrier.arrive $0xFFFF  }
0x1a9: {  	_ =	shalt  }

// kernel: kernel.8.cloned.1.call-start
scs
__scs_entry_jumppad:
0x0: {  	(pc) =	sbr.rel $0x88, $3  }
0x1: {  	(tag) =	ssettag $0x0;
	lr =	simm.s32 $0x1  }
0x2: {  	[smem:$0x3F9C] =	sst lr;
	_ =	strace $0xD0000000  }
0x3: {  	_ = 	snop  }
0x4: {  	_ = 	snop  }
0x5: {  	_ = 	snop  }
0x6: {  	_ = 	snop  }
0x7: {  	_ = 	snop  }
__scs_overlays_trampoline_lowered:
0x8: {  	[smem:$0x3FAB] =	sst s0  }
0x9: {  	[smem:$0x3FAC] =	sst s1  }
0xa: {  	[smem:$0x3FAD] =	sst s2  }
0xb: {  	[smem:$0x3FAE] =	sst s3  }
0xc: {  	[smem:$0x3FAF] =	sst s4  }
0xd: {  	[smem:$0x3FB0] =	sst s5  }
0xe: {  	[smem:$0x3FB1] =	sst s6  }
0xf: {  	[smem:$0x3FB2] =	sst s7  }
0x10: {  	[smem:$0x3FB3] =	sst s8  }
0x11: {  	[smem:$0x3FB4] =	sst s9;
	s0 =	simm.s32 @!p0 $0x0  }
0x12: {  	s1 =	sld [smem:$0x3F9A];
	s0 =	simm.s32 @p0 $0x1  }
0x13: {  	[smem:$0x3FB5] =	sst s0;
	s0 =	simm.s32 @!p1 $0x0  }
0x14: {  	s2 =	sld [smem:$0x3F99];
	s0 =	simm.s32 @p1 $0x1  }
0x15: {  	[smem:$0x3FB6] =	sst s0;
	s0 =	simm.s32 @!p2 $0x0  }
0x16: {  	s3 =	sld [smem:$0x3FDB];
	s0 =	simm.s32 @p2 $0x1  }
0x17: {  	s4 =	simm.s32 $0x1BF5;
	[smem:$0x3FB8] =	sst s0  }
0x18: {  	s0 =	sld [smem:$0x3F9B];
	_ =	swait.ge [sflag:s4], $0x0  }
0x19: {  	s7 =	sld [smem:$0x3F9C]  }
0x1a: {  	s8 =	sadd.s32 $0xFFFFE003, lr  }
0x1b: {  	s9 =	sadd.s32 $0xFFFFFEF7, lr;
	s5 =	simm.s32 $0xFFFFFFFF;
	p2 =	slt.u32 s8, $0xFFFFF086  }
0x1c: {  	p1 =	slt.u32 s9, $0xF7A;
	s5 =	simm.s32 @!p2 $0x0  }
0x1d: {  	s5 =	simm.s32 @p1 $0x1;
	p0 =	seq.s32 s7, s2  }
0x1e: {  	s7 =	smul.u32 @!p0 $0xF7A, s2;
	p2 =	seq.s32 @!p0 s5, $0x0  }
0x1f: {  	s9 =	smul.u32 $0xF7A, s1;
	s8 =	simm.s32 @!p0 $0x1BF5;
	p2 =	por !p2, p0  }
0x20: {  	[sflag:s8] =	ssyncset.s32 @!p0 $0xFFFFF086;
	s6 =	sadd.s32 @!p0 s3, s7;
	s7 =	simm.s32 @!p0 $0x108  }
0x21: {  	s3 =	sadd.s32 s3, s9;
	s6 =	sadd.s32 @!p0 $0x88, s6;
	s7 =	simm.s32 @p2 $0x1082  }
0x22: {  	[simem:s7], [sflag:s8] =	dma.local @!p0 [hbm:s6], $0xF7A  }
0x23: {  	s9 =	sor.u32 $0xD0000000, s2;
	s6 =	simm.s32 $0x108;
	_ =	swait.ge @!p0 [sflag:s8], $0x0  }
0x24: {  	s3 =	sadd.s32 $0x88, s3;
	s6 =	simm.s32 @!p1 $0x1082;
	[sflag:s4] =	ssyncset.s32 $0xFFFFF086  }
0x25: {  	[simem:s6], [sflag:s4] =	dma.local [hbm:s3], $0xF7A  }
0x26: {  	[smem:$0x3F9C] =	sst s1;
	(tag) =	ssettag s2;
	_ =	strace s9  }
0x27: {  	s1 =	sld [smem:$0x3FAC]  }
0x28: {  	s2 =	sld [smem:$0x3FAD]  }
0x29: {  	s4 =	sld [smem:$0x3FAF]  }
0x2a: {  	p0 =	seq.s32 s5, $0x0;
	s5 =	sld [smem:$0x3FB0]  }
0x2b: {  	s6 =	sld [smem:$0x3FB1]  }
0x2c: {  	s7 =	sld [smem:$0x3FB2]  }
0x2d: {  	s3 =	simm.s32 $0x108;
	s8 =	sld [smem:$0x3FB3]  }
0x2e: {  	s3 =	simm.s32 @!p0 $0x1082;
	s9 =	sld [smem:$0x3FB4]  }
0x2f: {  	lr =	sadd.s32 s0, s3;
	s0 =	sld [smem:$0x3FAB]  }
0x30: {  	s3 =	sld [smem:$0x3FAE]  }
0x31: {  	[smem:$0x3FB7] =	sst s10  }
0x32: {  	s10 =	sld [smem:$0x3FB5];
	_ =	sdelay $0x3  }
0x33: {  	p0 =	seq.s32 s10, $0x1;
	s10 =	sld [smem:$0x3FB7];
	_ =	sdelay $0x3  }
0x34: {  	[smem:$0x3FB7] =	sst s10  }
0x35: {  	s10 =	sld [smem:$0x3FB6];
	_ =	sdelay $0x3  }
0x36: {  	p1 =	seq.s32 s10, $0x1;
	s10 =	sld [smem:$0x3FB7];
	_ =	sdelay $0x3  }
0x37: {  	[smem:$0x3FB7] =	sst s10  }
0x38: {  	s10 =	sld [smem:$0x3FB8]  }
0x39: {  	_ = 	snop;
	(pc) =	sbr.ind lr, $3  }
0x3a: {  	_ = 	snop  }
0x3b: {  	_ = 	snop  }
0x3c: {  	p2 =	seq.s32 s10, $0x1;
	s10 =	sld [smem:$0x3FB7]  }
0x3d: {  	_ =	shalt  }
0x3e: {  	_ =	shalt  }
0x3f: {  	_ =	shalt  }
0x40: {  	_ =	shalt  }
0x41: {  	_ =	shalt  }
0x42: {  	_ =	shalt  }
0x43: {  	_ =	shalt  }
0x44: {  	_ =	shalt  }
0x45: {  	_ =	shalt  }
0x46: {  	_ =	shalt  }
0x47: {  	_ =	shalt  }
0x48: {  	_ =	shalt  }
0x49: {  	_ =	shalt  }
0x4a: {  	_ =	shalt  }
0x4b: {  	_ =	shalt  }
0x4c: {  	_ =	shalt  }
0x4d: {  	_ =	shalt  }
0x4e: {  	_ =	shalt  }
0x4f: {  	_ =	shalt  }
0x50: {  	_ =	shalt  }
0x51: {  	_ =	shalt  }
0x52: {  	_ =	shalt  }
0x53: {  	_ =	shalt  }
0x54: {  	_ =	shalt  }
0x55: {  	_ =	shalt  }
0x56: {  	_ =	shalt  }
0x57: {  	_ =	shalt  }
0x58: {  	_ =	shalt  }
0x59: {  	_ =	shalt  }
0x5a: {  	_ =	shalt  }
0x5b: {  	_ =	shalt  }
0x5c: {  	_ =	shalt  }
0x5d: {  	_ =	shalt  }
0x5e: {  	_ =	shalt  }
0x5f: {  	_ =	shalt  }
0x60: {  	_ =	shalt  }
0x61: {  	_ =	shalt  }
0x62: {  	_ =	shalt  }
0x63: {  	_ =	shalt  }
0x64: {  	_ =	shalt  }
0x65: {  	_ =	shalt  }
0x66: {  	_ =	shalt  }
0x67: {  	_ =	shalt  }
0x68: {  	_ =	shalt  }
0x69: {  	_ =	shalt  }
0x6a: {  	_ =	shalt  }
0x6b: {  	_ =	shalt  }
0x6c: {  	_ =	shalt  }
0x6d: {  	_ =	shalt  }
0x6e: {  	_ =	shalt  }
0x6f: {  	_ =	shalt  }
0x70: {  	_ =	shalt  }
0x71: {  	_ =	shalt  }
0x72: {  	_ =	shalt  }
0x73: {  	_ =	shalt  }
0x74: {  	_ =	shalt  }
0x75: {  	_ =	shalt  }
0x76: {  	_ =	shalt  }
0x77: {  	_ =	shalt  }
0x78: {  	_ =	shalt  }
0x79: {  	_ =	shalt  }
0x7a: {  	_ =	shalt  }
0x7b: {  	_ =	shalt  }
0x7c: {  	_ =	shalt  }
0x7d: {  	_ =	shalt  }
0x7e: {  	_ =	shalt  }
0x7f: {  	_ =	shalt  }
0x80: {  	_ =	shalt  }
0x81: {  	_ =	shalt  }
0x82: {  	_ =	shalt  }
0x83: {  	_ =	shalt  }
0x84: {  	_ =	shalt  }
0x85: {  	_ =	shalt  }
0x86: {  	_ =	shalt  }
0x87: {  	_ =	shalt  }
.Lfunc_end0:
.L_simem_size_0:
called_computation.1_lowered:
.L_overlay_start_0:
0x88: {  	s2 =	sld [smem:$0x3FD9]  }
0x89: {  	s3 =	sld [smem:$0x3FFE];
	_ =	sdelay $0x1  }
0x8a: {  	s1 =	srdreg.scid  }
0x8b: {  	s0 =	sand.u32 $0x1, s1  }
0x8c: {  	s14 =	sshll.u32 s0, $0xA;
	s2 =	sadd.s32 s3, s2  }
0x8d: {  	s2 =	sadd.s32 s2, s14  }
0x8e: {  	[smem:$0x3FC3] =	sst s2  }
0x8f: {  	_ = 	snop  }
0x90: {  	s2 =	sld [smem:$0x3FD0];
	_ =	sdelay $0x2  }
0x91: {  	s4 =	simm.s32 $0xA;
	s5 =	simm.s32 $0x10;
	s15 =	sld [smem:$0x3FC8]  }
0x92: {  	[smem:s5], [sflag:s4] =	dma.local [hbm:s2], $0x1  }
0x93: {  	_ =	swait.eq [sflag:s4], $0x1  }
0x94: {  	[sflag:s4] =	ssyncset.done $0x0  }
0x95: {  	[sflag:s4] =	ssyncadd.s32 $0xFFFFFFFF  }
0x96: {  	s16 =	sld [smem:$0x10];
	(tm) =	ssettm $0x1  }
0x97: {  	s17 =	sld [smem:$0x3FFB];
	_ =	sdelay $0x3  }
0x98: {  	_ =	strace s17  }
0x99: {  	s4 =	sld [smem:$0x3FFC];
	_ =	sdelay $0x3  }
0x9a: {  	_ =	strace s4  }
0x9b: {  	s4 =	sld [smem:$0x3FFD];
	_ =	sdelay $0x3  }
0x9c: {  	_ =	strace s4  }
0x9d: {  	_ =	strace $0x8FFFFFFF  }
0x9e: {  	s18 =	sld [smem:$0x3FDB];
	_ =	sdelay $0x1  }
0x9f: {  	s19 =	simm.s32 $_scs_section_size  }
0xa0: {  	s6 =	simm.s32 $_size__tile_overlayer_lowered;
	s7 =	simm.s32 $_tile_overlayer_lowered  }
0xa1: {  	s22 =	simm.s32 $0x1BFF;
	s21 =	sshll.u32 s7, $0x1;
	s4 =	sadd.s32 s19, s18  }
0xa2: {  	s8 =	simm.s32 $0x0;
	s20 =	sshll.u32 s6, $0x1;
	s6 =	sadd.s32 s21, s4  }
0xa3: {  	[timem:s8], [sflag:s22] =	dma.local [hbm:s6], s20  }
0xa4: {  	_ =	swait.ge [sflag:s22], s20  }
0xa5: {  	s5 =	ssub.s32 $0x0, s20;
	[sflag:s22] =	ssyncset.done $0x0  }
0xa6: {  	[sflag:s22] =	ssyncadd.s32 s5;
	_ =	sdelay $0x1  }
0xa7: {  	s23 =	simm.s32 $0x1B8B  }
0xa8: {  	_ =	swait.ge [sflag:s23], $0x1  }
0xa9: {  	[sflag:s23] =	ssyncset.done $0x0  }
0xaa: {  	s25 =	simm.s32 $0x1B8E;
	s24 =	sld [smem:$0x3FFE];
	[sflag:s23] =	ssyncadd.s32 $0xFFFFFFFF  }
0xab: {  	s26 =	simm.s32 $execute0_lowered;
	[smem:$0x3FD2] =	sst s25  }
0xac: {  	s6 =	sshll.u32 s26, $0x1;
	_ =	strace $0x80000049;
	[dreg:$0x1] =	wrdreg $0xFFFFFFFF  }
0xad: {  	s28 =	simm.s32 $_size_execute0_lowered;
	s4 =	sadd.s32 s4, s6;
	[dreg:$0x0] =	wrdreg $0x0  }
0xae: {  	s6 =	sshll.u32 s28, $0x1;
	[dreg:$0x2] =	wrdreg s4  }
0xaf: {  	[dreg:$0x3] =	wrdreg s6  }
0xb0: {  	[dreg:$0x4] =	wrdreg $0xC0  }
0xb1: {  	_ =	task [dreg:s8], $0x5FFFF  }
0xb2: {  	[dreg:$0x1] =	wrdreg $0xFFFFFFFF  }
0xb3: {  	[dreg:$0x0] =	wrdreg $0x60  }
0xb4: {  	[dreg:$0x2] =	wrdreg s24  }
0xb5: {  	[dreg:$0x3] =	wrdreg s16  }
0xb6: {  	[dreg:$0x4] =	wrdreg s15  }
0xb7: {  	[dreg:$0x5] =	wrdreg $0x0  }
0xb8: {  	[dreg:$0x6] =	wrdreg $0x9  }
0xb9: {  	_ =	task.clear_ibuf [dreg:s8], $0x7FFFF;
	_ =	strace $0x90000049  }
0xba: {  	s29 =	simm.s32 $0x9;
	_ =	strace $0x8000004B  }
0xbb: {  	_ =	swait.ge [sflag:s29], $0x1  }
0xbc: {  	[sflag:s29] =	ssyncadd.s32 $0xFFFFFFFF  }
0xbd: {  	_ =	strace $0x9000004B  }
0xbe: {  	_ =	sfence  }
0xbf: {  	s30 =	sld [smem:$0x0];
	_ =	sdelay $0x2  }
0xc0: {  	s31 =	sshll.u32 s1, $0xD;
	s1 =	sshrl.u32 s1, $0x2  }
0xc1: {  	s3 =	sand.u32 $0x4000, s31;
	s1 =	sadd.s32 s1, s30  }
0xc2: {  	s0 =	sor.u32 s3, s0;
	s1 =	sshll.u32 s1, $0x11  }
0xc3: {  	s0 =	sor.u32 s1, s0  }
0xc4: {  	s0 =	sadd.s32 $0x8F2B, s0  }
0xc5: {  	[sflag:s0] =	ssyncadd.remote.s32 $0x1  }
0xc6: {  	_ =	sfence.sel $0xFFFF  }
0xc7: {  	[dreg:$0x0] =	wrdreg $0xFFFFFFFF;
	(pc) =	sbr.abs _section_cstart, $3  }
0xc8: {  	[dreg:$0x1] =	wrdreg $0xFFFFFFFF  }
0xc9: {  	_ =	task.clear_ibuf [dreg:s8], $0x2FFFF;
	_ =	strace $0x9FFFFFFF  }
0xca: {  	(tm) =	ssettm $0x7FFFFFFF  }
0xcb: {  	_ =	shalt  }
tec
execute0_lowered:
.L_overlay_start_1:
0x0: {  	(tag) =	ssettag $0x1  }
0x1: {  	s5 =	rddreg [dreg:$0x0]  }
0x2: {  	s12 =	rddreg [dreg:$0x1]  }
0x3: {  	s14 =	rddreg [dreg:$0x2]  }
0x4: {  	s1 =	rddreg [dreg:$0x3]  }
0x5: {  	s2 =	srdreg.scid;
	s0 =	rddreg [dreg:$0x4];
	s3 =	simm.s32 $0x0  }
0x6: {  	s19 =	simm.s32 $0x300;
	s20 =	simm.s32 $0xA300;
	s6 =	sand.u32 $0x1, s2  }
0x7: {  	s21 =	simm.s32 $0x17600;
	s2 =	stileid.u32;
	s4 =	smul.u32 $0x27100, s6  }
0x8: {  	s22 =	simm.s32 $0x17800;
	s7 =	sshll.u32 s6, $0x4;
	s8 =	smul.u32 $0x2710, s2  }
0x9: {  	s23 =	simm.s32 $0x17A00;
	s18 =	smul.u32 $0x60, s2;
	s7 =	sor.u32 s2, s7  }
0xa: {  	s24 =	simm.s32 $0x0;
	[smem:$0x7FF] =	sst s3;
	s9 =	smul.u32 $0x1400, s7  }
0xb: {  	s6 =	ssub.s32 $0x2, s6;
	s8 =	sadd.s32 s8, s4;
	s4 =	smul.u32 $0x300, s2  }
0xc: {  	s10 =	sadd.s32 $0xB800, s5;
	s31 =	sshrl.u32 s6, $0x1;
	s30 =	smul.u32 $0xA000, s7  }
0xd: {  	_ =	strace $0x8000004A;
	s13 =	ssub.s32 s6, s31;
	s7 =	smul.u32 $0x140, s7  }
0xe: {  	s12 =	sadd.s32 s18, s12;
	s18 =	simm.s32 $0x14300;
	s15 =	sshrl.u32 s8, $0x3  }
0xf: {  	s16 =	sadd.s32 s15, s5;
	s11 =	sadd.s32 s9, s5;
	s5 =	sadd.s32 $0x14300, s4  }
0x10: {  	s8 =	sshrl.u32 s30, $0x3;
	s6 =	sadd.s32 s4, s1;
	s14 =	sadd.s32 s15, s14  }
0x11: {  	s17 =	sadd.s32 s10, s8;
	s8 =	sadd.s32 s10, s9;
	s10 =	sadd.s32 $0x5B800, s11  }
0x12: {  	s11 =	smax.u32 s13, $0x1;
	s13 =	sadd.s32 $0x83800, s16;
	s15 =	sadd.s32 $0x1A00, s16  }
0x13: {  	v0 =	vimm.f32 $0.0e+00;
	s16 =	simm.s32 $0x17300;
	s9 =	sadd.s32 $0x28000, s17;
	s17 =	simm.s32 $0x1  }
.LBB2_1:
0x14: {  	s25 =	simm.s32 $0x0  }
.LBB2_2:
0x15: {  	p0 =	sne.s32 s25, $0x2F0  }
.Ltmp0:
0x16: {  	_ = 	snop;
	(pc) =	sbr.rel @p0 .LBB2_2-.Ltmp0, $4  }
0x17: {  	s26 =	sadd.s32 s25, s4  }
0x18: {  	s28 =	sand.u32 $0x70, s25;
	s26 =	sand.u32 $0x7F80, s26  }
0x19: {  	s26 =	sor.u32 s28, s26  }
0x1a: {  	s25 =	sadd.s32 $0x10, s25;
	[tilespmem:s26+$0x14300] =	vst v0  }
0x1b: {  	s25 =	simm.s32 $0x0  }
.LBB2_4:
0x1c: {  	s26 =	sadd.s32 s25, s12  }
0x1d: {  	[tilespmem:s16], [sflag:$0x1] =	stream.linear.gather [hbm4b:s26+s3], $0x300, $0x38;
	[tilespmem:$0x17C00] =	vst v63  }
0x1e: {  	_ =	swait.ge [sflag:s17], $0x300  }
0x1f: {  	[sflag:s17] =	ssyncset.done $0x0  }
0x20: {  	[sflag:s17] =	ssyncadd.s32 $0xFFFFFD00  }
0x21: {  	v1 =	vld [tilespmem:s4+$0x14300]  }
0x22: {  	v2 =	vld [tilespmem:$0x17300];
	_ =	sdelay $0x4  }
0x23: {  	v1 =	vadd.f32 v2, v1;
	_ =	sdelay $0x1  }
0x24: {  	[tilespmem:s4+$0x14300] =	vst v1;
	v1 =	vld [tilespmem:s4+$0x14310]  }
0x25: {  	v2 =	vld [tilespmem:$0x17310];
	_ =	sdelay $0x4  }
0x26: {  	v1 =	vadd.f32 v2, v1;
	_ =	sdelay $0x1  }
0x27: {  	[tilespmem:s4+$0x14310] =	vst v1;
	v1 =	vld [tilespmem:s4+$0x14320]  }
0x28: {  	v2 =	vld [tilespmem:$0x17320];
	_ =	sdelay $0x4  }
0x29: {  	v1 =	vadd.f32 v2, v1;
	_ =	sdelay $0x1  }
0x2a: {  	[tilespmem:s4+$0x14320] =	vst v1;
	v1 =	vld [tilespmem:s4+$0x14330]  }
0x2b: {  	v2 =	vld [tilespmem:$0x17330];
	_ =	sdelay $0x4  }
0x2c: {  	v1 =	vadd.f32 v2, v1;
	_ =	sdelay $0x1  }
0x2d: {  	[tilespmem:s4+$0x14330] =	vst v1;
	v1 =	vld [tilespmem:s4+$0x14340]  }
0x2e: {  	v2 =	vld [tilespmem:$0x17340];
	_ =	sdelay $0x4  }
0x2f: {  	v1 =	vadd.f32 v2, v1;
	_ =	sdelay $0x1  }
0x30: {  	[tilespmem:s4+$0x14340] =	vst v1;
	v1 =	vld [tilespmem:s4+$0x14350]  }
0x31: {  	v2 =	vld [tilespmem:$0x17350];
	_ =	sdelay $0x4  }
0x32: {  	v1 =	vadd.f32 v2, v1;
	_ =	sdelay $0x1  }
0x33: {  	[tilespmem:s4+$0x14350] =	vst v1;
	v1 =	vld [tilespmem:s4+$0x14360]  }
0x34: {  	v2 =	vld [tilespmem:$0x17360];
	_ =	sdelay $0x4  }
0x35: {  	v1 =	vadd.f32 v2, v1;
	_ =	sdelay $0x1  }
0x36: {  	[tilespmem:s4+$0x14360] =	vst v1;
	v1 =	vld [tilespmem:s4+$0x14370]  }
0x37: {  	v2 =	vld [tilespmem:$0x17370];
	_ =	sdelay $0x4  }
0x38: {  	v1 =	vadd.f32 v2, v1;
	_ =	sdelay $0x1  }
0x39: {  	[tilespmem:s4+$0x14370] =	vst v1;
	v1 =	vld [tilespmem:s4+$0x14380]  }
0x3a: {  	v2 =	vld [tilespmem:$0x17380];
	_ =	sdelay $0x4  }
0x3b: {  	v1 =	vadd.f32 v2, v1;
	_ =	sdelay $0x1  }
0x3c: {  	[tilespmem:s4+$0x14380] =	vst v1;
	v1 =	vld [tilespmem:s4+$0x14390]  }
0x3d: {  	v2 =	vld [tilespmem:$0x17390];
	_ =	sdelay $0x4  }
0x3e: {  	v1 =	vadd.f32 v2, v1;
	_ =	sdelay $0x1  }
0x3f: {  	[tilespmem:s4+$0x14390] =	vst v1;
	v1 =	vld [tilespmem:s4+$0x143A0]  }
0x40: {  	v2 =	vld [tilespmem:$0x173A0];
	_ =	sdelay $0x4  }
0x41: {  	v1 =	vadd.f32 v2, v1;
	_ =	sdelay $0x1  }
0x42: {  	[tilespmem:s4+$0x143A0] =	vst v1;
	v1 =	vld [tilespmem:s4+$0x143B0]  }
0x43: {  	v2 =	vld [tilespmem:$0x173B0];
	_ =	sdelay $0x4  }
0x44: {  	v1 =	vadd.f32 v2, v1;
	_ =	sdelay $0x1  }
0x45: {  	[tilespmem:s4+$0x143B0] =	vst v1;
	v1 =	vld [tilespmem:s4+$0x143C0]  }
0x46: {  	v2 =	vld [tilespmem:$0x173C0];
	_ =	sdelay $0x4  }
0x47: {  	v1 =	vadd.f32 v2, v1;
	_ =	sdelay $0x1  }
0x48: {  	[tilespmem:s4+$0x143C0] =	vst v1;
	v1 =	vld [tilespmem:s4+$0x143D0]  }
0x49: {  	v2 =	vld [tilespmem:$0x173D0];
	_ =	sdelay $0x4  }
0x4a: {  	v1 =	vadd.f32 v2, v1;
	_ =	sdelay $0x1  }
0x4b: {  	[tilespmem:s4+$0x143D0] =	vst v1;
	v1 =	vld [tilespmem:s4+$0x143E0]  }
0x4c: {  	v2 =	vld [tilespmem:$0x173E0];
	_ =	sdelay $0x4  }
0x4d: {  	v1 =	vadd.f32 v2, v1;
	_ =	sdelay $0x1  }
0x4e: {  	[tilespmem:s4+$0x143E0] =	vst v1;
	v1 =	vld [tilespmem:s4+$0x143F0]  }
0x4f: {  	v2 =	vld [tilespmem:$0x173F0];
	_ =	sdelay $0x4  }
0x50: {  	v1 =	vadd.f32 v2, v1;
	_ =	sdelay $0x1  }
0x51: {  	[tilespmem:s4+$0x143F0] =	vst v1;
	v1 =	vld [tilespmem:s4+$0x14400]  }
0x52: {  	v2 =	vld [tilespmem:$0x17400];
	_ =	sdelay $0x4  }
0x53: {  	v1 =	vadd.f32 v2, v1;
	_ =	sdelay $0x1  }
0x54: {  	[tilespmem:s4+$0x14400] =	vst v1;
	v1 =	vld [tilespmem:s4+$0x14410]  }
0x55: {  	v2 =	vld [tilespmem:$0x17410];
	_ =	sdelay $0x4  }
0x56: {  	v1 =	vadd.f32 v2, v1;
	_ =	sdelay $0x1  }
0x57: {  	[tilespmem:s4+$0x14410] =	vst v1;
	v1 =	vld [tilespmem:s4+$0x14420]  }
0x58: {  	v2 =	vld [tilespmem:$0x17420];
	_ =	sdelay $0x4  }
0x59: {  	v1 =	vadd.f32 v2, v1;
	_ =	sdelay $0x1  }
0x5a: {  	[tilespmem:s4+$0x14420] =	vst v1;
	v1 =	vld [tilespmem:s4+$0x14430]  }
0x5b: {  	v2 =	vld [tilespmem:$0x17430];
	_ =	sdelay $0x4  }
0x5c: {  	v1 =	vadd.f32 v2, v1;
	_ =	sdelay $0x1  }
0x5d: {  	[tilespmem:s4+$0x14430] =	vst v1;
	v1 =	vld [tilespmem:s4+$0x14440]  }
0x5e: {  	v2 =	vld [tilespmem:$0x17440];
	_ =	sdelay $0x4  }
0x5f: {  	v1 =	vadd.f32 v2, v1;
	_ =	sdelay $0x1  }
0x60: {  	[tilespmem:s4+$0x14440] =	vst v1;
	v1 =	vld [tilespmem:s4+$0x14450]  }
0x61: {  	v2 =	vld [tilespmem:$0x17450];
	_ =	sdelay $0x4  }
0x62: {  	v1 =	vadd.f32 v2, v1;
	_ =	sdelay $0x1  }
0x63: {  	[tilespmem:s4+$0x14450] =	vst v1;
	v1 =	vld [tilespmem:s4+$0x14460]  }
0x64: {  	v2 =	vld [tilespmem:$0x17460];
	_ =	sdelay $0x4  }
0x65: {  	v1 =	vadd.f32 v2, v1;
	_ =	sdelay $0x1  }
0x66: {  	[tilespmem:s4+$0x14460] =	vst v1;
	v1 =	vld [tilespmem:s4+$0x14470]  }
0x67: {  	v2 =	vld [tilespmem:$0x17470];
	_ =	sdelay $0x4  }
0x68: {  	v1 =	vadd.f32 v2, v1;
	_ =	sdelay $0x1  }
0x69: {  	[tilespmem:s4+$0x14470] =	vst v1;
	v1 =	vld [tilespmem:s4+$0x14480]  }
0x6a: {  	v2 =	vld [tilespmem:$0x17480];
	_ =	sdelay $0x4  }
0x6b: {  	v1 =	vadd.f32 v2, v1;
	_ =	sdelay $0x1  }
0x6c: {  	[tilespmem:s4+$0x14480] =	vst v1;
	v1 =	vld [tilespmem:s4+$0x14490]  }
0x6d: {  	v2 =	vld [tilespmem:$0x17490];
	_ =	sdelay $0x4  }
0x6e: {  	v1 =	vadd.f32 v2, v1;
	_ =	sdelay $0x1  }
0x6f: {  	[tilespmem:s4+$0x14490] =	vst v1;
	v1 =	vld [tilespmem:s4+$0x144A0]  }
0x70: {  	v2 =	vld [tilespmem:$0x174A0];
	_ =	sdelay $0x4  }
0x71: {  	v1 =	vadd.f32 v2, v1;
	_ =	sdelay $0x1  }
0x72: {  	[tilespmem:s4+$0x144A0] =	vst v1;
	v1 =	vld [tilespmem:s4+$0x144B0]  }
0x73: {  	v2 =	vld [tilespmem:$0x174B0];
	_ =	sdelay $0x4  }
0x74: {  	v1 =	vadd.f32 v2, v1;
	_ =	sdelay $0x1  }
0x75: {  	[tilespmem:s4+$0x144B0] =	vst v1;
	v1 =	vld [tilespmem:s4+$0x144C0]  }
0x76: {  	v2 =	vld [tilespmem:$0x174C0];
	_ =	sdelay $0x4  }
0x77: {  	v1 =	vadd.f32 v2, v1;
	_ =	sdelay $0x1  }
0x78: {  	[tilespmem:s4+$0x144C0] =	vst v1;
	v1 =	vld [tilespmem:s4+$0x144D0]  }
0x79: {  	v2 =	vld [tilespmem:$0x174D0];
	_ =	sdelay $0x4  }
0x7a: {  	v1 =	vadd.f32 v2, v1;
	_ =	sdelay $0x1  }
0x7b: {  	[tilespmem:s4+$0x144D0] =	vst v1;
	v1 =	vld [tilespmem:s4+$0x144E0]  }
0x7c: {  	v2 =	vld [tilespmem:$0x174E0];
	_ =	sdelay $0x4  }
0x7d: {  	v1 =	vadd.f32 v2, v1;
	_ =	sdelay $0x1  }
0x7e: {  	[tilespmem:s4+$0x144E0] =	vst v1;
	v1 =	vld [tilespmem:s4+$0x144F0]  }
0x7f: {  	v2 =	vld [tilespmem:$0x174F0];
	_ =	sdelay $0x4  }
0x80: {  	v1 =	vadd.f32 v2, v1;
	_ =	sdelay $0x1  }
0x81: {  	[tilespmem:s4+$0x144F0] =	vst v1;
	v1 =	vld [tilespmem:s4+$0x14500]  }
0x82: {  	v2 =	vld [tilespmem:$0x17500];
	_ =	sdelay $0x4  }
0x83: {  	v1 =	vadd.f32 v2, v1;
	_ =	sdelay $0x1  }
0x84: {  	[tilespmem:s4+$0x14500] =	vst v1;
	v1 =	vld [tilespmem:s4+$0x14510]  }
0x85: {  	v2 =	vld [tilespmem:$0x17510];
	_ =	sdelay $0x4  }
0x86: {  	v1 =	vadd.f32 v2, v1;
	_ =	sdelay $0x1  }
0x87: {  	[tilespmem:s4+$0x14510] =	vst v1;
	v1 =	vld [tilespmem:s4+$0x14520]  }
0x88: {  	v2 =	vld [tilespmem:$0x17520];
	_ =	sdelay $0x4  }
0x89: {  	v1 =	vadd.f32 v2, v1;
	_ =	sdelay $0x1  }
0x8a: {  	[tilespmem:s4+$0x14520] =	vst v1;
	v1 =	vld [tilespmem:s4+$0x14530]  }
0x8b: {  	v2 =	vld [tilespmem:$0x17530];
	_ =	sdelay $0x4  }
0x8c: {  	v1 =	vadd.f32 v2, v1;
	_ =	sdelay $0x1  }
0x8d: {  	[tilespmem:s4+$0x14530] =	vst v1;
	v1 =	vld [tilespmem:s4+$0x14540]  }
0x8e: {  	v2 =	vld [tilespmem:$0x17540];
	_ =	sdelay $0x4  }
0x8f: {  	v1 =	vadd.f32 v2, v1;
	_ =	sdelay $0x1  }
0x90: {  	[tilespmem:s4+$0x14540] =	vst v1;
	v1 =	vld [tilespmem:s4+$0x14550]  }
0x91: {  	v2 =	vld [tilespmem:$0x17550];
	_ =	sdelay $0x4  }
0x92: {  	v1 =	vadd.f32 v2, v1;
	_ =	sdelay $0x1  }
0x93: {  	[tilespmem:s4+$0x14550] =	vst v1;
	v1 =	vld [tilespmem:s4+$0x14560]  }
0x94: {  	v2 =	vld [tilespmem:$0x17560];
	_ =	sdelay $0x4  }
0x95: {  	v1 =	vadd.f32 v2, v1;
	_ =	sdelay $0x1  }
0x96: {  	[tilespmem:s4+$0x14560] =	vst v1;
	v1 =	vld [tilespmem:s4+$0x14570]  }
0x97: {  	v2 =	vld [tilespmem:$0x17570];
	_ =	sdelay $0x4  }
0x98: {  	v1 =	vadd.f32 v2, v1;
	_ =	sdelay $0x1  }
0x99: {  	[tilespmem:s4+$0x14570] =	vst v1;
	v1 =	vld [tilespmem:s4+$0x14580]  }
0x9a: {  	v2 =	vld [tilespmem:$0x17580];
	_ =	sdelay $0x4  }
0x9b: {  	v1 =	vadd.f32 v2, v1;
	_ =	sdelay $0x1  }
0x9c: {  	[tilespmem:s4+$0x14580] =	vst v1;
	v1 =	vld [tilespmem:s4+$0x14590]  }
0x9d: {  	v2 =	vld [tilespmem:$0x17590];
	_ =	sdelay $0x4  }
0x9e: {  	v1 =	vadd.f32 v2, v1;
	_ =	sdelay $0x1  }
0x9f: {  	[tilespmem:s4+$0x14590] =	vst v1;
	v1 =	vld [tilespmem:s4+$0x145A0]  }
0xa0: {  	v2 =	vld [tilespmem:$0x175A0];
	_ =	sdelay $0x4  }
0xa1: {  	v1 =	vadd.f32 v2, v1;
	_ =	sdelay $0x1  }
0xa2: {  	[tilespmem:s4+$0x145A0] =	vst v1;
	v1 =	vld [tilespmem:s4+$0x145B0]  }
0xa3: {  	v2 =	vld [tilespmem:$0x175B0];
	_ =	sdelay $0x4  }
0xa4: {  	v1 =	vadd.f32 v2, v1;
	_ =	sdelay $0x1  }
0xa5: {  	[tilespmem:s4+$0x145B0] =	vst v1;
	v1 =	vld [tilespmem:s4+$0x145C0]  }
0xa6: {  	v2 =	vld [tilespmem:$0x175C0];
	_ =	sdelay $0x4  }
0xa7: {  	v1 =	vadd.f32 v2, v1;
	_ =	sdelay $0x1  }
0xa8: {  	[tilespmem:s4+$0x145C0] =	vst v1;
	v1 =	vld [tilespmem:s4+$0x145D0]  }
0xa9: {  	v2 =	vld [tilespmem:$0x175D0];
	_ =	sdelay $0x4  }
0xaa: {  	v1 =	vadd.f32 v2, v1;
	_ =	sdelay $0x1  }
0xab: {  	[tilespmem:s4+$0x145D0] =	vst v1;
	v1 =	vld [tilespmem:s4+$0x145E0]  }
0xac: {  	v2 =	vld [tilespmem:$0x175E0];
	_ =	sdelay $0x4  }
0xad: {  	v1 =	vadd.f32 v2, v1;
	_ =	sdelay $0x1  }
0xae: {  	[tilespmem:s4+$0x145E0] =	vst v1;
	v1 =	vld [tilespmem:s4+$0x145F0]  }
0xaf: {  	v2 =	vld [tilespmem:$0x175F0];
	_ =	sdelay $0x1  }
0xb0: {  	p0 =	sne.s32 s25, $0xBA00  }
.Ltmp1:
0xb1: {  	_ = 	snop;
	(pc) =	sbr.rel @p0 .LBB2_4-.Ltmp1, $3  }
0xb2: {  	_ = 	snop  }
0xb3: {  	v1 =	vadd.f32 v2, v1;
	_ =	sdelay $0x1  }
0xb4: {  	s25 =	sadd.s32 $0x600, s25;
	[tilespmem:s4+$0x145F0] =	vst v1  }
0xb5: {  	[spmem:s6] =	stream.linear.scatter [tilespmem:s5], [sflag:$0x1], $0x300, $0x38;
	[tilespmem:$0x17C00] =	vst v63  }
0xb6: {  	_ =	swait.ge [sflag:s17], $0x300  }
0xb7: {  	[sflag:s17] =	ssyncset.done $0x0  }
0xb8: {  	[sflag:s17] =	ssyncadd.s32 $0xFFFFFD00  }
0xb9: {  	[bflag:$0x0] =	sbarrier.arrive $0xFFFF  }
0xba: {  	[tilespmem:s18], [sflag:$0x1] =	stream.linear.gather [spmem:s1], $0x3000, $0x38;
	[tilespmem:$0x17C00] =	vst v63  }
0xbb: {  	_ =	swait.ge [sflag:s17], $0x3000  }
0xbc: {  	[sflag:s17] =	ssyncset.done $0x0  }
0xbd: {  	s25 =	simm.s32 $0x0;
	[sflag:s17] =	ssyncadd.s32 $0xFFFFD000  }
0xbe: {  	[tilespmem:s19], [sflag:$0x1] =	stream.linear.gather [hbm4b:s8+s25], $0xA000, $0x38;
	[tilespmem:$0x17C00] =	vst v63  }
0xbf: {  	_ =	swait.ge [sflag:s17], $0xA000  }
0xc0: {  	s26 =	sadd.s32 $0x0, s7;
	[sflag:s17] =	ssyncset.done $0x0  }
0xc1: {  	v1 =	vmov s26;
	[sflag:s17] =	ssyncadd.s32 $0xFFFF6000  }
0xc2: {  	[tilespmem:s20], [sflag:$0x1] =	stream.linear.gather [hbm4b:s9+s25], $0xA000, $0x38;
	[tilespmem:$0x17C00] =	vst v63  }
0xc3: {  	_ =	swait.ge [sflag:s17], $0xA000  }
0xc4: {  	[sflag:s17] =	ssyncset.done $0x0  }
0xc5: {  	[sflag:s17] =	ssyncadd.s32 $0xFFFF6000  }
0xc6: {  	v1 =	vld.idx.msk [tilespmem:v1+s18+$0x0], $0xffff;
	_ =	sdelay $0x4  }
0xc7: {  	vm0 =	vgt.f32 v1, $0.0e+00  }
0xc8: {  	v1 =	vnsel vm0, $0x3F800000, v1  }
0xc9: {  	(erf) = vrcp.f32 v1  }
0xca: {  	s25 =	simm.s32 $0x340  }
0xcb: {  	s26 =	simm.s32 $0xA340;
	v2 =	vld [tilespmem:s25+$0xFFFFFFC0]  }
0xcc: {  	v1 =	vld [tilespmem:s26+$0xFFFFFFC0];
	_ =	sdelay $0x4  }
0xcd: {  	v2 =	vadd.f32 v1, v2  }
0xce: {  	v1 =	vpop (erf)  }
0xcf: {  	v2 =	vmul.f32 v1, v2;
	_ =	sdelay $0x1  }
0xd0: {  	[tilespmem:s25+$0xFFFFFFC0] =	vst v2;
	v2 =	vld [tilespmem:s25+$0xFFFFFFD0]  }
0xd1: {  	v3 =	vld [tilespmem:s26+$0xFFFFFFD0];
	_ =	sdelay $0x4  }
0xd2: {  	v2 =	vadd.f32 v3, v2;
	_ =	sdelay $0x1  }
0xd3: {  	v2 =	vmul.f32 v2, v1;
	_ =	sdelay $0x1  }
0xd4: {  	[tilespmem:s25+$0xFFFFFFD0] =	vst v2;
	v2 =	vld [tilespmem:s25+$0xFFFFFFE0]  }
0xd5: {  	v3 =	vld [tilespmem:s26+$0xFFFFFFE0];
	_ =	sdelay $0x4  }
0xd6: {  	v2 =	vadd.f32 v3, v2;
	_ =	sdelay $0x1  }
0xd7: {  	v2 =	vmul.f32 v2, v1;
	_ =	sdelay $0x1  }
0xd8: {  	[tilespmem:s25+$0xFFFFFFE0] =	vst v2;
	v2 =	vld [tilespmem:s25+$0xFFFFFFF0]  }
0xd9: {  	v3 =	vld [tilespmem:s26+$0xFFFFFFF0];
	_ =	sdelay $0x4  }
0xda: {  	v2 =	vadd.f32 v3, v2;
	_ =	sdelay $0x1  }
0xdb: {  	v2 =	vmul.f32 v2, v1;
	_ =	sdelay $0x1  }
0xdc: {  	[tilespmem:s25+$0xFFFFFFF0] =	vst v2;
	v2 =	vld [tilespmem:s25+$0x0]  }
0xdd: {  	v3 =	vld [tilespmem:s26+$0x0];
	_ =	sdelay $0x4  }
0xde: {  	v2 =	vadd.f32 v3, v2;
	_ =	sdelay $0x1  }
0xdf: {  	v2 =	vmul.f32 v2, v1;
	_ =	sdelay $0x1  }
0xe0: {  	[tilespmem:s25+$0x0] =	vst v2;
	v2 =	vld [tilespmem:s25+$0x10]  }
0xe1: {  	v3 =	vld [tilespmem:s26+$0x10];
	_ =	sdelay $0x4  }
0xe2: {  	v2 =	vadd.f32 v3, v2;
	_ =	sdelay $0x1  }
0xe3: {  	v2 =	vmul.f32 v2, v1;
	_ =	sdelay $0x1  }
0xe4: {  	[tilespmem:s25+$0x10] =	vst v2;
	v2 =	vld [tilespmem:s25+$0x20]  }
0xe5: {  	v3 =	vld [tilespmem:s26+$0x20];
	_ =	sdelay $0x4  }
0xe6: {  	v2 =	vadd.f32 v3, v2;
	_ =	sdelay $0x1  }
0xe7: {  	v2 =	vmul.f32 v2, v1;
	_ =	sdelay $0x1  }
0xe8: {  	[tilespmem:s25+$0x20] =	vst v2;
	v2 =	vld [tilespmem:s25+$0x30]  }
0xe9: {  	v3 =	vld [tilespmem:s26+$0x30];
	_ =	sdelay $0x3  }
0xea: {  	s29 =	sadd.s32 $0x1, s7;
	s28 =	simm.s32 $0x2  }
.LBB2_6:
0xeb: {  	p0 =	sne.s32 s28, $0x13F;
	v4 =	vmov s29;
	v2 =	vadd.f32 v3, v2;
	_ =	sdelay $0x1  }
0xec: {  	v1 =	vmul.f32 v2, v1;
	_ =	sdelay $0x1  }
0xed: {  	[tilespmem:s25+$0x30] =	vst v1  }
0xee: {  	s26 =	sadd.s32 $0x80, s26;
	v1 =	vld.idx.msk [tilespmem:v4+s18+$0x0], $0xffff  }
0xef: {  	v2 =	vld [tilespmem:s26+$0xFFFFFFC0];
	_ =	sdelay $0x4  }
0xf0: {  	vm0 =	vgt.f32 v1, $0.0e+00  }
0xf1: {  	v1 =	vnsel vm0, $0x3F800000, v1  }
0xf2: {  	(erf) = vrcp.f32 v1;
	_ =	sdelay $0x1  }
0xf3: {  	s25 =	sadd.s32 $0x80, s25  }
0xf4: {  	v1 =	vld [tilespmem:s25+$0xFFFFFFC0];
	_ =	sdelay $0x4  }
0xf5: {  	v2 =	vadd.f32 v2, v1  }
0xf6: {  	v1 =	vpop (erf)  }
0xf7: {  	v2 =	vmul.f32 v1, v2;
	_ =	sdelay $0x1  }
0xf8: {  	[tilespmem:s25+$0xFFFFFFC0] =	vst v2;
	v2 =	vld [tilespmem:s25+$0xFFFFFFD0]  }
0xf9: {  	v3 =	vld [tilespmem:s26+$0xFFFFFFD0];
	_ =	sdelay $0x4  }
0xfa: {  	v2 =	vadd.f32 v3, v2;
	_ =	sdelay $0x1  }
0xfb: {  	v2 =	vmul.f32 v2, v1;
	_ =	sdelay $0x1  }
0xfc: {  	[tilespmem:s25+$0xFFFFFFD0] =	vst v2;
	v2 =	vld [tilespmem:s25+$0xFFFFFFE0]  }
0xfd: {  	v3 =	vld [tilespmem:s26+$0xFFFFFFE0];
	_ =	sdelay $0x4  }
0xfe: {  	v2 =	vadd.f32 v3, v2;
	_ =	sdelay $0x1  }
0xff: {  	v2 =	vmul.f32 v2, v1;
	_ =	sdelay $0x1  }
0x100: {  	[tilespmem:s25+$0xFFFFFFE0] =	vst v2;
	v2 =	vld [tilespmem:s25+$0xFFFFFFF0]  }
0x101: {  	v3 =	vld [tilespmem:s26+$0xFFFFFFF0];
	_ =	sdelay $0x4  }
0x102: {  	v2 =	vadd.f32 v3, v2;
	_ =	sdelay $0x1  }
0x103: {  	v2 =	vmul.f32 v2, v1;
	_ =	sdelay $0x1  }
0x104: {  	[tilespmem:s25+$0xFFFFFFF0] =	vst v2;
	v2 =	vld [tilespmem:s25+$0x0]  }
0x105: {  	v3 =	vld [tilespmem:s26+$0x0];
	_ =	sdelay $0x4  }
0x106: {  	v2 =	vadd.f32 v3, v2;
	_ =	sdelay $0x1  }
0x107: {  	v2 =	vmul.f32 v2, v1;
	_ =	sdelay $0x1  }
0x108: {  	[tilespmem:s25+$0x0] =	vst v2;
	v2 =	vld [tilespmem:s25+$0x10]  }
0x109: {  	v3 =	vld [tilespmem:s26+$0x10];
	_ =	sdelay $0x4  }
0x10a: {  	v2 =	vadd.f32 v3, v2;
	_ =	sdelay $0x1  }
0x10b: {  	v2 =	vmul.f32 v2, v1;
	_ =	sdelay $0x1  }
0x10c: {  	[tilespmem:s25+$0x10] =	vst v2;
	v2 =	vld [tilespmem:s25+$0x20]  }
0x10d: {  	v3 =	vld [tilespmem:s26+$0x20];
	_ =	sdelay $0x4  }
0x10e: {  	v2 =	vadd.f32 v3, v2;
	_ =	sdelay $0x1  }
0x10f: {  	v2 =	vmul.f32 v2, v1;
	_ =	sdelay $0x1  }
0x110: {  	[tilespmem:s25+$0x20] =	vst v2;
	v2 =	vld [tilespmem:s25+$0x30]  }
.Ltmp2:
0x111: {  	v3 =	vld [tilespmem:s26+$0x30];
	(pc) =	sbr.rel @p0 .LBB2_6-.Ltmp2, $2  }
0x112: {  	_ =	sdelay $0x2  }
0x113: {  	s29 =	sadd.s32 s7, s28;
	s28 =	sadd.s32 $0x1, s28  }
0x114: {  	v4 =	vmov s29;
	v2 =	vadd.f32 v3, v2;
	_ =	sdelay $0x1  }
0x115: {  	v1 =	vmul.f32 v2, v1;
	_ =	sdelay $0x1  }
0x116: {  	[tilespmem:s25+$0x30] =	vst v1  }
0x117: {  	v1 =	vld.idx.msk [tilespmem:v4+s18+$0x0], $0xffff;
	_ =	sdelay $0x4  }
0x118: {  	vm0 =	vgt.f32 v1, $0.0e+00  }
0x119: {  	v1 =	vnsel vm0, $0x3F800000, v1  }
0x11a: {  	(erf) = vrcp.f32 v1  }
0x11b: {  	s31 =	sadd.s32 $0x80, s25  }
0x11c: {  	s26 =	sadd.s32 $0x80, s26;
	v2 =	vld [tilespmem:s31+$0xFFFFFFC0]  }
0x11d: {  	v1 =	vld [tilespmem:s26+$0xFFFFFFC0];
	_ =	sdelay $0x4  }
0x11e: {  	v1 =	vadd.f32 v1, v2  }
0x11f: {  	v2 =	vpop (erf)  }
0x120: {  	v1 =	vmul.f32 v2, v1;
	_ =	sdelay $0x1  }
0x121: {  	[tilespmem:s31+$0xFFFFFFC0] =	vst v1;
	v1 =	vld [tilespmem:s31+$0xFFFFFFD0]  }
0x122: {  	v3 =	vld [tilespmem:s26+$0xFFFFFFD0];
	_ =	sdelay $0x4  }
0x123: {  	v1 =	vadd.f32 v3, v1;
	_ =	sdelay $0x1  }
0x124: {  	v1 =	vmul.f32 v1, v2;
	_ =	sdelay $0x1  }
0x125: {  	[tilespmem:s31+$0xFFFFFFD0] =	vst v1;
	v1 =	vld [tilespmem:s31+$0xFFFFFFE0]  }
0x126: {  	v3 =	vld [tilespmem:s26+$0xFFFFFFE0];
	_ =	sdelay $0x4  }
0x127: {  	v1 =	vadd.f32 v3, v1;
	_ =	sdelay $0x1  }
0x128: {  	v1 =	vmul.f32 v1, v2;
	_ =	sdelay $0x1  }
0x129: {  	[tilespmem:s31+$0xFFFFFFE0] =	vst v1;
	v1 =	vld [tilespmem:s31+$0xFFFFFFF0]  }
0x12a: {  	v3 =	vld [tilespmem:s26+$0xFFFFFFF0];
	_ =	sdelay $0x4  }
0x12b: {  	v1 =	vadd.f32 v3, v1;
	_ =	sdelay $0x1  }
0x12c: {  	v1 =	vmul.f32 v1, v2;
	_ =	sdelay $0x1  }
0x12d: {  	[tilespmem:s31+$0xFFFFFFF0] =	vst v1;
	v1 =	vld [tilespmem:s31+$0x0]  }
0x12e: {  	v3 =	vld [tilespmem:s26+$0x0];
	_ =	sdelay $0x4  }
0x12f: {  	v1 =	vadd.f32 v3, v1;
	_ =	sdelay $0x1  }
0x130: {  	v1 =	vmul.f32 v1, v2;
	_ =	sdelay $0x1  }
0x131: {  	[tilespmem:s31+$0x0] =	vst v1;
	v1 =	vld [tilespmem:s31+$0x10]  }
0x132: {  	v3 =	vld [tilespmem:s26+$0x10];
	_ =	sdelay $0x4  }
0x133: {  	v1 =	vadd.f32 v3, v1;
	_ =	sdelay $0x1  }
0x134: {  	v1 =	vmul.f32 v1, v2;
	_ =	sdelay $0x1  }
0x135: {  	[tilespmem:s31+$0x10] =	vst v1;
	v1 =	vld [tilespmem:s31+$0x20]  }
0x136: {  	v3 =	vld [tilespmem:s26+$0x20];
	_ =	sdelay $0x4  }
0x137: {  	v1 =	vadd.f32 v3, v1;
	_ =	sdelay $0x1  }
0x138: {  	v1 =	vmul.f32 v1, v2;
	_ =	sdelay $0x1  }
0x139: {  	[tilespmem:s31+$0x20] =	vst v1;
	v1 =	vld [tilespmem:s31+$0x30]  }
0x13a: {  	v3 =	vld [tilespmem:s26+$0x30];
	_ =	sdelay $0x4  }
0x13b: {  	v1 =	vadd.f32 v3, v1;
	_ =	sdelay $0x1  }
0x13c: {  	v1 =	vmul.f32 v1, v2;
	_ =	sdelay $0x1  }
0x13d: {  	s25 =	simm.s32 $0x0;
	[tilespmem:s31+$0x30] =	vst v1  }
0x13e: {  	[hbm4b:s10+s25] =	stream.linear.scatter [tilespmem:s19], [sflag:$0x1], $0xA000, $0x38;
	[tilespmem:$0x17C00] =	vst v63  }
0x13f: {  	_ =	swait.ge [sflag:s17], $0xA000  }
0x140: {  	[sflag:s17] =	ssyncset.done $0x0  }
0x141: {  	[sflag:s17] =	ssyncadd.s32 $0xFFFF6000  }
.LBB2_8:
0x142: {  	s26 =	sadd.s32 s25, s15  }
0x143: {  	[tilespmem:s21], [sflag:$0x1] =	stream.linear.gather [hbm4b:s26+s3], $0x190, $0x38;
	[tilespmem:$0x17C00] =	vst v63  }
0x144: {  	_ =	swait.ge [sflag:s17], $0x190  }
0x145: {  	[sflag:s17] =	ssyncset.done $0x0  }
0x146: {  	s30 =	sadd.s32 s25, s14;
	[sflag:s17] =	ssyncadd.s32 $0xFFFFFE70  }
0x147: {  	[tilespmem:s22], [sflag:$0x1] =	stream.linear.gather [hbm4b:s30+s3], $0x190, $0x38;
	[tilespmem:$0x17C00] =	vst v63  }
0x148: {  	_ =	swait.ge [sflag:s17], $0x190  }
0x149: {  	[sflag:s17] =	ssyncset.done $0x0  }
0x14a: {  	[sflag:s17] =	ssyncadd.s32 $0xFFFFFE70  }
0x14b: {  	v1 =	vld [tilespmem:$0x17800];
	_ =	sdelay $0x7  }
0x14c: {  	v1 =	vld.idx.msk [tilespmem:v1+s18+$0x0], $0xffff;
	_ =	sdelay $0x4  }
0x14d: {  	(erf) = vrcp.f32 v1;
	_ =	sdelay $0x3  }
0x14e: {  	v2 =	vld [tilespmem:$0x17810]  }
0x14f: {  	v1 =	vld [tilespmem:$0x17600];
	_ =	sdelay $0x3  }
0x150: {  	v3 =	vpop (erf)  }
0x151: {  	v1 =	vmul.f32 v3, v1;
	_ =	sdelay $0x1  }
0x152: {  	[tilespmem:$0x17A00] =	vst v1  }
0x153: {  	v1 =	vld.idx.msk [tilespmem:v2+s18+$0x0], $0xffff;
	_ =	sdelay $0x4  }
0x154: {  	(erf) = vrcp.f32 v1;
	_ =	sdelay $0x3  }
0x155: {  	v2 =	vld [tilespmem:$0x17820]  }
0x156: {  	v1 =	vld [tilespmem:$0x17610];
	_ =	sdelay $0x3  }
0x157: {  	v3 =	vpop (erf)  }
0x158: {  	v1 =	vmul.f32 v3, v1;
	_ =	sdelay $0x1  }
0x159: {  	[tilespmem:$0x17A10] =	vst v1  }
0x15a: {  	v1 =	vld.idx.msk [tilespmem:v2+s18+$0x0], $0xffff;
	_ =	sdelay $0x4  }
0x15b: {  	(erf) = vrcp.f32 v1;
	_ =	sdelay $0x3  }
0x15c: {  	v2 =	vld [tilespmem:$0x17830]  }
0x15d: {  	v1 =	vld [tilespmem:$0x17620];
	_ =	sdelay $0x3  }
0x15e: {  	v3 =	vpop (erf)  }
0x15f: {  	v1 =	vmul.f32 v3, v1;
	_ =	sdelay $0x1  }
0x160: {  	[tilespmem:$0x17A20] =	vst v1  }
0x161: {  	v1 =	vld.idx.msk [tilespmem:v2+s18+$0x0], $0xffff;
	_ =	sdelay $0x4  }
0x162: {  	(erf) = vrcp.f32 v1;
	_ =	sdelay $0x3  }
0x163: {  	v2 =	vld [tilespmem:$0x17840]  }
0x164: {  	v1 =	vld [tilespmem:$0x17630];
	_ =	sdelay $0x3  }
0x165: {  	v3 =	vpop (erf)  }
0x166: {  	v1 =	vmul.f32 v3, v1;
	_ =	sdelay $0x1  }
0x167: {  	[tilespmem:$0x17A30] =	vst v1  }
0x168: {  	v1 =	vld.idx.msk [tilespmem:v2+s18+$0x0], $0xffff;
	_ =	sdelay $0x4  }
0x169: {  	(erf) = vrcp.f32 v1;
	_ =	sdelay $0x3  }
0x16a: {  	v2 =	vld [tilespmem:$0x17850]  }
0x16b: {  	v1 =	vld [tilespmem:$0x17640];
	_ =	sdelay $0x3  }
0x16c: {  	v3 =	vpop (erf)  }
0x16d: {  	v1 =	vmul.f32 v3, v1;
	_ =	sdelay $0x1  }
0x16e: {  	[tilespmem:$0x17A40] =	vst v1  }
0x16f: {  	v1 =	vld.idx.msk [tilespmem:v2+s18+$0x0], $0xffff;
	_ =	sdelay $0x4  }
0x170: {  	(erf) = vrcp.f32 v1;
	_ =	sdelay $0x3  }
0x171: {  	v2 =	vld [tilespmem:$0x17860]  }
0x172: {  	v1 =	vld [tilespmem:$0x17650];
	_ =	sdelay $0x3  }
0x173: {  	v3 =	vpop (erf)  }
0x174: {  	v1 =	vmul.f32 v3, v1;
	_ =	sdelay $0x1  }
0x175: {  	[tilespmem:$0x17A50] =	vst v1  }
0x176: {  	v1 =	vld.idx.msk [tilespmem:v2+s18+$0x0], $0xffff;
	_ =	sdelay $0x4  }
0x177: {  	(erf) = vrcp.f32 v1;
	_ =	sdelay $0x3  }
0x178: {  	v2 =	vld [tilespmem:$0x17870]  }
0x179: {  	v1 =	vld [tilespmem:$0x17660];
	_ =	sdelay $0x3  }
0x17a: {  	v3 =	vpop (erf)  }
0x17b: {  	v1 =	vmul.f32 v3, v1;
	_ =	sdelay $0x1  }
0x17c: {  	[tilespmem:$0x17A60] =	vst v1  }
0x17d: {  	v1 =	vld.idx.msk [tilespmem:v2+s18+$0x0], $0xffff;
	_ =	sdelay $0x4  }
0x17e: {  	(erf) = vrcp.f32 v1;
	_ =	sdelay $0x3  }
0x17f: {  	v2 =	vld [tilespmem:$0x17880]  }
0x180: {  	v1 =	vld [tilespmem:$0x17670];
	_ =	sdelay $0x3  }
0x181: {  	v3 =	vpop (erf)  }
0x182: {  	v1 =	vmul.f32 v3, v1;
	_ =	sdelay $0x1  }
0x183: {  	[tilespmem:$0x17A70] =	vst v1  }
0x184: {  	v1 =	vld.idx.msk [tilespmem:v2+s18+$0x0], $0xffff;
	_ =	sdelay $0x4  }
0x185: {  	(erf) = vrcp.f32 v1;
	_ =	sdelay $0x3  }
0x186: {  	v2 =	vld [tilespmem:$0x17890]  }
0x187: {  	v1 =	vld [tilespmem:$0x17680];
	_ =	sdelay $0x3  }
0x188: {  	v3 =	vpop (erf)  }
0x189: {  	v1 =	vmul.f32 v3, v1;
	_ =	sdelay $0x1  }
0x18a: {  	[tilespmem:$0x17A80] =	vst v1  }
0x18b: {  	v1 =	vld.idx.msk [tilespmem:v2+s18+$0x0], $0xffff;
	_ =	sdelay $0x4  }
0x18c: {  	(erf) = vrcp.f32 v1;
	_ =	sdelay $0x3  }
0x18d: {  	v2 =	vld [tilespmem:$0x178A0]  }
0x18e: {  	v1 =	vld [tilespmem:$0x17690];
	_ =	sdelay $0x3  }
0x18f: {  	v3 =	vpop (erf)  }
0x190: {  	v1 =	vmul.f32 v3, v1;
	_ =	sdelay $0x1  }
0x191: {  	[tilespmem:$0x17A90] =	vst v1  }
0x192: {  	v1 =	vld.idx.msk [tilespmem:v2+s18+$0x0], $0xffff;
	_ =	sdelay $0x4  }
0x193: {  	(erf) = vrcp.f32 v1;
	_ =	sdelay $0x3  }
0x194: {  	v2 =	vld [tilespmem:$0x178B0]  }
0x195: {  	v1 =	vld [tilespmem:$0x176A0];
	_ =	sdelay $0x3  }
0x196: {  	v3 =	vpop (erf)  }
0x197: {  	v1 =	vmul.f32 v3, v1;
	_ =	sdelay $0x1  }
0x198: {  	[tilespmem:$0x17AA0] =	vst v1  }
0x199: {  	v1 =	vld.idx.msk [tilespmem:v2+s18+$0x0], $0xffff;
	_ =	sdelay $0x4  }
0x19a: {  	(erf) = vrcp.f32 v1;
	_ =	sdelay $0x3  }
0x19b: {  	v2 =	vld [tilespmem:$0x178C0]  }
0x19c: {  	v1 =	vld [tilespmem:$0x176B0];
	_ =	sdelay $0x3  }
0x19d: {  	v3 =	vpop (erf)  }
0x19e: {  	v1 =	vmul.f32 v3, v1;
	_ =	sdelay $0x1  }
0x19f: {  	[tilespmem:$0x17AB0] =	vst v1  }
0x1a0: {  	v1 =	vld.idx.msk [tilespmem:v2+s18+$0x0], $0xffff;
	_ =	sdelay $0x4  }
0x1a1: {  	(erf) = vrcp.f32 v1;
	_ =	sdelay $0x3  }
0x1a2: {  	v2 =	vld [tilespmem:$0x178D0]  }
0x1a3: {  	v1 =	vld [tilespmem:$0x176C0];
	_ =	sdelay $0x3  }
0x1a4: {  	v3 =	vpop (erf)  }
0x1a5: {  	v1 =	vmul.f32 v3, v1;
	_ =	sdelay $0x1  }
0x1a6: {  	[tilespmem:$0x17AC0] =	vst v1  }
0x1a7: {  	v1 =	vld.idx.msk [tilespmem:v2+s18+$0x0], $0xffff;
	_ =	sdelay $0x4  }
0x1a8: {  	(erf) = vrcp.f32 v1;
	_ =	sdelay $0x3  }
0x1a9: {  	v2 =	vld [tilespmem:$0x178E0]  }
0x1aa: {  	v1 =	vld [tilespmem:$0x176D0];
	_ =	sdelay $0x3  }
0x1ab: {  	v3 =	vpop (erf)  }
0x1ac: {  	v1 =	vmul.f32 v3, v1;
	_ =	sdelay $0x1  }
0x1ad: {  	[tilespmem:$0x17AD0] =	vst v1  }
0x1ae: {  	v1 =	vld.idx.msk [tilespmem:v2+s18+$0x0], $0xffff;
	_ =	sdelay $0x4  }
0x1af: {  	(erf) = vrcp.f32 v1;
	_ =	sdelay $0x3  }
0x1b0: {  	v2 =	vld [tilespmem:$0x178F0]  }
0x1b1: {  	v1 =	vld [tilespmem:$0x176E0];
	_ =	sdelay $0x3  }
0x1b2: {  	v3 =	vpop (erf)  }
0x1b3: {  	v1 =	vmul.f32 v3, v1;
	_ =	sdelay $0x1  }
0x1b4: {  	[tilespmem:$0x17AE0] =	vst v1  }
0x1b5: {  	v1 =	vld.idx.msk [tilespmem:v2+s18+$0x0], $0xffff;
	_ =	sdelay $0x4  }
0x1b6: {  	(erf) = vrcp.f32 v1;
	_ =	sdelay $0x3  }
0x1b7: {  	v2 =	vld [tilespmem:$0x17900]  }
0x1b8: {  	v1 =	vld [tilespmem:$0x176F0];
	_ =	sdelay $0x3  }
0x1b9: {  	v3 =	vpop (erf)  }
0x1ba: {  	v1 =	vmul.f32 v3, v1;
	_ =	sdelay $0x1  }
0x1bb: {  	[tilespmem:$0x17AF0] =	vst v1  }
0x1bc: {  	v1 =	vld.idx.msk [tilespmem:v2+s18+$0x0], $0xffff;
	_ =	sdelay $0x4  }
0x1bd: {  	(erf) = vrcp.f32 v1;
	_ =	sdelay $0x3  }
0x1be: {  	v2 =	vld [tilespmem:$0x17910]  }
0x1bf: {  	v1 =	vld [tilespmem:$0x17700];
	_ =	sdelay $0x3  }
0x1c0: {  	v3 =	vpop (erf)  }
0x1c1: {  	v1 =	vmul.f32 v3, v1;
	_ =	sdelay $0x1  }
0x1c2: {  	[tilespmem:$0x17B00] =	vst v1  }
0x1c3: {  	v1 =	vld.idx.msk [tilespmem:v2+s18+$0x0], $0xffff;
	_ =	sdelay $0x4  }
0x1c4: {  	(erf) = vrcp.f32 v1;
	_ =	sdelay $0x3  }
0x1c5: {  	v2 =	vld [tilespmem:$0x17920]  }
0x1c6: {  	v1 =	vld [tilespmem:$0x17710];
	_ =	sdelay $0x3  }
0x1c7: {  	v3 =	vpop (erf)  }
0x1c8: {  	v1 =	vmul.f32 v3, v1;
	_ =	sdelay $0x1  }
0x1c9: {  	[tilespmem:$0x17B10] =	vst v1  }
0x1ca: {  	v1 =	vld.idx.msk [tilespmem:v2+s18+$0x0], $0xffff;
	_ =	sdelay $0x4  }
0x1cb: {  	(erf) = vrcp.f32 v1;
	_ =	sdelay $0x3  }
0x1cc: {  	v2 =	vld [tilespmem:$0x17930]  }
0x1cd: {  	v1 =	vld [tilespmem:$0x17720];
	_ =	sdelay $0x3  }
0x1ce: {  	v3 =	vpop (erf)  }
0x1cf: {  	v1 =	vmul.f32 v3, v1;
	_ =	sdelay $0x1  }
0x1d0: {  	[tilespmem:$0x17B20] =	vst v1  }
0x1d1: {  	v1 =	vld.idx.msk [tilespmem:v2+s18+$0x0], $0xffff;
	_ =	sdelay $0x4  }
0x1d2: {  	(erf) = vrcp.f32 v1;
	_ =	sdelay $0x3  }
0x1d3: {  	v2 =	vld [tilespmem:$0x17940]  }
0x1d4: {  	v1 =	vld [tilespmem:$0x17730];
	_ =	sdelay $0x3  }
0x1d5: {  	v3 =	vpop (erf)  }
0x1d6: {  	v1 =	vmul.f32 v3, v1;
	_ =	sdelay $0x1  }
0x1d7: {  	[tilespmem:$0x17B30] =	vst v1  }
0x1d8: {  	v1 =	vld.idx.msk [tilespmem:v2+s18+$0x0], $0xffff;
	_ =	sdelay $0x4  }
0x1d9: {  	(erf) = vrcp.f32 v1;
	_ =	sdelay $0x3  }
0x1da: {  	v2 =	vld [tilespmem:$0x17950]  }
0x1db: {  	v1 =	vld [tilespmem:$0x17740];
	_ =	sdelay $0x3  }
0x1dc: {  	v3 =	vpop (erf)  }
0x1dd: {  	v1 =	vmul.f32 v3, v1;
	_ =	sdelay $0x1  }
0x1de: {  	[tilespmem:$0x17B40] =	vst v1  }
0x1df: {  	v1 =	vld.idx.msk [tilespmem:v2+s18+$0x0], $0xffff;
	_ =	sdelay $0x4  }
0x1e0: {  	(erf) = vrcp.f32 v1;
	_ =	sdelay $0x3  }
0x1e1: {  	v2 =	vld [tilespmem:$0x17960]  }
0x1e2: {  	v1 =	vld [tilespmem:$0x17750];
	_ =	sdelay $0x3  }
0x1e3: {  	v3 =	vpop (erf)  }
0x1e4: {  	v1 =	vmul.f32 v3, v1;
	_ =	sdelay $0x1  }
0x1e5: {  	[tilespmem:$0x17B50] =	vst v1  }
0x1e6: {  	v1 =	vld.idx.msk [tilespmem:v2+s18+$0x0], $0xffff;
	_ =	sdelay $0x4  }
0x1e7: {  	(erf) = vrcp.f32 v1;
	_ =	sdelay $0x3  }
0x1e8: {  	v2 =	vld [tilespmem:$0x17970]  }
0x1e9: {  	v1 =	vld [tilespmem:$0x17760];
	_ =	sdelay $0x3  }
0x1ea: {  	v3 =	vpop (erf)  }
0x1eb: {  	v1 =	vmul.f32 v3, v1;
	_ =	sdelay $0x1  }
0x1ec: {  	[tilespmem:$0x17B60] =	vst v1  }
0x1ed: {  	v1 =	vld.idx.msk [tilespmem:v2+s18+$0x0], $0xffff;
	_ =	sdelay $0x4  }
0x1ee: {  	(erf) = vrcp.f32 v1;
	_ =	sdelay $0x3  }
0x1ef: {  	v2 =	vld [tilespmem:$0x17980]  }
0x1f0: {  	v1 =	vld [tilespmem:$0x17770];
	_ =	sdelay $0x3  }
0x1f1: {  	v3 =	vpop (erf)  }
0x1f2: {  	v1 =	vmul.f32 v3, v1;
	_ =	sdelay $0x1  }
0x1f3: {  	[tilespmem:$0x17B70] =	vst v1  }
0x1f4: {  	v1 =	vld.idx.msk [tilespmem:v2+s18+$0x0], $0xffff;
	_ =	sdelay $0x4  }
0x1f5: {  	(erf) = vrcp.f32 v1;
	_ =	sdelay $0x4  }
0x1f6: {  	v1 =	vld [tilespmem:$0x17780];
	_ =	sdelay $0x3  }
0x1f7: {  	v2 =	vpop (erf)  }
0x1f8: {  	v1 =	vmul.f32 v2, v1  }
0x1f9: {  	p0 =	sne.s32 s25, $0x4B0  }
.Ltmp3:
0x1fa: {  	s31 =	sadd.s32 s25, s13;
	[tilespmem:$0x17B80] =	vst v1;
	(pc) =	sbr.rel @p0 .LBB2_8-.Ltmp3, $4  }
0x1fb: {  	[hbm4b:s31+s3] =	stream.linear.scatter [tilespmem:s23], [sflag:$0x1], $0x190, $0x38;
	[tilespmem:$0x17C00] =	vst v63  }
0x1fc: {  	_ =	swait.ge [sflag:s17], $0x190  }
0x1fd: {  	[sflag:s17] =	ssyncset.done $0x0  }
0x1fe: {  	s25 =	sadd.s32 $0x32, s25;
	[sflag:s17] =	ssyncadd.s32 $0xFFFFFE70  }
0x1ff: {  	s24 =	sadd.s32 $0x1, s24  }
0x200: {  	p0 =	sne.s32 s24, s11  }
.Ltmp4:
0x201: {  	_ = 	snop;
	(pc) =	sbr.rel @p0 .LBB2_1-.Ltmp4, $1  }
0x202: {  	_ =	sdelay $0x3  }
0x203: {  	_ =	sfence.sel $0x180000  }
0x204: {  	[bflag:$0x0] =	sbarrier.arrive $0xFFFF  }
0x205: {  	p0 =	sne.s32 s2, $0x0;
	_ =	strace $0x9000004A  }
0x206: {  	s0 =	sadd.s32 @!p0 $0x100000, s0;
	[bflag:$0x2] =	sbarrier.arrive $0xFFFF  }
0x207: {  	[sflag:s0] =	ssyncadd.tile.s32 @!p0 $0x1;
	_ =	shalt  }
.Lfunc_end2:
_tile_overlayer_lowered:
.L_overlay_start_2:
0x208: {  	(tag) =	ssettag $0x2  }
0x209: {  	s0 =	rddreg [dreg:$0x0];
	s2 =	stileid.u32  }
0x20a: {  	s1 =	rddreg [dreg:$0x1];
	p0 =	sne.s32 s2, $0x0  }
0x20b: {  	s3 =	rddreg [dreg:$0x2];
	[bflag:$0x3] =	sbarrier.arrive $0xFFFF;
	s2 =	simm.s32 @!p0 $0x1C01  }
0x20c: {  	[timem:s3], [sflag:s2] =	dma.local @!p0 [hbm:s0], s1  }
0x20d: {  	s0 =	simm.s32 @!p0 $0x1  }
0x20e: {  	_ =	swait.ge @!p0 [sflag:s0], s1  }
0x20f: {  	s1 =	ssub.s32 @!p0 $0x0, s1;
	[sflag:s0] =	ssyncset.done @!p0 $0x0  }
0x210: {  	[sflag:s0] =	ssyncadd.s32 @!p0 s1  }
0x211: {  	[bflag:$0x3] =	sbarrier.arrive $0xFFFF  }
0x212: {  	_ =	shalt  }

</sc_bundles>
